<compile_context>
chip_gen: v7x
topology: tpu7x:2x2x1
jax: 0.10.2.dev20260603
libtpu: 0.0.44.dev20260713+nightly
codegen_flags: <defaults>
</compile_context>

<pallas_src>
import jax
import jax.numpy as jnp
from jax import lax
from jax.experimental import pallas as pl
from jax.experimental.pallas import tpu as pltpu
from jax.experimental.pallas import tpu_sc as plsc

N = 10000
E = 320000
NFEAT = 128
NHID = 32
NHEADS = 8
NSEM = 2
NMPATTN = 128
NLABEL = 40
ALPHA = 0.2

NCORES = 2
NSUB = 16
LANES = 16
EPT = E // NSUB
CH = 80
NCHUNK = EPT // CH
CW = 160
HHALF = NHEADS // NCORES
FH = HHALF * NHID
NPAD = 10240
ROWS_PT = NPAD // NSUB
NRS = NPAD // 8


def _proj_body(x_ref, w_ref, a_ref, h_ref, s_ref):
    h = jnp.dot(x_ref[...], w_ref[...], preferred_element_type=jnp.float32)
    h_ref[...] = h
    s_ref[...] = jnp.dot(h, a_ref[...], preferred_element_type=jnp.float32)


def _proj(x, wcat, abig):
    bn = 2000
    k = NSEM * NHEADS * NHID
    return pl.pallas_call(
        _proj_body,
        grid=(N // bn,),
        in_specs=[
            pl.BlockSpec((bn, NFEAT), lambda i: (i, 0)),
            pl.BlockSpec((NFEAT, k), lambda i: (0, 0)),
            pl.BlockSpec((k, NSEM * 16), lambda i: (0, 0)),
        ],
        out_specs=[
            pl.BlockSpec((bn, k), lambda i: (i, 0)),
            pl.BlockSpec((bn, NSEM * 16), lambda i: (i, 0)),
        ],
        out_shape=[
            jax.ShapeDtypeStruct((N, k), jnp.float32),
            jax.ShapeDtypeStruct((N, NSEM * 16), jnp.float32),
        ],
    )(x, wcat, abig)


def _vgather(vec, idx):
    dn = lax.GatherDimensionNumbers(
        offset_dims=(), collapsed_slice_dims=(0,), start_index_map=(0,))
    return lax.gather(vec, idx[:, None], dn, slice_sizes=(1,),
                      mode=lax.GatherScatterMode.PROMISE_IN_BOUNDS)



def _f32(x):
    return plsc.bitcast(x, jnp.float32)


def _sc_w_body(row_hbm, col_hbm, stp_hbm, wq_out, idxr, idxc, st_v, wbuf):
    cid = lax.axis_index("c")
    sid = lax.axis_index("s")
    coff = cid * N
    pltpu.sync_copy(stp_hbm.at[pl.ds(cid * N * 8, N * 8)], st_v)
    lane = lax.broadcasted_iota(jnp.int32, (LANES,), 0)
    zero16 = jnp.zeros((LANES,), jnp.float32)
    ebase = sid * EPT

    def _zw(i, c):
        wbuf[i] = zero16
        return c
    lax.fori_loop(0, CW, _zw, 0)

    def _chunk(i, c):
        base = ebase + i * CW
        pltpu.sync_copy(row_hbm.at[pl.ds(base, CW)], idxr)
        pltpu.sync_copy(col_hbm.at[pl.ds(base, CW)], idxc)

        def _grp(j, cc):
            rr = idxr[pl.ds(j * LANES, LANES)]
            cc16 = idxc[pl.ds(j * LANES, LANES)]
            r16 = rr * 8
            c16 = cc16 * 8
            ei = lane + j * LANES
            for t in range(HHALF):
                slv = plsc.load_gather(st_v, [r16 + t])
                dlv = plsc.load_gather(st_v, [c16 + (HHALF + t)])
                xv = slv + dlv
                wv = jnp.exp(-jnp.maximum(xv, ALPHA * xv))
                plsc.store_scatter(wbuf, [ei, jnp.full((LANES,), t, jnp.int32)], wv)
            for t, vals in ((4, cc16 + coff), (5, lax.shift_right_logical(rr, 3)),
                            (6, (rr & 7) * LANES), (7, rr)):
                plsc.store_scatter(wbuf, [ei, jnp.full((LANES,), t, jnp.int32)],
                                   _f32(vals))
            return cc
        lax.fori_loop(0, CW // LANES, _grp, 0)
        pltpu.sync_copy(wbuf, wq_out.at[cid, pl.ds(base, CW)])
        return c
    lax.fori_loop(0, EPT // CW, _chunk, 0)


def _sc_agg_body(row_hbm, col_hbm, wq_hbm, ht_hbm, hp_out, rs_out,
                 idxr, idxca, idxp, idxlb, hrows, wv_v, prod, zb,
                 hpacc, rsacc, sem3, sem4):
    cid = lax.axis_index("c")
    sid = lax.axis_index("s")
    zero16 = jnp.zeros((LANES,), jnp.float32)
    lane = lax.broadcasted_iota(jnp.int32, (LANES,), 0)
    mask4b = lane < HHALF
    mask4f = jnp.where(mask4b, 1.0, 0.0).astype(jnp.float32)
    sel4 = jnp.where(mask4b, lane, 0)
    r0 = sid * ROWS_PT
    r0rs = sid * (NRS // NSUB)

    def _z1(i, c):
        for j in range(FH // LANES):
            zb[i, pl.ds(j * LANES, LANES)] = zero16
        return c
    lax.fori_loop(0, 16, _z1, 0)

    def _zc(b, c):
        pltpu.sync_copy(zb, hpacc.at[r0 + b * LANES + lane])
        return c
    lax.fori_loop(0, ROWS_PT // LANES, _zc, 0)

    def _zr(b, c):
        pltpu.sync_copy(zb, rsacc.at[r0rs + b * LANES + lane])
        return c
    lax.fori_loop(0, NRS // NSUB // LANES, _zr, 0)
    plsc.subcore_barrier()

    coff = cid * N
    ebase = sid * EPT

    def _chunk(i, c):
        base = ebase + i * CH
        c4 = pltpu.async_copy(wq_hbm.at[cid, pl.ds(base, CH)], wv_v, sem4)
        c4.wait()
        for j in range(CH // LANES):
            jj = pl.ds(j * LANES, LANES)
            ei = lane + j * LANES
            idxca[jj] = plsc.bitcast(
                plsc.load_gather(wv_v, [ei, jnp.full((LANES,), 4, jnp.int32)]),
                jnp.int32)
            idxp[jj] = plsc.bitcast(
                plsc.load_gather(wv_v, [ei, jnp.full((LANES,), 5, jnp.int32)]),
                jnp.int32)
            idxlb[jj] = plsc.bitcast(
                plsc.load_gather(wv_v, [ei, jnp.full((LANES,), 6, jnp.int32)]),
                jnp.int32)
            idxr[jj] = plsc.bitcast(
                plsc.load_gather(wv_v, [ei, jnp.full((LANES,), 7, jnp.int32)]),
                jnp.int32)
        c3 = pltpu.async_copy(ht_hbm.at[idxca], hrows, sem3)

        def _zp(e, cc):
            for k in range(FH // LANES):
                prod[e, pl.ds(k * LANES, LANES)] = zero16
            return cc
        lax.fori_loop(0, CH, _zp, 0)

        def _edgew(e, cc):
            ev = jnp.zeros((LANES,), jnp.int32) + e
            w = wv_v[e] * mask4f
            lb = plsc.load_gather(idxlb, [ev])
            plsc.store_scatter(prod, [ev, lb + sel4], w, mask=mask4b)
            return cc
        lax.fori_loop(0, CH, _edgew, 0)
        pltpu.sync_copy(prod, rsacc.at[idxp], add=True)

        c3.wait()

        def _edge(e, cc):
            w = wv_v[e]
            for k in range(FH // LANES):
                hk = hrows[e, pl.ds(k * LANES, LANES)]
                wk = _vgather(w, jnp.full((LANES,), k // 2, jnp.int32))
                prod[e, pl.ds(k * LANES, LANES)] = hk * wk
            return cc
        lax.fori_loop(0, CH, _edge, 0)
        pltpu.sync_copy(prod, hpacc.at[idxr], add=True)
        return c
    lax.fori_loop(0, NCHUNK, _chunk, 0)
    plsc.subcore_barrier()

    def _wo(b, c):
        pltpu.sync_copy(hpacc.at[r0 + b * LANES + lane], zb)
        pltpu.sync_copy(zb, hp_out.at[cid, pl.ds(r0 + b * LANES, LANES)])
        return c
    lax.fori_loop(0, ROWS_PT // LANES, _wo, 0)

    def _wor(b, c):
        pltpu.sync_copy(rsacc.at[r0rs + b * LANES + lane], zb)
        pltpu.sync_copy(zb, rs_out.at[cid, pl.ds(r0rs + b * LANES, LANES)])
        return c
    lax.fori_loop(0, NRS // NSUB // LANES, _wor, 0)


def _sc_w(row, col, stp):
    mesh = plsc.VectorSubcoreMesh(core_axis_name="c", subcore_axis_name="s")
    params = pltpu.CompilerParams(needs_layout_passes=False)
    return pl.kernel(
        _sc_w_body,
        out_type=jax.ShapeDtypeStruct((NCORES, E, LANES), jnp.float32),
        mesh=mesh,
        compiler_params=params,
        scratch_types=[
            pltpu.VMEM((CW,), jnp.int32),
            pltpu.VMEM((CW,), jnp.int32),
            pltpu.VMEM((N * 8,), jnp.float32),
            pltpu.VMEM((CW, LANES), jnp.float32),
        ],
    )(row, col, stp)


def _sc_main(row, col, wq, ht):
    mesh = plsc.VectorSubcoreMesh(core_axis_name="c", subcore_axis_name="s")
    params = pltpu.CompilerParams(needs_layout_passes=False)
    f = pl.kernel(
        _sc_agg_body,
        out_type=[
            jax.ShapeDtypeStruct((NCORES, NPAD, FH), jnp.float32),
            jax.ShapeDtypeStruct((NCORES, NRS, FH), jnp.float32),
        ],
        mesh=mesh,
        compiler_params=params,
        scratch_types=[
            pltpu.VMEM((CH,), jnp.int32),
            pltpu.VMEM((CH,), jnp.int32),
            pltpu.VMEM((CH,), jnp.int32),
            pltpu.VMEM((CH,), jnp.int32),
            pltpu.VMEM((CH, FH), jnp.float32),
            pltpu.VMEM((CH, LANES), jnp.float32),
            pltpu.VMEM((CH, FH), jnp.float32),
            pltpu.VMEM((16, FH), jnp.float32),
            pltpu.VMEM_SHARED((NPAD, FH), jnp.float32),
            pltpu.VMEM_SHARED((NRS, FH), jnp.float32),
            pltpu.SemaphoreType.DMA,
            pltpu.SemaphoreType.DMA,
        ],
    )
    return f(row, col, wq, ht)


def _sc_agg(row, col, stp, ht):
    wq = _sc_w(row, col, stp)
    return _sc_main(row, col, wq, ht)


def _elu(t):
    return jnp.where(t > 0, t, jnp.exp(jnp.minimum(t, 0.0)) - 1.0)


def _epi_body(s0_ref, r0_ref, s1_ref, r1_ref, ws_ref, bs_ref, us_ref, wc_ref,
              o_ref):
    e0 = _elu(s0_ref[...] / (r0_ref[...] + 1e-16))
    e1 = _elu(s1_ref[...] / (r1_ref[...] + 1e-16))
    v0 = jnp.tanh(jnp.dot(e0, ws_ref[...], preferred_element_type=jnp.float32)
                  + bs_ref[...])
    v1 = jnp.tanh(jnp.dot(e1, ws_ref[...], preferred_element_type=jnp.float32)
                  + bs_ref[...])
    u = us_ref[...]
    vu0 = jnp.sum(v0 * u, axis=1, keepdims=True)
    vu1 = jnp.sum(v1 * u, axis=1, keepdims=True)
    m = jnp.maximum(vu0, vu1)
    x0 = jnp.exp(vu0 - m)
    x1 = jnp.exp(vu1 - m)
    inv = 1.0 / (x0 + x1)
    fin = (x0 * inv) * e0 + (x1 * inv) * e1
    logits = jnp.dot(fin, wc_ref[...], preferred_element_type=jnp.float32)
    o_ref[...] = 1.0 / (1.0 + jnp.exp(-logits))


def _epi(s0, rse0, s1, rse1, Ws, bs2, us2, wct):
    bn = 2000
    d = NHEADS * NHID
    return pl.pallas_call(
        _epi_body,
        grid=(N // bn,),
        in_specs=[
            pl.BlockSpec((bn, d), lambda i: (i, 0)),
            pl.BlockSpec((bn, d), lambda i: (i, 0)),
            pl.BlockSpec((bn, d), lambda i: (i, 0)),
            pl.BlockSpec((bn, d), lambda i: (i, 0)),
            pl.BlockSpec((d, NMPATTN), lambda i: (0, 0)),
            pl.BlockSpec((1, NMPATTN), lambda i: (0, 0)),
            pl.BlockSpec((1, NMPATTN), lambda i: (0, 0)),
            pl.BlockSpec((d, NLABEL), lambda i: (0, 0)),
        ],
        out_specs=pl.BlockSpec((bn, NLABEL), lambda i: (i, 0)),
        out_shape=jax.ShapeDtypeStruct((N, NLABEL), jnp.float32),
    )(s0, rse0, s1, rse1, Ws, bs2, us2, wct)


def kernel(x, edge_index0, edge_index1, W, a, Ws, bs, us, Wc):
    k = NSEM * NHEADS * NHID
    wcat = jnp.transpose(W, (2, 0, 1, 3)).reshape(NFEAT, k)
    eye2 = jnp.eye(NSEM, dtype=jnp.float32)
    eye8 = jnp.eye(NHEADS, dtype=jnp.float32)
    a_src = a[:, :, :NHID]
    a_dst = a[:, :, NHID:]
    A_s = jnp.einsum("shj,sk,ht->shjkt", a_src, eye2, eye8)
    A_d = jnp.einsum("shj,sk,ht->shjkt", a_dst, eye2, eye8)
    abig = jnp.concatenate([A_s, A_d], axis=4).reshape(k, NSEM * 16)

    h_both, scores = _proj(x, wcat, abig)

    embs, rses = [], []
    for s, ei in ((0, edge_index0), (1, edge_index1)):
        d = NHEADS * NHID
        ht = (h_both[:, s * d:(s + 1) * d]
              .reshape(N, NCORES, FH).swapaxes(0, 1).reshape(NCORES * N, FH))
        sl = scores[:, s * 16:s * 16 + 8]
        dl = scores[:, s * 16 + 8:s * 16 + 16]
        stp = jnp.stack([
            jnp.concatenate([sl[:, :HHALF], dl[:, :HHALF]], axis=1),
            jnp.concatenate([sl[:, HHALF:], dl[:, HHALF:]], axis=1),
        ]).reshape(NCORES * N * 8)
        hp, rs = _sc_agg(ei[0], ei[1], stp, ht)
        embs.append(hp[:, :N].swapaxes(0, 1).reshape(N, NCORES * FH))
        rsp = rs.reshape(NCORES, NRS, 8, LANES)[:, :, :, :HHALF]
        rsum = (rsp.reshape(NCORES, NPAD, HHALF)[:, :N]
                .swapaxes(0, 1).reshape(N, NHEADS))
        rses.append(jnp.repeat(rsum, NHID, axis=1))

    return _epi(embs[0], rses[0], embs[1], rses[1],
                Ws, bs.reshape(1, NMPATTN), us.reshape(1, NMPATTN), Wc.T)

# --- scband reference (transcript-rebuilt; emitter-appended) ---
"""Pipeline reference for scband-hat-13657996002163 (READ-ONLY COPY).

The authoritative reference and input builder live on the scoring server;
editing this copy changes nothing except your own understanding.
"""

import jax, jax.numpy as jnp
import numpy as np

N = 10000
E = 320000
NFEAT = 128
NHID = 32
NHEADS = 8
NSEM = 2
NMPATTN = 128
NLABEL = 40
ALPHA = 0.2


def setup_inputs(seed: int = 0):
    key = jax.random.key(seed)
    ks = jax.random.split(key, 10)
    x = jax.random.normal(ks[0], (N, NFEAT), dtype=jnp.float32)
    edge_index0 = jax.random.randint(ks[1], (2, E), 0, N, dtype=jnp.int32)
    edge_index1 = jax.random.randint(ks[2], (2, E), 0, N, dtype=jnp.int32)
    W = jax.random.normal(ks[3], (NSEM, NHEADS, NFEAT, NHID), dtype=jnp.float32) * (1.0 / np.sqrt(NFEAT))
    a = jax.random.normal(ks[4], (NSEM, NHEADS, 2 * NHID), dtype=jnp.float32) * (1.0 / np.sqrt(2 * NHID))
    Ws = jax.random.normal(ks[5], (NHID * NHEADS, NMPATTN), dtype=jnp.float32) * (1.0 / np.sqrt(NHID * NHEADS))
    bs = jnp.zeros((NMPATTN,), dtype=jnp.float32)
    us = jax.random.normal(ks[6], (NMPATTN, 1), dtype=jnp.float32) * (1.0 / np.sqrt(NMPATTN))
    Wc = jax.random.normal(ks[7], (NLABEL, NHID * NHEADS), dtype=jnp.float32) * (1.0 / np.sqrt(NHID * NHEADS))
    return {"x": x, "edge_index0": edge_index0, "edge_index1": edge_index1,
            "W": W, "a": a, "Ws": Ws, "bs": bs, "us": us, "Wc": Wc}


def _sp_gat_semantic(x, edge_index, W_s, a_s):
    # Sparse GAT (pyGAT SpGraphAttentionLayer), multi-head with concat=True.
    row = edge_index[0]
    col = edge_index[1]
    head_outs = []
    for hidx in range(NHEADS):
        h = x @ W_s[hidx]                                   # [N, NHID]
        edge_h = jnp.concatenate([h[row], h[col]], axis=1)  # [E, 2*NHID] (gather)
        logits = edge_h @ a_s[hidx]                         # [E]
        edge_e = jnp.exp(-jax.nn.leaky_relu(logits, ALPHA)) # [E]
        rowsum = jax.ops.segment_sum(edge_e, row, num_segments=N)                   # [N]
        h_prime = jax.ops.segment_sum(edge_e[:, None] * h[col], row, num_segments=N)  # [N, NHID] (scatter-add)
        h_prime = h_prime / (rowsum[:, None] + 1e-16)
        head_outs.append(jax.nn.elu(h_prime))
    return jnp.concatenate(head_outs, axis=1)               # [N, NHID*NHEADS]


def reference(x, edge_index0, edge_index1, W, a, Ws, bs, us, Wc):
    # dropout p=0.0 -> identity
    emb0 = _sp_gat_semantic(x, edge_index0, W[0], a[0])
    emb1 = _sp_gat_semantic(x, edge_index1, W[1], a[1])
    multi = jnp.stack([emb0, emb1], axis=1)                  # [N, NSEM, NHID*NHEADS]
    # simpleAttnLayer (HAN semantic attention)
    v = jnp.tanh(multi @ Ws + bs)                            # [N, NSEM, NMPATTN]
    vu = jnp.squeeze(v @ us, -1)                             # [N, NSEM]
    beta = jax.nn.softmax(vu, axis=1)
    final = jnp.sum(beta[..., None] * multi, axis=1)         # [N, NHID*NHEADS]
    out = jax.nn.sigmoid(final @ Wc.T)                       # [N, NLABEL]
    return out

if __name__ == "__main__":
    import jax
    _d = setup_inputs()
    print(jax.jit(kernel)(*tuple(_d.values())))

</pallas_src>

<mosaic_0001>
#map = affine_map<(d0, d1) -> (0)>
#map1 = affine_map<(d0, d1) -> (0, 0, 0)>
module attributes {stable_mosaic.version = 14 : i64} {
  func.func @_sc_w_body(%arg0: i32, %arg1: i32, %arg2: memref<320000xi32, #tpu.memory_space<hbm>>, %arg3: memref<320000xi32, #tpu.memory_space<hbm>>, %arg4: memref<160000xf32, #tpu.memory_space<hbm>>, %arg5: memref<2x320000x16xf32, #tpu.memory_space<hbm>>, %arg6: memref<160xi32, #tpu.memory_space<vmem>>, %arg7: memref<160xi32, #tpu.memory_space<vmem>>, %arg8: memref<80000xf32, #tpu.memory_space<vmem>>, %arg9: memref<160x16xf32, #tpu.memory_space<vmem>>) attributes {dimension_semantics = [#tpu.dimension_semantics<core_parallel>, #tpu.dimension_semantics<subcore_parallel>], iteration_bounds = array<i64: 2, 16>, scalar_prefetch = 0 : i64, scratch_operands = 4 : i64, tpu.core_type = #tpu.core_type<sc_vector_subcore>, window_params = [{transform_indices = #map}, {transform_indices = #map}, {transform_indices = #map}, {transform_indices = #map1}]} {
    %mul3A = arith.constant 10000 : i32
    %mul3A_0 = arith.muli %arg0, %mul3A : i32
    %mul3A_1 = arith.constant 10000 : i32
    %mul3A_2 = arith.muli %arg0, %mul3A_1 : i32
    %mul3A_3 = arith.constant 8 : i32
    %mul3A_4 = arith.muli %mul3A_2, %mul3A_3 : i32
    "tpu.region"() ({
      %run_scoped3A = tpu.sem_alloc : memref<!tpu.dma_semaphore, #tpu.memory_space<semaphore_mem>>
      %dma_start3A = tpu.memref_slice %arg4[%mul3A_4] : memref<160000xf32, #tpu.memory_space<hbm>> -> memref<80000xf32, #tpu.memory_space<hbm>>
      %dma_start3A_19 = tpu.memref_slice %arg4[%mul3A_4] : memref<160000xf32, #tpu.memory_space<hbm>> -> memref<80000xf32, #tpu.memory_space<hbm>>
      tpu.enqueue_dma source(%dma_start3A_19 : memref<80000xf32, #tpu.memory_space<hbm>>) target(%arg8 : memref<80000xf32, #tpu.memory_space<vmem>>) target_semaphore(%run_scoped3A : memref<!tpu.dma_semaphore, #tpu.memory_space<semaphore_mem>>)
      %dma_wait3A = tpu.memref_slice %arg4[%mul3A_4] : memref<160000xf32, #tpu.memory_space<hbm>> -> memref<80000xf32, #tpu.memory_space<hbm>>
      %dma_wait3A_20 = tpu.memref_slice %arg4[%mul3A_4] : memref<160000xf32, #tpu.memory_space<hbm>> -> memref<80000xf32, #tpu.memory_space<hbm>>
      tpu.wait_dma2 semaphore(%run_scoped3A : memref<!tpu.dma_semaphore, #tpu.memory_space<semaphore_mem>>) src(%dma_wait3A_20 : memref<80000xf32, #tpu.memory_space<hbm>>) dst(%arg8 : memref<80000xf32, #tpu.memory_space<vmem>>)
      tpu.yield
    }) : () -> ()
    %iota3A = tpu.iota {dimensions = array<i32: 0>} : vector<16xi32>
    %broadcast_in_dim3A = arith.constant 0.000000e+00 : f32
    %broadcast_in_dim3A_5 = vector.broadcast %broadcast_in_dim3A : f32 to vector<16xf32>
    %mul3A_6 = arith.constant 20000 : i32
    %mul3A_7 = arith.muli %arg1, %mul3A_6 : i32
    %scan3A = arith.constant 0 : i32
    %scan3A_8 = arith.constant 0 : i32
    %scan3A_9 = arith.constant 160 : i32
    %scan3A_10 = arith.addi %scan3A_8, %scan3A_9 : i32
    %scan3A_11 = arith.constant 1 : i32
    scf.for %scan3A_19 = %scan3A_8 to %scan3A_10 step %scan3A_11  : i32 {
      %swap3A = arith.index_cast %scan3A_19 : i32 to index
      %swap3A_20 = arith.constant 0 : index
      %swap3A_21 = tpu.vector_load %arg9[%swap3A, %swap3A_20] {strides = array<i32>} : memref<160x16xf32, #tpu.memory_space<vmem>>, vector<16xf32>,
      tpu.vector_store %arg9[%swap3A, %swap3A_20], %broadcast_in_dim3A_5 {strides = array<i32>} : memref<160x16xf32, #tpu.memory_space<vmem>>, vector<16xf32>,
    }
    %scan3A_12 = arith.constant 160 : i32
    %scan3A_13 = arith.constant 0 : i32
    %scan3A_14 = arith.constant 0 : i32
    %scan3A_15 = arith.constant 125 : i32
    %scan3A_16 = arith.addi %scan3A_14, %scan3A_15 : i32
    %scan3A_17 = arith.constant 1 : i32
    scf.for %scan3A_19 = %scan3A_14 to %scan3A_16 step %scan3A_17  : i32 {
      %mul3A_20 = arith.constant 160 : i32
      %mul3A_21 = arith.muli %scan3A_19, %mul3A_20 : i32
      %add3A = arith.addi %mul3A_7, %mul3A_21 : i32
      "tpu.region"() ({
        %run_scoped3A = tpu.sem_alloc : memref<!tpu.dma_semaphore, #tpu.memory_space<semaphore_mem>>
        %dma_start3A = tpu.memref_slice %arg2[%add3A] : memref<320000xi32, #tpu.memory_space<hbm>> -> memref<160xi32, #tpu.memory_space<hbm>>
        %dma_start3A_28 = tpu.memref_slice %arg2[%add3A] : memref<320000xi32, #tpu.memory_space<hbm>> -> memref<160xi32, #tpu.memory_space<hbm>>
        tpu.enqueue_dma source(%dma_start3A_28 : memref<160xi32, #tpu.memory_space<hbm>>) target(%arg6 : memref<160xi32, #tpu.memory_space<vmem>>) target_semaphore(%run_scoped3A : memref<!tpu.dma_semaphore, #tpu.memory_space<semaphore_mem>>)
        %dma_wait3A = tpu.memref_slice %arg2[%add3A] : memref<320000xi32, #tpu.memory_space<hbm>> -> memref<160xi32, #tpu.memory_space<hbm>>
        %dma_wait3A_29 = tpu.memref_slice %arg2[%add3A] : memref<320000xi32, #tpu.memory_space<hbm>> -> memref<160xi32, #tpu.memory_space<hbm>>
        tpu.wait_dma2 semaphore(%run_scoped3A : memref<!tpu.dma_semaphore, #tpu.memory_space<semaphore_mem>>) src(%dma_wait3A_29 : memref<160xi32, #tpu.memory_space<hbm>>) dst(%arg6 : memref<160xi32, #tpu.memory_space<vmem>>)
        tpu.yield
      }) : () -> ()
      "tpu.region"() ({
        %run_scoped3A = tpu.sem_alloc : memref<!tpu.dma_semaphore, #tpu.memory_space<semaphore_mem>>
        %dma_start3A = tpu.memref_slice %arg3[%add3A] : memref<320000xi32, #tpu.memory_space<hbm>> -> memref<160xi32, #tpu.memory_space<hbm>>
        %dma_start3A_28 = tpu.memref_slice %arg3[%add3A] : memref<320000xi32, #tpu.memory_space<hbm>> -> memref<160xi32, #tpu.memory_space<hbm>>
        tpu.enqueue_dma source(%dma_start3A_28 : memref<160xi32, #tpu.memory_space<hbm>>) target(%arg7 : memref<160xi32, #tpu.memory_space<vmem>>) target_semaphore(%run_scoped3A : memref<!tpu.dma_semaphore, #tpu.memory_space<semaphore_mem>>)
        %dma_wait3A = tpu.memref_slice %arg3[%add3A] : memref<320000xi32, #tpu.memory_space<hbm>> -> memref<160xi32, #tpu.memory_space<hbm>>
        %dma_wait3A_29 = tpu.memref_slice %arg3[%add3A] : memref<320000xi32, #tpu.memory_space<hbm>> -> memref<160xi32, #tpu.memory_space<hbm>>
        tpu.wait_dma2 semaphore(%run_scoped3A : memref<!tpu.dma_semaphore, #tpu.memory_space<semaphore_mem>>) src(%dma_wait3A_29 : memref<160xi32, #tpu.memory_space<hbm>>) dst(%arg7 : memref<160xi32, #tpu.memory_space<vmem>>)
        tpu.yield
      }) : () -> ()
      %scan3A_22 = arith.constant 0 : i32
      %scan3A_23 = arith.constant 0 : i32
      %scan3A_24 = arith.constant 10 : i32
      %scan3A_25 = arith.addi %scan3A_23, %scan3A_24 : i32
      %scan3A_26 = arith.constant 1 : i32
      scf.for %scan3A_28 = %scan3A_23 to %scan3A_25 step %scan3A_26  : i32 {
        %mul3A_29 = arith.constant 16 : i32
        %mul3A_30 = arith.muli %scan3A_28, %mul3A_29 : i32
        %get3A = arith.index_cast %mul3A_30 : i32 to index
        %get3A_31 = tpu.vector_load %arg6[%get3A] {strides = array<i32>} : memref<160xi32, #tpu.memory_space<vmem>>, vector<16xi32>,
        %mul3A_32 = arith.constant 16 : i32
        %mul3A_33 = arith.muli %scan3A_28, %mul3A_32 : i32
        %get3A_34 = arith.index_cast %mul3A_33 : i32 to index
        %get3A_35 = tpu.vector_load %arg7[%get3A_34] {strides = array<i32>} : memref<160xi32, #tpu.memory_space<vmem>>, vector<16xi32>,
        %mul3A_36 = arith.constant 8 : i32
        %mul3A_37 = vector.broadcast %mul3A_36 : i32 to vector<16xi32>
        %mul3A_38 = arith.muli %get3A_31, %mul3A_37 : vector<16xi32>
        %mul3A_39 = arith.constant 8 : i32
        %mul3A_40 = vector.broadcast %mul3A_39 : i32 to vector<16xi32>
        %mul3A_41 = arith.muli %get3A_35, %mul3A_40 : vector<16xi32>
        %mul3A_42 = arith.constant 16 : i32
        %mul3A_43 = arith.muli %scan3A_28, %mul3A_42 : i32
        %add3A_44 = vector.broadcast %mul3A_43 : i32 to vector<16xi32>
        %add3A_45 = arith.addi %iota3A, %add3A_44 : vector<16xi32>
        %add3A_46 = arith.constant 0 : i32
        %add3A_47 = vector.broadcast %add3A_46 : i32 to vector<16xi32>
        %add3A_48 = arith.addi %mul3A_38, %add3A_47 : vector<16xi32>
        %gather3A = tpu.vector_load_idx %arg8[%add3A_48] : memref<80000xf32, #tpu.memory_space<vmem>>[vector<16xi32>], vector<16xf32>,
        %add3A_49 = arith.constant 4 : i32
        %add3A_50 = vector.broadcast %add3A_49 : i32 to vector<16xi32>
        %add3A_51 = arith.addi %mul3A_41, %add3A_50 : vector<16xi32>
        %gather3A_52 = tpu.vector_load_idx %arg8[%add3A_51] : memref<80000xf32, #tpu.memory_space<vmem>>[vector<16xi32>], vector<16xf32>,
        %add3A_53 = arith.addf %gather3A, %gather3A_52 : vector<16xf32>
        %mul3A_54 = arith.constant 2.000000e-01 : f32
        %mul3A_55 = vector.broadcast %mul3A_54 : f32 to vector<16xf32>
        %mul3A_56 = arith.mulf %mul3A_55, %add3A_53 : vector<16xf32>
        %max3A = arith.maximumf %add3A_53, %mul3A_56 : vector<16xf32>
        %neg3A = arith.constant 0.000000e+00 : f32
        %neg3A_57 = vector.broadcast %neg3A : f32 to vector<16xf32>
        %neg3A_58 = arith.subf %neg3A_57, %max3A : vector<16xf32>
        %exp3A = math.exp %neg3A_58 : vector<16xf32>
        %broadcast_in_dim3A_59 = arith.constant 0 : i32
        %broadcast_in_dim3A_60 = vector.broadcast %broadcast_in_dim3A_59 : i32 to vector<16xi32>
        tpu.vector_store_idx %arg9[%add3A_45, %broadcast_in_dim3A_60], %exp3A : memref<160x16xf32, #tpu.memory_space<vmem>>[vector<16xi32>, vector<16xi32>], vector<16xf32>,
        %add3A_61 = arith.constant 1 : i32
        %add3A_62 = vector.broadcast %add3A_61 : i32 to vector<16xi32>
        %add3A_63 = arith.addi %mul3A_38, %add3A_62 : vector<16xi32>
        %gather3A_64 = tpu.vector_load_idx %arg8[%add3A_63] : memref<80000xf32, #tpu.memory_space<vmem>>[vector<16xi32>], vector<16xf32>,
        %add3A_65 = arith.constant 5 : i32
        %add3A_66 = vector.broadcast %add3A_65 : i32 to vector<16xi32>
        %add3A_67 = arith.addi %mul3A_41, %add3A_66 : vector<16xi32>
        %gather3A_68 = tpu.vector_load_idx %arg8[%add3A_67] : memref<80000xf32, #tpu.memory_space<vmem>>[vector<16xi32>], vector<16xf32>,
        %add3A_69 = arith.addf %gather3A_64, %gather3A_68 : vector<16xf32>
        %mul3A_70 = arith.constant 2.000000e-01 : f32
        %mul3A_71 = vector.broadcast %mul3A_70 : f32 to vector<16xf32>
        %mul3A_72 = arith.mulf %mul3A_71, %add3A_69 : vector<16xf32>
        %max3A_73 = arith.maximumf %add3A_69, %mul3A_72 : vector<16xf32>
        %neg3A_74 = arith.constant 0.000000e+00 : f32
        %neg3A_75 = vector.broadcast %neg3A_74 : f32 to vector<16xf32>
        %neg3A_76 = arith.subf %neg3A_75, %max3A_73 : vector<16xf32>
        %exp3A_77 = math.exp %neg3A_76 : vector<16xf32>
        %broadcast_in_dim3A_78 = arith.constant 1 : i32
        %broadcast_in_dim3A_79 = vector.broadcast %broadcast_in_dim3A_78 : i32 to vector<16xi32>
        tpu.vector_store_idx %arg9[%add3A_45, %broadcast_in_dim3A_79], %exp3A_77 : memref<160x16xf32, #tpu.memory_space<vmem>>[vector<16xi32>, vector<16xi32>], vector<16xf32>,
        %add3A_80 = arith.constant 2 : i32
        %add3A_81 = vector.broadcast %add3A_80 : i32 to vector<16xi32>
        %add3A_82 = arith.addi %mul3A_38, %add3A_81 : vector<16xi32>
        %gather3A_83 = tpu.vector_load_idx %arg8[%add3A_82] : memref<80000xf32, #tpu.memory_space<vmem>>[vector<16xi32>], vector<16xf32>,
        %add3A_84 = arith.constant 6 : i32
        %add3A_85 = vector.broadcast %add3A_84 : i32 to vector<16xi32>
        %add3A_86 = arith.addi %mul3A_41, %add3A_85 : vector<16xi32>
        %gather3A_87 = tpu.vector_load_idx %arg8[%add3A_86] : memref<80000xf32, #tpu.memory_space<vmem>>[vector<16xi32>], vector<16xf32>,
        %add3A_88 = arith.addf %gather3A_83, %gather3A_87 : vector<16xf32>
        %mul3A_89 = arith.constant 2.000000e-01 : f32
        %mul3A_90 = vector.broadcast %mul3A_89 : f32 to vector<16xf32>
        %mul3A_91 = arith.mulf %mul3A_90, %add3A_88 : vector<16xf32>
        %max3A_92 = arith.maximumf %add3A_88, %mul3A_91 : vector<16xf32>
        %neg3A_93 = arith.constant 0.000000e+00 : f32
        %neg3A_94 = vector.broadcast %neg3A_93 : f32 to vector<16xf32>
        %neg3A_95 = arith.subf %neg3A_94, %max3A_92 : vector<16xf32>
        %exp3A_96 = math.exp %neg3A_95 : vector<16xf32>
        %broadcast_in_dim3A_97 = arith.constant 2 : i32
        %broadcast_in_dim3A_98 = vector.broadcast %broadcast_in_dim3A_97 : i32 to vector<16xi32>
        tpu.vector_store_idx %arg9[%add3A_45, %broadcast_in_dim3A_98], %exp3A_96 : memref<160x16xf32, #tpu.memory_space<vmem>>[vector<16xi32>, vector<16xi32>], vector<16xf32>,
        %add3A_99 = arith.constant 3 : i32
        %add3A_100 = vector.broadcast %add3A_99 : i32 to vector<16xi32>
        %add3A_101 = arith.addi %mul3A_38, %add3A_100 : vector<16xi32>
        %gather3A_102 = tpu.vector_load_idx %arg8[%add3A_101] : memref<80000xf32, #tpu.memory_space<vmem>>[vector<16xi32>], vector<16xf32>,
        %add3A_103 = arith.constant 7 : i32
        %add3A_104 = vector.broadcast %add3A_103 : i32 to vector<16xi32>
        %add3A_105 = arith.addi %mul3A_41, %add3A_104 : vector<16xi32>
        %gather3A_106 = tpu.vector_load_idx %arg8[%add3A_105] : memref<80000xf32, #tpu.memory_space<vmem>>[vector<16xi32>], vector<16xf32>,
        %add3A_107 = arith.addf %gather3A_102, %gather3A_106 : vector<16xf32>
        %mul3A_108 = arith.constant 2.000000e-01 : f32
        %mul3A_109 = vector.broadcast %mul3A_108 : f32 to vector<16xf32>
        %mul3A_110 = arith.mulf %mul3A_109, %add3A_107 : vector<16xf32>
        %max3A_111 = arith.maximumf %add3A_107, %mul3A_110 : vector<16xf32>
        %neg3A_112 = arith.constant 0.000000e+00 : f32
        %neg3A_113 = vector.broadcast %neg3A_112 : f32 to vector<16xf32>
        %neg3A_114 = arith.subf %neg3A_113, %max3A_111 : vector<16xf32>
        %exp3A_115 = math.exp %neg3A_114 : vector<16xf32>
        %broadcast_in_dim3A_116 = arith.constant 3 : i32
        %broadcast_in_dim3A_117 = vector.broadcast %broadcast_in_dim3A_116 : i32 to vector<16xi32>
        tpu.vector_store_idx %arg9[%add3A_45, %broadcast_in_dim3A_117], %exp3A_115 : memref<160x16xf32, #tpu.memory_space<vmem>>[vector<16xi32>, vector<16xi32>], vector<16xf32>,
        %add3A_118 = vector.broadcast %mul3A_0 : i32 to vector<16xi32>
        %add3A_119 = arith.addi %get3A_35, %add3A_118 : vector<16xi32>
        %shift_right_logical3A = arith.constant 3 : i32
        %shift_right_logical3A_120 = vector.broadcast %shift_right_logical3A : i32 to vector<16xi32>
        %shift_right_logical3A_121 = arith.shrui %get3A_31, %shift_right_logical3A_120 : vector<16xi32>
        %and3A = arith.constant 7 : i32
        %and3A_122 = vector.broadcast %and3A : i32 to vector<16xi32>
        %and3A_123 = arith.andi %get3A_31, %and3A_122 : vector<16xi32>
        %mul3A_124 = arith.constant 16 : i32
        %mul3A_125 = vector.broadcast %mul3A_124 : i32 to vector<16xi32>
        %mul3A_126 = arith.muli %and3A_123, %mul3A_125 : vector<16xi32>
        %broadcast_in_dim3A_127 = arith.constant 4 : i32
        %broadcast_in_dim3A_128 = vector.broadcast %broadcast_in_dim3A_127 : i32 to vector<16xi32>
        %bitcast3A = vector.bitcast %add3A_119 : vector<16xi32> to vector<16xf32>
        tpu.vector_store_idx %arg9[%add3A_45, %broadcast_in_dim3A_128], %bitcast3A : memref<160x16xf32, #tpu.memory_space<vmem>>[vector<16xi32>, vector<16xi32>], vector<16xf32>,
        %broadcast_in_dim3A_129 = arith.constant 5 : i32
        %broadcast_in_dim3A_130 = vector.broadcast %broadcast_in_dim3A_129 : i32 to vector<16xi32>
        %bitcast3A_131 = vector.bitcast %shift_right_logical3A_121 : vector<16xi32> to vector<16xf32>
        tpu.vector_store_idx %arg9[%add3A_45, %broadcast_in_dim3A_130], %bitcast3A_131 : memref<160x16xf32, #tpu.memory_space<vmem>>[vector<16xi32>, vector<16xi32>], vector<16xf32>,
        %broadcast_in_dim3A_132 = arith.constant 6 : i32
        %broadcast_in_dim3A_133 = vector.broadcast %broadcast_in_dim3A_132 : i32 to vector<16xi32>
        %bitcast3A_134 = vector.bitcast %mul3A_126 : vector<16xi32> to vector<16xf32>
        tpu.vector_store_idx %arg9[%add3A_45, %broadcast_in_dim3A_133], %bitcast3A_134 : memref<160x16xf32, #tpu.memory_space<vmem>>[vector<16xi32>, vector<16xi32>], vector<16xf32>,
        %broadcast_in_dim3A_135 = arith.constant 7 : i32
        %broadcast_in_dim3A_136 = vector.broadcast %broadcast_in_dim3A_135 : i32 to vector<16xi32>
        %bitcast3A_137 = vector.bitcast %get3A_31 : vector<16xi32> to vector<16xf32>
        tpu.vector_store_idx %arg9[%add3A_45, %broadcast_in_dim3A_136], %bitcast3A_137 : memref<160x16xf32, #tpu.memory_space<vmem>>[vector<16xi32>, vector<16xi32>], vector<16xf32>,
      }
      %scan3A_27 = arith.constant 10 : i32
      "tpu.region"() ({
        %run_scoped3A = tpu.sem_alloc : memref<!tpu.dma_semaphore, #tpu.memory_space<semaphore_mem>>
        %dma_start3A = arith.constant 0 : i32
        %dma_start3A_28 = tpu.memref_slice %arg5[%arg0, %add3A, %dma_start3A] : memref<2x320000x16xf32, #tpu.memory_space<hbm>> -> memref<1x160x16xf32, #tpu.memory_space<hbm>>
        %dma_start3A_29 = tpu.memref_squeeze %dma_start3A_28 : memref<1x160x16xf32, #tpu.memory_space<hbm>> -> memref<160x16xf32, #tpu.memory_space<hbm>>
        %dma_start3A_30 = arith.constant 0 : i32
        %dma_start3A_31 = tpu.memref_slice %arg5[%arg0, %add3A, %dma_start3A_30] : memref<2x320000x16xf32, #tpu.memory_space<hbm>> -> memref<1x160x16xf32, #tpu.memory_space<hbm>>
        %dma_start3A_32 = tpu.memref_squeeze %dma_start3A_31 : memref<1x160x16xf32, #tpu.memory_space<hbm>> -> memref<160x16xf32, #tpu.memory_space<hbm>>
        tpu.enqueue_dma source(%arg9 : memref<160x16xf32, #tpu.memory_space<vmem>>) target(%dma_start3A_32 : memref<160x16xf32, #tpu.memory_space<hbm>>) target_semaphore(%run_scoped3A : memref<!tpu.dma_semaphore, #tpu.memory_space<semaphore_mem>>)
        %dma_wait3A = arith.constant 0 : i32
        %dma_wait3A_33 = tpu.memref_slice %arg5[%arg0, %add3A, %dma_wait3A] : memref<2x320000x16xf32, #tpu.memory_space<hbm>> -> memref<1x160x16xf32, #tpu.memory_space<hbm>>
        %dma_wait3A_34 = tpu.memref_squeeze %dma_wait3A_33 : memref<1x160x16xf32, #tpu.memory_space<hbm>> -> memref<160x16xf32, #tpu.memory_space<hbm>>
        %dma_wait3A_35 = arith.constant 0 : i32
        %dma_wait3A_36 = tpu.memref_slice %arg5[%arg0, %add3A, %dma_wait3A_35] : memref<2x320000x16xf32, #tpu.memory_space<hbm>> -> memref<1x160x16xf32, #tpu.memory_space<hbm>>
        %dma_wait3A_37 = tpu.memref_squeeze %dma_wait3A_36 : memref<1x160x16xf32, #tpu.memory_space<hbm>> -> memref<160x16xf32, #tpu.memory_space<hbm>>
        tpu.wait_dma2 semaphore(%run_scoped3A : memref<!tpu.dma_semaphore, #tpu.memory_space<semaphore_mem>>) src(%arg9 : memref<160x16xf32, #tpu.memory_space<vmem>>) dst(%dma_wait3A_37 : memref<160x16xf32, #tpu.memory_space<hbm>>)
        tpu.yield
      }) : () -> ()
    }
    %scan3A_18 = arith.constant 125 : i32
    return
  }
}

#map = affine_map<(d0, d1) -> (0)>
#map1 = affine_map<(d0, d1) -> (0, 0, 0)>
module attributes {stable_mosaic.version = 14 : i64} {
  func.func @_sc_w_body(%arg0: i32, %arg1: i32, %arg2: memref<320000xi32, #tpu.memory_space<hbm>>, %arg3: memref<320000xi32, #tpu.memory_space<hbm>>, %arg4: memref<160000xf32, #tpu.memory_space<hbm>>, %arg5: memref<2x320000x16xf32, #tpu.memory_space<hbm>>, %arg6: memref<160xi32, #tpu.memory_space<vmem>>, %arg7: memref<160xi32, #tpu.memory_space<vmem>>, %arg8: memref<80000xf32, #tpu.memory_space<vmem>>, %arg9: memref<160x16xf32, #tpu.memory_space<vmem>>) attributes {dimension_semantics = [#tpu.dimension_semantics<core_parallel>, #tpu.dimension_semantics<subcore_parallel>], iteration_bounds = array<i64: 2, 16>, scalar_prefetch = 0 : i64, scratch_operands = 4 : i64, tpu.core_type = #tpu.core_type<sc_vector_subcore>, window_params = [{transform_indices = #map}, {transform_indices = #map}, {transform_indices = #map}, {transform_indices = #map1}]} {
    %mul3A = arith.constant 10000 : i32
    %mul3A_0 = arith.muli %arg0, %mul3A : i32
    %mul3A_1 = arith.constant 10000 : i32
    %mul3A_2 = arith.muli %arg0, %mul3A_1 : i32
    %mul3A_3 = arith.constant 8 : i32
    %mul3A_4 = arith.muli %mul3A_2, %mul3A_3 : i32
    "tpu.region"() ({
      %run_scoped3A = tpu.sem_alloc : memref<!tpu.dma_semaphore, #tpu.memory_space<semaphore_mem>>
      %dma_start3A = tpu.memref_slice %arg4[%mul3A_4] : memref<160000xf32, #tpu.memory_space<hbm>> -> memref<80000xf32, #tpu.memory_space<hbm>>
      %dma_start3A_19 = tpu.memref_slice %arg4[%mul3A_4] : memref<160000xf32, #tpu.memory_space<hbm>> -> memref<80000xf32, #tpu.memory_space<hbm>>
      tpu.enqueue_dma source(%dma_start3A_19 : memref<80000xf32, #tpu.memory_space<hbm>>) target(%arg8 : memref<80000xf32, #tpu.memory_space<vmem>>) target_semaphore(%run_scoped3A : memref<!tpu.dma_semaphore, #tpu.memory_space<semaphore_mem>>)
      %dma_wait3A = tpu.memref_slice %arg4[%mul3A_4] : memref<160000xf32, #tpu.memory_space<hbm>> -> memref<80000xf32, #tpu.memory_space<hbm>>
      %dma_wait3A_20 = tpu.memref_slice %arg4[%mul3A_4] : memref<160000xf32, #tpu.memory_space<hbm>> -> memref<80000xf32, #tpu.memory_space<hbm>>
      tpu.wait_dma2 semaphore(%run_scoped3A : memref<!tpu.dma_semaphore, #tpu.memory_space<semaphore_mem>>) src(%dma_wait3A_20 : memref<80000xf32, #tpu.memory_space<hbm>>) dst(%arg8 : memref<80000xf32, #tpu.memory_space<vmem>>)
      tpu.yield
    }) : () -> ()
    %iota3A = tpu.iota {dimensions = array<i32: 0>} : vector<16xi32>
    %broadcast_in_dim3A = arith.constant 0.000000e+00 : f32
    %broadcast_in_dim3A_5 = vector.broadcast %broadcast_in_dim3A : f32 to vector<16xf32>
    %mul3A_6 = arith.constant 20000 : i32
    %mul3A_7 = arith.muli %arg1, %mul3A_6 : i32
    %scan3A = arith.constant 0 : i32
    %scan3A_8 = arith.constant 0 : i32
    %scan3A_9 = arith.constant 160 : i32
    %scan3A_10 = arith.addi %scan3A_8, %scan3A_9 : i32
    %scan3A_11 = arith.constant 1 : i32
    scf.for %scan3A_19 = %scan3A_8 to %scan3A_10 step %scan3A_11  : i32 {
      %swap3A = arith.index_cast %scan3A_19 : i32 to index
      %swap3A_20 = arith.constant 0 : index
      %swap3A_21 = tpu.vector_load %arg9[%swap3A, %swap3A_20] {strides = array<i32>} : memref<160x16xf32, #tpu.memory_space<vmem>>, vector<16xf32>,
      tpu.vector_store %arg9[%swap3A, %swap3A_20], %broadcast_in_dim3A_5 {strides = array<i32>} : memref<160x16xf32, #tpu.memory_space<vmem>>, vector<16xf32>,
    }
    %scan3A_12 = arith.constant 160 : i32
    %scan3A_13 = arith.constant 0 : i32
    %scan3A_14 = arith.constant 0 : i32
    %scan3A_15 = arith.constant 125 : i32
    %scan3A_16 = arith.addi %scan3A_14, %scan3A_15 : i32
    %scan3A_17 = arith.constant 1 : i32
    scf.for %scan3A_19 = %scan3A_14 to %scan3A_16 step %scan3A_17  : i32 {
      %mul3A_20 = arith.constant 160 : i32
      %mul3A_21 = arith.muli %scan3A_19, %mul3A_20 : i32
      %add3A = arith.addi %mul3A_7, %mul3A_21 : i32
      "tpu.region"() ({
        %run_scoped3A = tpu.sem_alloc : memref<!tpu.dma_semaphore, #tpu.memory_space<semaphore_mem>>
        %dma_start3A = tpu.memref_slice %arg2[%add3A] : memref<320000xi32, #tpu.memory_space<hbm>> -> memref<160xi32, #tpu.memory_space<hbm>>
        %dma_start3A_28 = tpu.memref_slice %arg2[%add3A] : memref<320000xi32, #tpu.memory_space<hbm>> -> memref<160xi32, #tpu.memory_space<hbm>>
        tpu.enqueue_dma source(%dma_start3A_28 : memref<160xi32, #tpu.memory_space<hbm>>) target(%arg6 : memref<160xi32, #tpu.memory_space<vmem>>) target_semaphore(%run_scoped3A : memref<!tpu.dma_semaphore, #tpu.memory_space<semaphore_mem>>)
        %dma_wait3A = tpu.memref_slice %arg2[%add3A] : memref<320000xi32, #tpu.memory_space<hbm>> -> memref<160xi32, #tpu.memory_space<hbm>>
        %dma_wait3A_29 = tpu.memref_slice %arg2[%add3A] : memref<320000xi32, #tpu.memory_space<hbm>> -> memref<160xi32, #tpu.memory_space<hbm>>
        tpu.wait_dma2 semaphore(%run_scoped3A : memref<!tpu.dma_semaphore, #tpu.memory_space<semaphore_mem>>) src(%dma_wait3A_29 : memref<160xi32, #tpu.memory_space<hbm>>) dst(%arg6 : memref<160xi32, #tpu.memory_space<vmem>>)
        tpu.yield
      }) : () -> ()
      "tpu.region"() ({
        %run_scoped3A = tpu.sem_alloc : memref<!tpu.dma_semaphore, #tpu.memory_space<semaphore_mem>>
        %dma_start3A = tpu.memref_slice %arg3[%add3A] : memref<320000xi32, #tpu.memory_space<hbm>> -> memref<160xi32, #tpu.memory_space<hbm>>
        %dma_start3A_28 = tpu.memref_slice %arg3[%add3A] : memref<320000xi32, #tpu.memory_space<hbm>> -> memref<160xi32, #tpu.memory_space<hbm>>
        tpu.enqueue_dma source(%dma_start3A_28 : memref<160xi32, #tpu.memory_space<hbm>>) target(%arg7 : memref<160xi32, #tpu.memory_space<vmem>>) target_semaphore(%run_scoped3A : memref<!tpu.dma_semaphore, #tpu.memory_space<semaphore_mem>>)
        %dma_wait3A = tpu.memref_slice %arg3[%add3A] : memref<320000xi32, #tpu.memory_space<hbm>> -> memref<160xi32, #tpu.memory_space<hbm>>
        %dma_wait3A_29 = tpu.memref_slice %arg3[%add3A] : memref<320000xi32, #tpu.memory_space<hbm>> -> memref<160xi32, #tpu.memory_space<hbm>>
        tpu.wait_dma2 semaphore(%run_scoped3A : memref<!tpu.dma_semaphore, #tpu.memory_space<semaphore_mem>>) src(%dma_wait3A_29 : memref<160xi32, #tpu.memory_space<hbm>>) dst(%arg7 : memref<160xi32, #tpu.memory_space<vmem>>)
        tpu.yield
      }) : () -> ()
      %scan3A_22 = arith.constant 0 : i32
      %scan3A_23 = arith.constant 0 : i32
      %scan3A_24 = arith.constant 10 : i32
      %scan3A_25 = arith.addi %scan3A_23, %scan3A_24 : i32
      %scan3A_26 = arith.constant 1 : i32
      scf.for %scan3A_28 = %scan3A_23 to %scan3A_25 step %scan3A_26  : i32 {
        %mul3A_29 = arith.constant 16 : i32
        %mul3A_30 = arith.muli %scan3A_28, %mul3A_29 : i32
        %get3A = arith.index_cast %mul3A_30 : i32 to index
        %get3A_31 = tpu.vector_load %arg6[%get3A] {strides = array<i32>} : memref<160xi32, #tpu.memory_space<vmem>>, vector<16xi32>,
        %mul3A_32 = arith.constant 16 : i32
        %mul3A_33 = arith.muli %scan3A_28, %mul3A_32 : i32
        %get3A_34 = arith.index_cast %mul3A_33 : i32 to index
        %get3A_35 = tpu.vector_load %arg7[%get3A_34] {strides = array<i32>} : memref<160xi32, #tpu.memory_space<vmem>>, vector<16xi32>,
        %mul3A_36 = arith.constant 8 : i32
        %mul3A_37 = vector.broadcast %mul3A_36 : i32 to vector<16xi32>
        %mul3A_38 = arith.muli %get3A_31, %mul3A_37 : vector<16xi32>
        %mul3A_39 = arith.constant 8 : i32
        %mul3A_40 = vector.broadcast %mul3A_39 : i32 to vector<16xi32>
        %mul3A_41 = arith.muli %get3A_35, %mul3A_40 : vector<16xi32>
        %mul3A_42 = arith.constant 16 : i32
        %mul3A_43 = arith.muli %scan3A_28, %mul3A_42 : i32
        %add3A_44 = vector.broadcast %mul3A_43 : i32 to vector<16xi32>
        %add3A_45 = arith.addi %iota3A, %add3A_44 : vector<16xi32>
        %add3A_46 = arith.constant 0 : i32
        %add3A_47 = vector.broadcast %add3A_46 : i32 to vector<16xi32>
        %add3A_48 = arith.addi %mul3A_38, %add3A_47 : vector<16xi32>
        %gather3A = tpu.vector_load_idx %arg8[%add3A_48] : memref<80000xf32, #tpu.memory_space<vmem>>[vector<16xi32>], vector<16xf32>,
        %add3A_49 = arith.constant 4 : i32
        %add3A_50 = vector.broadcast %add3A_49 : i32 to vector<16xi32>
        %add3A_51 = arith.addi %mul3A_41, %add3A_50 : vector<16xi32>
        %gather3A_52 = tpu.vector_load_idx %arg8[%add3A_51] : memref<80000xf32, #tpu.memory_space<vmem>>[vector<16xi32>], vector<16xf32>,
        %add3A_53 = arith.addf %gather3A, %gather3A_52 : vector<16xf32>
        %mul3A_54 = arith.constant 2.000000e-01 : f32
        %mul3A_55 = vector.broadcast %mul3A_54 : f32 to vector<16xf32>
        %mul3A_56 = arith.mulf %mul3A_55, %add3A_53 : vector<16xf32>
        %max3A = arith.maximumf %add3A_53, %mul3A_56 : vector<16xf32>
        %neg3A = arith.constant 0.000000e+00 : f32
        %neg3A_57 = vector.broadcast %neg3A : f32 to vector<16xf32>
        %neg3A_58 = arith.subf %neg3A_57, %max3A : vector<16xf32>
        %exp3A = math.exp %neg3A_58 : vector<16xf32>
        %broadcast_in_dim3A_59 = arith.constant 0 : i32
        %broadcast_in_dim3A_60 = vector.broadcast %broadcast_in_dim3A_59 : i32 to vector<16xi32>
        tpu.vector_store_idx %arg9[%add3A_45, %broadcast_in_dim3A_60], %exp3A : memref<160x16xf32, #tpu.memory_space<vmem>>[vector<16xi32>, vector<16xi32>], vector<16xf32>,
        %add3A_61 = arith.constant 1 : i32
        %add3A_62 = vector.broadcast %add3A_61 : i32 to vector<16xi32>
        %add3A_63 = arith.addi %mul3A_38, %add3A_62 : vector<16xi32>
        %gather3A_64 = tpu.vector_load_idx %arg8[%add3A_63] : memref<80000xf32, #tpu.memory_space<vmem>>[vector<16xi32>], vector<16xf32>,
        %add3A_65 = arith.constant 5 : i32
        %add3A_66 = vector.broadcast %add3A_65 : i32 to vector<16xi32>
        %add3A_67 = arith.addi %mul3A_41, %add3A_66 : vector<16xi32>
        %gather3A_68 = tpu.vector_load_idx %arg8[%add3A_67] : memref<80000xf32, #tpu.memory_space<vmem>>[vector<16xi32>], vector<16xf32>,
        %add3A_69 = arith.addf %gather3A_64, %gather3A_68 : vector<16xf32>
        %mul3A_70 = arith.constant 2.000000e-01 : f32
        %mul3A_71 = vector.broadcast %mul3A_70 : f32 to vector<16xf32>
        %mul3A_72 = arith.mulf %mul3A_71, %add3A_69 : vector<16xf32>
        %max3A_73 = arith.maximumf %add3A_69, %mul3A_72 : vector<16xf32>
        %neg3A_74 = arith.constant 0.000000e+00 : f32
        %neg3A_75 = vector.broadcast %neg3A_74 : f32 to vector<16xf32>
        %neg3A_76 = arith.subf %neg3A_75, %max3A_73 : vector<16xf32>
        %exp3A_77 = math.exp %neg3A_76 : vector<16xf32>
        %broadcast_in_dim3A_78 = arith.constant 1 : i32
        %broadcast_in_dim3A_79 = vector.broadcast %broadcast_in_dim3A_78 : i32 to vector<16xi32>
        tpu.vector_store_idx %arg9[%add3A_45, %broadcast_in_dim3A_79], %exp3A_77 : memref<160x16xf32, #tpu.memory_space<vmem>>[vector<16xi32>, vector<16xi32>], vector<16xf32>,
        %add3A_80 = arith.constant 2 : i32
        %add3A_81 = vector.broadcast %add3A_80 : i32 to vector<16xi32>
        %add3A_82 = arith.addi %mul3A_38, %add3A_81 : vector<16xi32>
        %gather3A_83 = tpu.vector_load_idx %arg8[%add3A_82] : memref<80000xf32, #tpu.memory_space<vmem>>[vector<16xi32>], vector<16xf32>,
        %add3A_84 = arith.constant 6 : i32
        %add3A_85 = vector.broadcast %add3A_84 : i32 to vector<16xi32>
        %add3A_86 = arith.addi %mul3A_41, %add3A_85 : vector<16xi32>
        %gather3A_87 = tpu.vector_load_idx %arg8[%add3A_86] : memref<80000xf32, #tpu.memory_space<vmem>>[vector<16xi32>], vector<16xf32>,
        %add3A_88 = arith.addf %gather3A_83, %gather3A_87 : vector<16xf32>
        %mul3A_89 = arith.constant 2.000000e-01 : f32
        %mul3A_90 = vector.broadcast %mul3A_89 : f32 to vector<16xf32>
        %mul3A_91 = arith.mulf %mul3A_90, %add3A_88 : vector<16xf32>
        %max3A_92 = arith.maximumf %add3A_88, %mul3A_91 : vector<16xf32>
        %neg3A_93 = arith.constant 0.000000e+00 : f32
        %neg3A_94 = vector.broadcast %neg3A_93 : f32 to vector<16xf32>
        %neg3A_95 = arith.subf %neg3A_94, %max3A_92 : vector<16xf32>
        %exp3A_96 = math.exp %neg3A_95 : vector<16xf32>
        %broadcast_in_dim3A_97 = arith.constant 2 : i32
        %broadcast_in_dim3A_98 = vector.broadcast %broadcast_in_dim3A_97 : i32 to vector<16xi32>
        tpu.vector_store_idx %arg9[%add3A_45, %broadcast_in_dim3A_98], %exp3A_96 : memref<160x16xf32, #tpu.memory_space<vmem>>[vector<16xi32>, vector<16xi32>], vector<16xf32>,
        %add3A_99 = arith.constant 3 : i32
        %add3A_100 = vector.broadcast %add3A_99 : i32 to vector<16xi32>
        %add3A_101 = arith.addi %mul3A_38, %add3A_100 : vector<16xi32>
        %gather3A_102 = tpu.vector_load_idx %arg8[%add3A_101] : memref<80000xf32, #tpu.memory_space<vmem>>[vector<16xi32>], vector<16xf32>,
        %add3A_103 = arith.constant 7 : i32
        %add3A_104 = vector.broadcast %add3A_103 : i32 to vector<16xi32>
        %add3A_105 = arith.addi %mul3A_41, %add3A_104 : vector<16xi32>
        %gather3A_106 = tpu.vector_load_idx %arg8[%add3A_105] : memref<80000xf32, #tpu.memory_space<vmem>>[vector<16xi32>], vector<16xf32>,
        %add3A_107 = arith.addf %gather3A_102, %gather3A_106 : vector<16xf32>
        %mul3A_108 = arith.constant 2.000000e-01 : f32
        %mul3A_109 = vector.broadcast %mul3A_108 : f32 to vector<16xf32>
        %mul3A_110 = arith.mulf %mul3A_109, %add3A_107 : vector<16xf32>
        %max3A_111 = arith.maximumf %add3A_107, %mul3A_110 : vector<16xf32>
        %neg3A_112 = arith.constant 0.000000e+00 : f32
        %neg3A_113 = vector.broadcast %neg3A_112 : f32 to vector<16xf32>
        %neg3A_114 = arith.subf %neg3A_113, %max3A_111 : vector<16xf32>
        %exp3A_115 = math.exp %neg3A_114 : vector<16xf32>
        %broadcast_in_dim3A_116 = arith.constant 3 : i32
        %broadcast_in_dim3A_117 = vector.broadcast %broadcast_in_dim3A_116 : i32 to vector<16xi32>
        tpu.vector_store_idx %arg9[%add3A_45, %broadcast_in_dim3A_117], %exp3A_115 : memref<160x16xf32, #tpu.memory_space<vmem>>[vector<16xi32>, vector<16xi32>], vector<16xf32>,
        %add3A_118 = vector.broadcast %mul3A_0 : i32 to vector<16xi32>
        %add3A_119 = arith.addi %get3A_35, %add3A_118 : vector<16xi32>
        %shift_right_logical3A = arith.constant 3 : i32
        %shift_right_logical3A_120 = vector.broadcast %shift_right_logical3A : i32 to vector<16xi32>
        %shift_right_logical3A_121 = arith.shrui %get3A_31, %shift_right_logical3A_120 : vector<16xi32>
        %and3A = arith.constant 7 : i32
        %and3A_122 = vector.broadcast %and3A : i32 to vector<16xi32>
        %and3A_123 = arith.andi %get3A_31, %and3A_122 : vector<16xi32>
        %mul3A_124 = arith.constant 16 : i32
        %mul3A_125 = vector.broadcast %mul3A_124 : i32 to vector<16xi32>
        %mul3A_126 = arith.muli %and3A_123, %mul3A_125 : vector<16xi32>
        %broadcast_in_dim3A_127 = arith.constant 4 : i32
        %broadcast_in_dim3A_128 = vector.broadcast %broadcast_in_dim3A_127 : i32 to vector<16xi32>
        %bitcast3A = vector.bitcast %add3A_119 : vector<16xi32> to vector<16xf32>
        tpu.vector_store_idx %arg9[%add3A_45, %broadcast_in_dim3A_128], %bitcast3A : memref<160x16xf32, #tpu.memory_space<vmem>>[vector<16xi32>, vector<16xi32>], vector<16xf32>,
        %broadcast_in_dim3A_129 = arith.constant 5 : i32
        %broadcast_in_dim3A_130 = vector.broadcast %broadcast_in_dim3A_129 : i32 to vector<16xi32>
        %bitcast3A_131 = vector.bitcast %shift_right_logical3A_121 : vector<16xi32> to vector<16xf32>
        tpu.vector_store_idx %arg9[%add3A_45, %broadcast_in_dim3A_130], %bitcast3A_131 : memref<160x16xf32, #tpu.memory_space<vmem>>[vector<16xi32>, vector<16xi32>], vector<16xf32>,
        %broadcast_in_dim3A_132 = arith.constant 6 : i32
        %broadcast_in_dim3A_133 = vector.broadcast %broadcast_in_dim3A_132 : i32 to vector<16xi32>
        %bitcast3A_134 = vector.bitcast %mul3A_126 : vector<16xi32> to vector<16xf32>
        tpu.vector_store_idx %arg9[%add3A_45, %broadcast_in_dim3A_133], %bitcast3A_134 : memref<160x16xf32, #tpu.memory_space<vmem>>[vector<16xi32>, vector<16xi32>], vector<16xf32>,
        %broadcast_in_dim3A_135 = arith.constant 7 : i32
        %broadcast_in_dim3A_136 = vector.broadcast %broadcast_in_dim3A_135 : i32 to vector<16xi32>
        %bitcast3A_137 = vector.bitcast %get3A_31 : vector<16xi32> to vector<16xf32>
        tpu.vector_store_idx %arg9[%add3A_45, %broadcast_in_dim3A_136], %bitcast3A_137 : memref<160x16xf32, #tpu.memory_space<vmem>>[vector<16xi32>, vector<16xi32>], vector<16xf32>,
      }
      %scan3A_27 = arith.constant 10 : i32
      "tpu.region"() ({
        %run_scoped3A = tpu.sem_alloc : memref<!tpu.dma_semaphore, #tpu.memory_space<semaphore_mem>>
        %dma_start3A = arith.constant 0 : i32
        %dma_start3A_28 = tpu.memref_slice %arg5[%arg0, %add3A, %dma_start3A] : memref<2x320000x16xf32, #tpu.memory_space<hbm>> -> memref<1x160x16xf32, #tpu.memory_space<hbm>>
        %dma_start3A_29 = tpu.memref_squeeze %dma_start3A_28 : memref<1x160x16xf32, #tpu.memory_space<hbm>> -> memref<160x16xf32, #tpu.memory_space<hbm>>
        %dma_start3A_30 = arith.constant 0 : i32
        %dma_start3A_31 = tpu.memref_slice %arg5[%arg0, %add3A, %dma_start3A_30] : memref<2x320000x16xf32, #tpu.memory_space<hbm>> -> memref<1x160x16xf32, #tpu.memory_space<hbm>>
        %dma_start3A_32 = tpu.memref_squeeze %dma_start3A_31 : memref<1x160x16xf32, #tpu.memory_space<hbm>> -> memref<160x16xf32, #tpu.memory_space<hbm>>
        tpu.enqueue_dma source(%arg9 : memref<160x16xf32, #tpu.memory_space<vmem>>) target(%dma_start3A_32 : memref<160x16xf32, #tpu.memory_space<hbm>>) target_semaphore(%run_scoped3A : memref<!tpu.dma_semaphore, #tpu.memory_space<semaphore_mem>>)
        %dma_wait3A = arith.constant 0 : i32
        %dma_wait3A_33 = tpu.memref_slice %arg5[%arg0, %add3A, %dma_wait3A] : memref<2x320000x16xf32, #tpu.memory_space<hbm>> -> memref<1x160x16xf32, #tpu.memory_space<hbm>>
        %dma_wait3A_34 = tpu.memref_squeeze %dma_wait3A_33 : memref<1x160x16xf32, #tpu.memory_space<hbm>> -> memref<160x16xf32, #tpu.memory_space<hbm>>
        %dma_wait3A_35 = arith.constant 0 : i32
        %dma_wait3A_36 = tpu.memref_slice %arg5[%arg0, %add3A, %dma_wait3A_35] : memref<2x320000x16xf32, #tpu.memory_space<hbm>> -> memref<1x160x16xf32, #tpu.memory_space<hbm>>
        %dma_wait3A_37 = tpu.memref_squeeze %dma_wait3A_36 : memref<1x160x16xf32, #tpu.memory_space<hbm>> -> memref<160x16xf32, #tpu.memory_space<hbm>>
        tpu.wait_dma2 semaphore(%run_scoped3A : memref<!tpu.dma_semaphore, #tpu.memory_space<semaphore_mem>>) src(%arg9 : memref<160x16xf32, #tpu.memory_space<vmem>>) dst(%dma_wait3A_37 : memref<160x16xf32, #tpu.memory_space<hbm>>)
        tpu.yield
      }) : () -> ()
    }
    %scan3A_18 = arith.constant 125 : i32
    return
  }
}

#map = affine_map<(d0, d1) -> (0)>
#map1 = affine_map<(d0, d1) -> (0, 0, 0)>
#map2 = affine_map<(d0, d1) -> (0, 0)>
module attributes {stable_mosaic.version = 14 : i64} {
  func.func @_sc_agg_body(%arg0: i32, %arg1: i32, %arg2: memref<320000xi32, #tpu.memory_space<hbm>>, %arg3: memref<320000xi32, #tpu.memory_space<hbm>>, %arg4: memref<2x320000x16xf32, #tpu.memory_space<hbm>>, %arg5: memref<20000x128xf32, #tpu.memory_space<hbm>>, %arg6: memref<2x10240x128xf32, #tpu.memory_space<hbm>>, %arg7: memref<2x1280x128xf32, #tpu.memory_space<hbm>>, %arg8: memref<80xi32, #tpu.memory_space<vmem>>, %arg9: memref<80xi32, #tpu.memory_space<vmem>>, %arg10: memref<80xi32, #tpu.memory_space<vmem>>, %arg11: memref<80xi32, #tpu.memory_space<vmem>>, %arg12: memref<80x128xf32, #tpu.memory_space<vmem>>, %arg13: memref<80x16xf32, #tpu.memory_space<vmem>>, %arg14: memref<80x128xf32, #tpu.memory_space<vmem>>, %arg15: memref<16x128xf32, #tpu.memory_space<vmem>>, %arg16: memref<10240x128xf32, #tpu.memory_space<vmem_shared>>, %arg17: memref<1280x128xf32, #tpu.memory_space<vmem_shared>>, %arg18: memref<!tpu.dma_semaphore, #tpu.memory_space<semaphore_mem>>, %arg19: memref<!tpu.dma_semaphore, #tpu.memory_space<semaphore_mem>>) attributes {dimension_semantics = [#tpu.dimension_semantics<core_parallel>, #tpu.dimension_semantics<subcore_parallel>], iteration_bounds = array<i64: 2, 16>, scalar_prefetch = 0 : i64, scratch_operands = 12 : i64, tpu.core_type = #tpu.core_type<sc_vector_subcore>, window_params = [{transform_indices = #map}, {transform_indices = #map}, {transform_indices = #map1}, {transform_indices = #map2}, {transform_indices = #map1}, {transform_indices = #map1}]} {
    %broadcast_in_dim3A = arith.constant 0.000000e+00 : f32
    %broadcast_in_dim3A_0 = vector.broadcast %broadcast_in_dim3A : f32 to vector<16xf32>
    %iota3A = tpu.iota {dimensions = array<i32: 0>} : vector<16xi32>
    %lt3A = arith.constant 4 : i32
    %lt3A_1 = vector.broadcast %lt3A : i32 to vector<16xi32>
    %lt3A_2 = arith.cmpi slt, %iota3A, %lt3A_1 : vector<16xi32>
    %jit3A = arith.constant 1.000000e+00 : f32
    %jit3A_3 = arith.constant 0.000000e+00 : f32
    %broadcast_in_dim3A_4 = vector.broadcast %jit3A : f32 to vector<16xf32>
    %broadcast_in_dim3A_5 = vector.broadcast %jit3A_3 : f32 to vector<16xf32>
    %select_n3A = arith.select %lt3A_2, %broadcast_in_dim3A_4, %broadcast_in_dim3A_5 : vector<16xi1>, vector<16xf32>
    %jit3A_6 = arith.constant 0 : i32
    %broadcast_in_dim3A_7 = vector.broadcast %jit3A_6 : i32 to vector<16xi32>
    %select_n3A_8 = arith.select %lt3A_2, %iota3A, %broadcast_in_dim3A_7 : vector<16xi1>, vector<16xi32>
    %mul3A = arith.constant 640 : i32
    %mul3A_9 = arith.muli %arg1, %mul3A : i32
    %mul3A_10 = arith.constant 80 : i32
    %mul3A_11 = arith.muli %arg1, %mul3A_10 : i32
    %scan3A = arith.constant 0 : i32
    %scan3A_12 = arith.constant 0 : i32
    %scan3A_13 = arith.constant 16 : i32
    %scan3A_14 = arith.addi %scan3A_12, %scan3A_13 : i32
    %scan3A_15 = arith.constant 1 : i32
    scf.for %scan3A_52 = %scan3A_12 to %scan3A_14 step %scan3A_15  : i32 {
      %swap3A = arith.index_cast %scan3A_52 : i32 to index
      %swap3A_53 = arith.constant 0 : index
      %swap3A_54 = tpu.vector_load %arg15[%swap3A, %swap3A_53] {strides = array<i32>} : memref<16x128xf32, #tpu.memory_space<vmem>>, vector<16xf32>,
      tpu.vector_store %arg15[%swap3A, %swap3A_53], %broadcast_in_dim3A_0 {strides = array<i32>} : memref<16x128xf32, #tpu.memory_space<vmem>>, vector<16xf32>,
      %swap3A_55 = arith.index_cast %scan3A_52 : i32 to index
      %swap3A_56 = arith.constant 16 : index
      %swap3A_57 = tpu.vector_load %arg15[%swap3A_55, %swap3A_56] {strides = array<i32>} : memref<16x128xf32, #tpu.memory_space<vmem>>, vector<16xf32>,
      tpu.vector_store %arg15[%swap3A_55, %swap3A_56], %broadcast_in_dim3A_0 {strides = array<i32>} : memref<16x128xf32, #tpu.memory_space<vmem>>, vector<16xf32>,
      %swap3A_58 = arith.index_cast %scan3A_52 : i32 to index
      %swap3A_59 = arith.constant 32 : index
      %swap3A_60 = tpu.vector_load %arg15[%swap3A_58, %swap3A_59] {strides = array<i32>} : memref<16x128xf32, #tpu.memory_space<vmem>>, vector<16xf32>,
      tpu.vector_store %arg15[%swap3A_58, %swap3A_59], %broadcast_in_dim3A_0 {strides = array<i32>} : memref<16x128xf32, #tpu.memory_space<vmem>>, vector<16xf32>,
      %swap3A_61 = arith.index_cast %scan3A_52 : i32 to index
      %swap3A_62 = arith.constant 48 : index
      %swap3A_63 = tpu.vector_load %arg15[%swap3A_61, %swap3A_62] {strides = array<i32>} : memref<16x128xf32, #tpu.memory_space<vmem>>, vector<16xf32>,
      tpu.vector_store %arg15[%swap3A_61, %swap3A_62], %broadcast_in_dim3A_0 {strides = array<i32>} : memref<16x128xf32, #tpu.memory_space<vmem>>, vector<16xf32>,
      %swap3A_64 = arith.index_cast %scan3A_52 : i32 to index
      %swap3A_65 = arith.constant 64 : index
      %swap3A_66 = tpu.vector_load %arg15[%swap3A_64, %swap3A_65] {strides = array<i32>} : memref<16x128xf32, #tpu.memory_space<vmem>>, vector<16xf32>,
      tpu.vector_store %arg15[%swap3A_64, %swap3A_65], %broadcast_in_dim3A_0 {strides = array<i32>} : memref<16x128xf32, #tpu.memory_space<vmem>>, vector<16xf32>,
      %swap3A_67 = arith.index_cast %scan3A_52 : i32 to index
      %swap3A_68 = arith.constant 80 : index
      %swap3A_69 = tpu.vector_load %arg15[%swap3A_67, %swap3A_68] {strides = array<i32>} : memref<16x128xf32, #tpu.memory_space<vmem>>, vector<16xf32>,
      tpu.vector_store %arg15[%swap3A_67, %swap3A_68], %broadcast_in_dim3A_0 {strides = array<i32>} : memref<16x128xf32, #tpu.memory_space<vmem>>, vector<16xf32>,
      %swap3A_70 = arith.index_cast %scan3A_52 : i32 to index
      %swap3A_71 = arith.constant 96 : index
      %swap3A_72 = tpu.vector_load %arg15[%swap3A_70, %swap3A_71] {strides = array<i32>} : memref<16x128xf32, #tpu.memory_space<vmem>>, vector<16xf32>,
      tpu.vector_store %arg15[%swap3A_70, %swap3A_71], %broadcast_in_dim3A_0 {strides = array<i32>} : memref<16x128xf32, #tpu.memory_space<vmem>>, vector<16xf32>,
      %swap3A_73 = arith.index_cast %scan3A_52 : i32 to index
      %swap3A_74 = arith.constant 112 : index
      %swap3A_75 = tpu.vector_load %arg15[%swap3A_73, %swap3A_74] {strides = array<i32>} : memref<16x128xf32, #tpu.memory_space<vmem>>, vector<16xf32>,
      tpu.vector_store %arg15[%swap3A_73, %swap3A_74], %broadcast_in_dim3A_0 {strides = array<i32>} : memref<16x128xf32, #tpu.memory_space<vmem>>, vector<16xf32>,
    }
    %scan3A_16 = arith.constant 16 : i32
    %scan3A_17 = arith.constant 0 : i32
    %scan3A_18 = arith.constant 0 : i32
    %scan3A_19 = arith.constant 40 : i32
    %scan3A_20 = arith.addi %scan3A_18, %scan3A_19 : i32
    %scan3A_21 = arith.constant 1 : i32
    scf.for %scan3A_52 = %scan3A_18 to %scan3A_20 step %scan3A_21  : i32 {
      %mul3A_53 = arith.constant 16 : i32
      %mul3A_54 = arith.muli %scan3A_52, %mul3A_53 : i32
      %add3A = arith.addi %mul3A_9, %mul3A_54 : i32
      %add3A_55 = vector.broadcast %add3A : i32 to vector<16xi32>
      %add3A_56 = arith.addi %add3A_55, %iota3A : vector<16xi32>
      "tpu.region"() ({
        %run_scoped3A = tpu.sem_alloc : memref<!tpu.dma_semaphore, #tpu.memory_space<semaphore_mem>>
        %dma_start3A = arith.constant 0 : i32
        %dma_start3A_57 = arith.constant 0 : i32
        %dma_start3A_58 = tpu.memref_slice %arg16[%dma_start3A, %dma_start3A_57] : memref<10240x128xf32, #tpu.memory_space<vmem_shared>> -> memref<10240x128xf32, #tpu.memory_space<vmem_shared>>
        tpu.enqueue_indirect_dma source(%arg15 : memref<16x128xf32, #tpu.memory_space<vmem>>) target(%dma_start3A_58 : memref<10240x128xf32, #tpu.memory_space<vmem_shared>>) offsets(%add3A_56 : vector<16xi32>) semaphore(%run_scoped3A : memref<!tpu.dma_semaphore, #tpu.memory_space<semaphore_mem>>)
        %dma_wait3A = arith.constant 0 : i32
        %dma_wait3A_59 = arith.constant 0 : i32
        %dma_wait3A_60 = tpu.memref_slice %arg16[%dma_wait3A, %dma_wait3A_59] : memref<10240x128xf32, #tpu.memory_space<vmem_shared>> -> memref<10240x128xf32, #tpu.memory_space<vmem_shared>>
        tpu.wait_indirect_dma semaphore(%run_scoped3A : memref<!tpu.dma_semaphore, #tpu.memory_space<semaphore_mem>>) src(%arg15 : memref<16x128xf32, #tpu.memory_space<vmem>>) dst(%dma_wait3A_60 : memref<10240x128xf32, #tpu.memory_space<vmem_shared>>)
        tpu.yield
      }) : () -> ()
    }
    %scan3A_22 = arith.constant 40 : i32
    %scan3A_23 = arith.constant 0 : i32
    %scan3A_24 = arith.constant 0 : i32
    %scan3A_25 = arith.constant 5 : i32
    %scan3A_26 = arith.addi %scan3A_24, %scan3A_25 : i32
    %scan3A_27 = arith.constant 1 : i32
    scf.for %scan3A_52 = %scan3A_24 to %scan3A_26 step %scan3A_27  : i32 {
      %mul3A_53 = arith.constant 16 : i32
      %mul3A_54 = arith.muli %scan3A_52, %mul3A_53 : i32
      %add3A = arith.addi %mul3A_11, %mul3A_54 : i32
      %add3A_55 = vector.broadcast %add3A : i32 to vector<16xi32>
      %add3A_56 = arith.addi %add3A_55, %iota3A : vector<16xi32>
      "tpu.region"() ({
        %run_scoped3A = tpu.sem_alloc : memref<!tpu.dma_semaphore, #tpu.memory_space<semaphore_mem>>
        %dma_start3A = arith.constant 0 : i32
        %dma_start3A_57 = arith.constant 0 : i32
        %dma_start3A_58 = tpu.memref_slice %arg17[%dma_start3A, %dma_start3A_57] : memref<1280x128xf32, #tpu.memory_space<vmem_shared>> -> memref<1280x128xf32, #tpu.memory_space<vmem_shared>>
        tpu.enqueue_indirect_dma source(%arg15 : memref<16x128xf32, #tpu.memory_space<vmem>>) target(%dma_start3A_58 : memref<1280x128xf32, #tpu.memory_space<vmem_shared>>) offsets(%add3A_56 : vector<16xi32>) semaphore(%run_scoped3A : memref<!tpu.dma_semaphore, #tpu.memory_space<semaphore_mem>>)
        %dma_wait3A = arith.constant 0 : i32
        %dma_wait3A_59 = arith.constant 0 : i32
        %dma_wait3A_60 = tpu.memref_slice %arg17[%dma_wait3A, %dma_wait3A_59] : memref<1280x128xf32, #tpu.memory_space<vmem_shared>> -> memref<1280x128xf32, #tpu.memory_space<vmem_shared>>
        tpu.wait_indirect_dma semaphore(%run_scoped3A : memref<!tpu.dma_semaphore, #tpu.memory_space<semaphore_mem>>) src(%arg15 : memref<16x128xf32, #tpu.memory_space<vmem>>) dst(%dma_wait3A_60 : memref<1280x128xf32, #tpu.memory_space<vmem_shared>>)
        tpu.yield
      }) : () -> ()
    }
    %scan3A_28 = arith.constant 5 : i32
    %barrier3A = arith.constant 0 : index
    tpu.barrier barrier_id(%barrier3A)
    %mul3A_29 = arith.constant 10000 : i32
    %mul3A_30 = arith.muli %arg0, %mul3A_29 : i32
    %mul3A_31 = arith.constant 20000 : i32
    %mul3A_32 = arith.muli %arg1, %mul3A_31 : i32
    %scan3A_33 = arith.constant 0 : i32
    %scan3A_34 = arith.constant 0 : i32
    %scan3A_35 = arith.constant 250 : i32
    %scan3A_36 = arith.addi %scan3A_34, %scan3A_35 : i32
    %scan3A_37 = arith.constant 1 : i32
    scf.for %scan3A_52 = %scan3A_34 to %scan3A_36 step %scan3A_37  : i32 {
      %mul3A_53 = arith.constant 80 : i32
      %mul3A_54 = arith.muli %scan3A_52, %mul3A_53 : i32
      %add3A = arith.addi %mul3A_32, %mul3A_54 : i32
      %dma_start3A = arith.constant 0 : i32
      %dma_start3A_55 = tpu.memref_slice %arg4[%arg0, %add3A, %dma_start3A] : memref<2x320000x16xf32, #tpu.memory_space<hbm>> -> memref<1x80x16xf32, #tpu.memory_space<hbm>>
      %dma_start3A_56 = tpu.memref_squeeze %dma_start3A_55 : memref<1x80x16xf32, #tpu.memory_space<hbm>> -> memref<80x16xf32, #tpu.memory_space<hbm>>
      %dma_start3A_57 = arith.constant 0 : i32
      %dma_start3A_58 = tpu.memref_slice %arg4[%arg0, %add3A, %dma_start3A_57] : memref<2x320000x16xf32, #tpu.memory_space<hbm>> -> memref<1x80x16xf32, #tpu.memory_space<hbm>>
      %dma_start3A_59 = tpu.memref_squeeze %dma_start3A_58 : memref<1x80x16xf32, #tpu.memory_space<hbm>> -> memref<80x16xf32, #tpu.memory_space<hbm>>
      tpu.enqueue_dma source(%dma_start3A_59 : memref<80x16xf32, #tpu.memory_space<hbm>>) target(%arg13 : memref<80x16xf32, #tpu.memory_space<vmem>>) target_semaphore(%arg19 : memref<!tpu.dma_semaphore, #tpu.memory_space<semaphore_mem>>)
      %dma_wait3A = arith.constant 0 : i32
      %dma_wait3A_60 = tpu.memref_slice %arg4[%arg0, %add3A, %dma_wait3A] : memref<2x320000x16xf32, #tpu.memory_space<hbm>> -> memref<1x80x16xf32, #tpu.memory_space<hbm>>
      %dma_wait3A_61 = tpu.memref_squeeze %dma_wait3A_60 : memref<1x80x16xf32, #tpu.memory_space<hbm>> -> memref<80x16xf32, #tpu.memory_space<hbm>>
      %dma_wait3A_62 = arith.constant 0 : i32
      %dma_wait3A_63 = tpu.memref_slice %arg4[%arg0, %add3A, %dma_wait3A_62] : memref<2x320000x16xf32, #tpu.memory_space<hbm>> -> memref<1x80x16xf32, #tpu.memory_space<hbm>>
      %dma_wait3A_64 = tpu.memref_squeeze %dma_wait3A_63 : memref<1x80x16xf32, #tpu.memory_space<hbm>> -> memref<80x16xf32, #tpu.memory_space<hbm>>
      tpu.wait_dma2 semaphore(%arg19 : memref<!tpu.dma_semaphore, #tpu.memory_space<semaphore_mem>>) src(%dma_wait3A_64 : memref<80x16xf32, #tpu.memory_space<hbm>>) dst(%arg13 : memref<80x16xf32, #tpu.memory_space<vmem>>)
      %add3A_65 = arith.constant 0 : i32
      %add3A_66 = vector.broadcast %add3A_65 : i32 to vector<16xi32>
      %add3A_67 = arith.addi %iota3A, %add3A_66 : vector<16xi32>
      %broadcast_in_dim3A_68 = arith.constant 4 : i32
      %broadcast_in_dim3A_69 = vector.broadcast %broadcast_in_dim3A_68 : i32 to vector<16xi32>
      %gather3A = tpu.vector_load_idx %arg13[%add3A_67, %broadcast_in_dim3A_69] : memref<80x16xf32, #tpu.memory_space<vmem>>[vector<16xi32>, vector<16xi32>], vector<16xf32>,
      %bitcast3A = vector.bitcast %gather3A : vector<16xf32> to vector<16xi32>
      %swap3A = arith.constant 0 : index
      %swap3A_70 = tpu.vector_load %arg9[%swap3A] {strides = array<i32>} : memref<80xi32, #tpu.memory_space<vmem>>, vector<16xi32>,
      tpu.vector_store %arg9[%swap3A], %bitcast3A {strides = array<i32>} : memref<80xi32, #tpu.memory_space<vmem>>, vector<16xi32>,
      %broadcast_in_dim3A_71 = arith.constant 5 : i32
      %broadcast_in_dim3A_72 = vector.broadcast %broadcast_in_dim3A_71 : i32 to vector<16xi32>
      %gather3A_73 = tpu.vector_load_idx %arg13[%add3A_67, %broadcast_in_dim3A_72] : memref<80x16xf32, #tpu.memory_space<vmem>>[vector<16xi32>, vector<16xi32>], vector<16xf32>,
      %bitcast3A_74 = vector.bitcast %gather3A_73 : vector<16xf32> to vector<16xi32>
      %swap3A_75 = arith.constant 0 : index
      %swap3A_76 = tpu.vector_load %arg10[%swap3A_75] {strides = array<i32>} : memref<80xi32, #tpu.memory_space<vmem>>, vector<16xi32>,
      tpu.vector_store %arg10[%swap3A_75], %bitcast3A_74 {strides = array<i32>} : memref<80xi32, #tpu.memory_space<vmem>>, vector<16xi32>,
      %broadcast_in_dim3A_77 = arith.constant 6 : i32
      %broadcast_in_dim3A_78 = vector.broadcast %broadcast_in_dim3A_77 : i32 to vector<16xi32>
      %gather3A_79 = tpu.vector_load_idx %arg13[%add3A_67, %broadcast_in_dim3A_78] : memref<80x16xf32, #tpu.memory_space<vmem>>[vector<16xi32>, vector<16xi32>], vector<16xf32>,
      %bitcast3A_80 = vector.bitcast %gather3A_79 : vector<16xf32> to vector<16xi32>
      %swap3A_81 = arith.constant 0 : index
      %swap3A_82 = tpu.vector_load %arg11[%swap3A_81] {strides = array<i32>} : memref<80xi32, #tpu.memory_space<vmem>>, vector<16xi32>,
      tpu.vector_store %arg11[%swap3A_81], %bitcast3A_80 {strides = array<i32>} : memref<80xi32, #tpu.memory_space<vmem>>, vector<16xi32>,
      %broadcast_in_dim3A_83 = arith.constant 7 : i32
      %broadcast_in_dim3A_84 = vector.broadcast %broadcast_in_dim3A_83 : i32 to vector<16xi32>
      %gather3A_85 = tpu.vector_load_idx %arg13[%add3A_67, %broadcast_in_dim3A_84] : memref<80x16xf32, #tpu.memory_space<vmem>>[vector<16xi32>, vector<16xi32>], vector<16xf32>,
      %bitcast3A_86 = vector.bitcast %gather3A_85 : vector<16xf32> to vector<16xi32>
      %swap3A_87 = arith.constant 0 : index
      %swap3A_88 = tpu.vector_load %arg8[%swap3A_87] {strides = array<i32>} : memref<80xi32, #tpu.memory_space<vmem>>, vector<16xi32>,
      tpu.vector_store %arg8[%swap3A_87], %bitcast3A_86 {strides = array<i32>} : memref<80xi32, #tpu.memory_space<vmem>>, vector<16xi32>,
      %add3A_89 = arith.constant 16 : i32
      %add3A_90 = vector.broadcast %add3A_89 : i32 to vector<16xi32>
      %add3A_91 = arith.addi %iota3A, %add3A_90 : vector<16xi32>
      %broadcast_in_dim3A_92 = arith.constant 4 : i32
      %broadcast_in_dim3A_93 = vector.broadcast %broadcast_in_dim3A_92 : i32 to vector<16xi32>
      %gather3A_94 = tpu.vector_load_idx %arg13[%add3A_91, %broadcast_in_dim3A_93] : memref<80x16xf32, #tpu.memory_space<vmem>>[vector<16xi32>, vector<16xi32>], vector<16xf32>,
      %bitcast3A_95 = vector.bitcast %gather3A_94 : vector<16xf32> to vector<16xi32>
      %swap3A_96 = arith.constant 16 : index
      %swap3A_97 = tpu.vector_load %arg9[%swap3A_96] {strides = array<i32>} : memref<80xi32, #tpu.memory_space<vmem>>, vector<16xi32>,
      tpu.vector_store %arg9[%swap3A_96], %bitcast3A_95 {strides = array<i32>} : memref<80xi32, #tpu.memory_space<vmem>>, vector<16xi32>,
      %broadcast_in_dim3A_98 = arith.constant 5 : i32
      %broadcast_in_dim3A_99 = vector.broadcast %broadcast_in_dim3A_98 : i32 to vector<16xi32>
      %gather3A_100 = tpu.vector_load_idx %arg13[%add3A_91, %broadcast_in_dim3A_99] : memref<80x16xf32, #tpu.memory_space<vmem>>[vector<16xi32>, vector<16xi32>], vector<16xf32>,
      %bitcast3A_101 = vector.bitcast %gather3A_100 : vector<16xf32> to vector<16xi32>
      %swap3A_102 = arith.constant 16 : index
      %swap3A_103 = tpu.vector_load %arg10[%swap3A_102] {strides = array<i32>} : memref<80xi32, #tpu.memory_space<vmem>>, vector<16xi32>,
      tpu.vector_store %arg10[%swap3A_102], %bitcast3A_101 {strides = array<i32>} : memref<80xi32, #tpu.memory_space<vmem>>, vector<16xi32>,
      %broadcast_in_dim3A_104 = arith.constant 6 : i32
      %broadcast_in_dim3A_105 = vector.broadcast %broadcast_in_dim3A_104 : i32 to vector<16xi32>
      %gather3A_106 = tpu.vector_load_idx %arg13[%add3A_91, %broadcast_in_dim3A_105] : memref<80x16xf32, #tpu.memory_space<vmem>>[vector<16xi32>, vector<16xi32>], vector<16xf32>,
      %bitcast3A_107 = vector.bitcast %gather3A_106 : vector<16xf32> to vector<16xi32>
      %swap3A_108 = arith.constant 16 : index
      %swap3A_109 = tpu.vector_load %arg11[%swap3A_108] {strides = array<i32>} : memref<80xi32, #tpu.memory_space<vmem>>, vector<16xi32>,
      tpu.vector_store %arg11[%swap3A_108], %bitcast3A_107 {strides = array<i32>} : memref<80xi32, #tpu.memory_space<vmem>>, vector<16xi32>,
      %broadcast_in_dim3A_110 = arith.constant 7 : i32
      %broadcast_in_dim3A_111 = vector.broadcast %broadcast_in_dim3A_110 : i32 to vector<16xi32>
      %gather3A_112 = tpu.vector_load_idx %arg13[%add3A_91, %broadcast_in_dim3A_111] : memref<80x16xf32, #tpu.memory_space<vmem>>[vector<16xi32>, vector<16xi32>], vector<16xf32>,
      %bitcast3A_113 = vector.bitcast %gather3A_112 : vector<16xf32> to vector<16xi32>
      %swap3A_114 = arith.constant 16 : index
      %swap3A_115 = tpu.vector_load %arg8[%swap3A_114] {strides = array<i32>} : memref<80xi32, #tpu.memory_space<vmem>>, vector<16xi32>,
      tpu.vector_store %arg8[%swap3A_114], %bitcast3A_113 {strides = array<i32>} : memref<80xi32, #tpu.memory_space<vmem>>, vector<16xi32>,
      %add3A_116 = arith.constant 32 : i32
      %add3A_117 = vector.broadcast %add3A_116 : i32 to vector<16xi32>
      %add3A_118 = arith.addi %iota3A, %add3A_117 : vector<16xi32>
      %broadcast_in_dim3A_119 = arith.constant 4 : i32
      %broadcast_in_dim3A_120 = vector.broadcast %broadcast_in_dim3A_119 : i32 to vector<16xi32>
      %gather3A_121 = tpu.vector_load_idx %arg13[%add3A_118, %broadcast_in_dim3A_120] : memref<80x16xf32, #tpu.memory_space<vmem>>[vector<16xi32>, vector<16xi32>], vector<16xf32>,
      %bitcast3A_122 = vector.bitcast %gather3A_121 : vector<16xf32> to vector<16xi32>
      %swap3A_123 = arith.constant 32 : index
      %swap3A_124 = tpu.vector_load %arg9[%swap3A_123] {strides = array<i32>} : memref<80xi32, #tpu.memory_space<vmem>>, vector<16xi32>,
      tpu.vector_store %arg9[%swap3A_123], %bitcast3A_122 {strides = array<i32>} : memref<80xi32, #tpu.memory_space<vmem>>, vector<16xi32>,
      %broadcast_in_dim3A_125 = arith.constant 5 : i32
      %broadcast_in_dim3A_126 = vector.broadcast %broadcast_in_dim3A_125 : i32 to vector<16xi32>
      %gather3A_127 = tpu.vector_load_idx %arg13[%add3A_118, %broadcast_in_dim3A_126] : memref<80x16xf32, #tpu.memory_space<vmem>>[vector<16xi32>, vector<16xi32>], vector<16xf32>,
      %bitcast3A_128 = vector.bitcast %gather3A_127 : vector<16xf32> to vector<16xi32>
      %swap3A_129 = arith.constant 32 : index
      %swap3A_130 = tpu.vector_load %arg10[%swap3A_129] {strides = array<i32>} : memref<80xi32, #tpu.memory_space<vmem>>, vector<16xi32>,
      tpu.vector_store %arg10[%swap3A_129], %bitcast3A_128 {strides = array<i32>} : memref<80xi32, #tpu.memory_space<vmem>>, vector<16xi32>,
      %broadcast_in_dim3A_131 = arith.constant 6 : i32
      %broadcast_in_dim3A_132 = vector.broadcast %broadcast_in_dim3A_131 : i32 to vector<16xi32>
      %gather3A_133 = tpu.vector_load_idx %arg13[%add3A_118, %broadcast_in_dim3A_132] : memref<80x16xf32, #tpu.memory_space<vmem>>[vector<16xi32>, vector<16xi32>], vector<16xf32>,
      %bitcast3A_134 = vector.bitcast %gather3A_133 : vector<16xf32> to vector<16xi32>
      %swap3A_135 = arith.constant 32 : index
      %swap3A_136 = tpu.vector_load %arg11[%swap3A_135] {strides = array<i32>} : memref<80xi32, #tpu.memory_space<vmem>>, vector<16xi32>,
      tpu.vector_store %arg11[%swap3A_135], %bitcast3A_134 {strides = array<i32>} : memref<80xi32, #tpu.memory_space<vmem>>, vector<16xi32>,
      %broadcast_in_dim3A_137 = arith.constant 7 : i32
      %broadcast_in_dim3A_138 = vector.broadcast %broadcast_in_dim3A_137 : i32 to vector<16xi32>
      %gather3A_139 = tpu.vector_load_idx %arg13[%add3A_118, %broadcast_in_dim3A_138] : memref<80x16xf32, #tpu.memory_space<vmem>>[vector<16xi32>, vector<16xi32>], vector<16xf32>,
      %bitcast3A_140 = vector.bitcast %gather3A_139 : vector<16xf32> to vector<16xi32>
      %swap3A_141 = arith.constant 32 : index
      %swap3A_142 = tpu.vector_load %arg8[%swap3A_141] {strides = array<i32>} : memref<80xi32, #tpu.memory_space<vmem>>, vector<16xi32>,
      tpu.vector_store %arg8[%swap3A_141], %bitcast3A_140 {strides = array<i32>} : memref<80xi32, #tpu.memory_space<vmem>>, vector<16xi32>,
      %add3A_143 = arith.constant 48 : i32
      %add3A_144 = vector.broadcast %add3A_143 : i32 to vector<16xi32>
      %add3A_145 = arith.addi %iota3A, %add3A_144 : vector<16xi32>
      %broadcast_in_dim3A_146 = arith.constant 4 : i32
      %broadcast_in_dim3A_147 = vector.broadcast %broadcast_in_dim3A_146 : i32 to vector<16xi32>
      %gather3A_148 = tpu.vector_load_idx %arg13[%add3A_145, %broadcast_in_dim3A_147] : memref<80x16xf32, #tpu.memory_space<vmem>>[vector<16xi32>, vector<16xi32>], vector<16xf32>,
      %bitcast3A_149 = vector.bitcast %gather3A_148 : vector<16xf32> to vector<16xi32>
      %swap3A_150 = arith.constant 48 : index
      %swap3A_151 = tpu.vector_load %arg9[%swap3A_150] {strides = array<i32>} : memref<80xi32, #tpu.memory_space<vmem>>, vector<16xi32>,
      tpu.vector_store %arg9[%swap3A_150], %bitcast3A_149 {strides = array<i32>} : memref<80xi32, #tpu.memory_space<vmem>>, vector<16xi32>,
      %broadcast_in_dim3A_152 = arith.constant 5 : i32
      %broadcast_in_dim3A_153 = vector.broadcast %broadcast_in_dim3A_152 : i32 to vector<16xi32>
      %gather3A_154 = tpu.vector_load_idx %arg13[%add3A_145, %broadcast_in_dim3A_153] : memref<80x16xf32, #tpu.memory_space<vmem>>[vector<16xi32>, vector<16xi32>], vector<16xf32>,
      %bitcast3A_155 = vector.bitcast %gather3A_154 : vector<16xf32> to vector<16xi32>
      %swap3A_156 = arith.constant 48 : index
      %swap3A_157 = tpu.vector_load %arg10[%swap3A_156] {strides = array<i32>} : memref<80xi32, #tpu.memory_space<vmem>>, vector<16xi32>,
      tpu.vector_store %arg10[%swap3A_156], %bitcast3A_155 {strides = array<i32>} : memref<80xi32, #tpu.memory_space<vmem>>, vector<16xi32>,
      %broadcast_in_dim3A_158 = arith.constant 6 : i32
      %broadcast_in_dim3A_159 = vector.broadcast %broadcast_in_dim3A_158 : i32 to vector<16xi32>
      %gather3A_160 = tpu.vector_load_idx %arg13[%add3A_145, %broadcast_in_dim3A_159] : memref<80x16xf32, #tpu.memory_space<vmem>>[vector<16xi32>, vector<16xi32>], vector<16xf32>,
      %bitcast3A_161 = vector.bitcast %gather3A_160 : vector<16xf32> to vector<16xi32>
      %swap3A_162 = arith.constant 48 : index
      %swap3A_163 = tpu.vector_load %arg11[%swap3A_162] {strides = array<i32>} : memref<80xi32, #tpu.memory_space<vmem>>, vector<16xi32>,
      tpu.vector_store %arg11[%swap3A_162], %bitcast3A_161 {strides = array<i32>} : memref<80xi32, #tpu.memory_space<vmem>>, vector<16xi32>,
      %broadcast_in_dim3A_164 = arith.constant 7 : i32
      %broadcast_in_dim3A_165 = vector.broadcast %broadcast_in_dim3A_164 : i32 to vector<16xi32>
      %gather3A_166 = tpu.vector_load_idx %arg13[%add3A_145, %broadcast_in_dim3A_165] : memref<80x16xf32, #tpu.memory_space<vmem>>[vector<16xi32>, vector<16xi32>], vector<16xf32>,
      %bitcast3A_167 = vector.bitcast %gather3A_166 : vector<16xf32> to vector<16xi32>
      %swap3A_168 = arith.constant 48 : index
      %swap3A_169 = tpu.vector_load %arg8[%swap3A_168] {strides = array<i32>} : memref<80xi32, #tpu.memory_space<vmem>>, vector<16xi32>,
      tpu.vector_store %arg8[%swap3A_168], %bitcast3A_167 {strides = array<i32>} : memref<80xi32, #tpu.memory_space<vmem>>, vector<16xi32>,
      %add3A_170 = arith.constant 64 : i32
      %add3A_171 = vector.broadcast %add3A_170 : i32 to vector<16xi32>
      %add3A_172 = arith.addi %iota3A, %add3A_171 : vector<16xi32>
      %broadcast_in_dim3A_173 = arith.constant 4 : i32
      %broadcast_in_dim3A_174 = vector.broadcast %broadcast_in_dim3A_173 : i32 to vector<16xi32>
      %gather3A_175 = tpu.vector_load_idx %arg13[%add3A_172, %broadcast_in_dim3A_174] : memref<80x16xf32, #tpu.memory_space<vmem>>[vector<16xi32>, vector<16xi32>], vector<16xf32>,
      %bitcast3A_176 = vector.bitcast %gather3A_175 : vector<16xf32> to vector<16xi32>
      %swap3A_177 = arith.constant 64 : index
      %swap3A_178 = tpu.vector_load %arg9[%swap3A_177] {strides = array<i32>} : memref<80xi32, #tpu.memory_space<vmem>>, vector<16xi32>,
      tpu.vector_store %arg9[%swap3A_177], %bitcast3A_176 {strides = array<i32>} : memref<80xi32, #tpu.memory_space<vmem>>, vector<16xi32>,
      %broadcast_in_dim3A_179 = arith.constant 5 : i32
      %broadcast_in_dim3A_180 = vector.broadcast %broadcast_in_dim3A_179 : i32 to vector<16xi32>
      %gather3A_181 = tpu.vector_load_idx %arg13[%add3A_172, %broadcast_in_dim3A_180] : memref<80x16xf32, #tpu.memory_space<vmem>>[vector<16xi32>, vector<16xi32>], vector<16xf32>,
      %bitcast3A_182 = vector.bitcast %gather3A_181 : vector<16xf32> to vector<16xi32>
      %swap3A_183 = arith.constant 64 : index
      %swap3A_184 = tpu.vector_load %arg10[%swap3A_183] {strides = array<i32>} : memref<80xi32, #tpu.memory_space<vmem>>, vector<16xi32>,
      tpu.vector_store %arg10[%swap3A_183], %bitcast3A_182 {strides = array<i32>} : memref<80xi32, #tpu.memory_space<vmem>>, vector<16xi32>,
      %broadcast_in_dim3A_185 = arith.constant 6 : i32
      %broadcast_in_dim3A_186 = vector.broadcast %broadcast_in_dim3A_185 : i32 to vector<16xi32>
      %gather3A_187 = tpu.vector_load_idx %arg13[%add3A_172, %broadcast_in_dim3A_186] : memref<80x16xf32, #tpu.memory_space<vmem>>[vector<16xi32>, vector<16xi32>], vector<16xf32>,
      %bitcast3A_188 = vector.bitcast %gather3A_187 : vector<16xf32> to vector<16xi32>
      %swap3A_189 = arith.constant 64 : index
      %swap3A_190 = tpu.vector_load %arg11[%swap3A_189] {strides = array<i32>} : memref<80xi32, #tpu.memory_space<vmem>>, vector<16xi32>,
      tpu.vector_store %arg11[%swap3A_189], %bitcast3A_188 {strides = array<i32>} : memref<80xi32, #tpu.memory_space<vmem>>, vector<16xi32>,
      %broadcast_in_dim3A_191 = arith.constant 7 : i32
      %broadcast_in_dim3A_192 = vector.broadcast %broadcast_in_dim3A_191 : i32 to vector<16xi32>
      %gather3A_193 = tpu.vector_load_idx %arg13[%add3A_172, %broadcast_in_dim3A_192] : memref<80x16xf32, #tpu.memory_space<vmem>>[vector<16xi32>, vector<16xi32>], vector<16xf32>,
      %bitcast3A_194 = vector.bitcast %gather3A_193 : vector<16xf32> to vector<16xi32>
      %swap3A_195 = arith.constant 64 : index
      %swap3A_196 = tpu.vector_load %arg8[%swap3A_195] {strides = array<i32>} : memref<80xi32, #tpu.memory_space<vmem>>, vector<16xi32>,
      tpu.vector_store %arg8[%swap3A_195], %bitcast3A_194 {strides = array<i32>} : memref<80xi32, #tpu.memory_space<vmem>>, vector<16xi32>,
      %dma_start3A_197 = arith.constant 0 : i32
      %dma_start3A_198 = arith.constant 0 : i32
      %dma_start3A_199 = tpu.memref_slice %arg5[%dma_start3A_197, %dma_start3A_198] : memref<20000x128xf32, #tpu.memory_space<hbm>> -> memref<20000x128xf32, #tpu.memory_space<hbm>>
      tpu.enqueue_indirect_dma source(%dma_start3A_199 : memref<20000x128xf32, #tpu.memory_space<hbm>>) target(%arg12 : memref<80x128xf32, #tpu.memory_space<vmem>>) offsets(%arg9 : memref<80xi32, #tpu.memory_space<vmem>>) semaphore(%arg18 : memref<!tpu.dma_semaphore, #tpu.memory_space<semaphore_mem>>)
      %scan3A_200 = arith.constant 0 : i32
      %scan3A_201 = arith.constant 0 : i32
      %scan3A_202 = arith.constant 80 : i32
      %scan3A_203 = arith.addi %scan3A_201, %scan3A_202 : i32
      %scan3A_204 = arith.constant 1 : i32
      scf.for %scan3A_221 = %scan3A_201 to %scan3A_203 step %scan3A_204  : i32 {
        %swap3A_222 = arith.index_cast %scan3A_221 : i32 to index
        %swap3A_223 = arith.constant 0 : index
        %swap3A_224 = tpu.vector_load %arg14[%swap3A_222, %swap3A_223] {strides = array<i32>} : memref<80x128xf32, #tpu.memory_space<vmem>>, vector<16xf32>,
        tpu.vector_store %arg14[%swap3A_222, %swap3A_223], %broadcast_in_dim3A_0 {strides = array<i32>} : memref<80x128xf32, #tpu.memory_space<vmem>>, vector<16xf32>,
        %swap3A_225 = arith.index_cast %scan3A_221 : i32 to index
        %swap3A_226 = arith.constant 16 : index
        %swap3A_227 = tpu.vector_load %arg14[%swap3A_225, %swap3A_226] {strides = array<i32>} : memref<80x128xf32, #tpu.memory_space<vmem>>, vector<16xf32>,
        tpu.vector_store %arg14[%swap3A_225, %swap3A_226], %broadcast_in_dim3A_0 {strides = array<i32>} : memref<80x128xf32, #tpu.memory_space<vmem>>, vector<16xf32>,
        %swap3A_228 = arith.index_cast %scan3A_221 : i32 to index
        %swap3A_229 = arith.constant 32 : index
        %swap3A_230 = tpu.vector_load %arg14[%swap3A_228, %swap3A_229] {strides = array<i32>} : memref<80x128xf32, #tpu.memory_space<vmem>>, vector<16xf32>,
        tpu.vector_store %arg14[%swap3A_228, %swap3A_229], %broadcast_in_dim3A_0 {strides = array<i32>} : memref<80x128xf32, #tpu.memory_space<vmem>>, vector<16xf32>,
        %swap3A_231 = arith.index_cast %scan3A_221 : i32 to index
        %swap3A_232 = arith.constant 48 : index
        %swap3A_233 = tpu.vector_load %arg14[%swap3A_231, %swap3A_232] {strides = array<i32>} : memref<80x128xf32, #tpu.memory_space<vmem>>, vector<16xf32>,
        tpu.vector_store %arg14[%swap3A_231, %swap3A_232], %broadcast_in_dim3A_0 {strides = array<i32>} : memref<80x128xf32, #tpu.memory_space<vmem>>, vector<16xf32>,
        %swap3A_234 = arith.index_cast %scan3A_221 : i32 to index
        %swap3A_235 = arith.constant 64 : index
        %swap3A_236 = tpu.vector_load %arg14[%swap3A_234, %swap3A_235] {strides = array<i32>} : memref<80x128xf32, #tpu.memory_space<vmem>>, vector<16xf32>,
        tpu.vector_store %arg14[%swap3A_234, %swap3A_235], %broadcast_in_dim3A_0 {strides = array<i32>} : memref<80x128xf32, #tpu.memory_space<vmem>>, vector<16xf32>,
        %swap3A_237 = arith.index_cast %scan3A_221 : i32 to index
        %swap3A_238 = arith.constant 80 : index
        %swap3A_239 = tpu.vector_load %arg14[%swap3A_237, %swap3A_238] {strides = array<i32>} : memref<80x128xf32, #tpu.memory_space<vmem>>, vector<16xf32>,
        tpu.vector_store %arg14[%swap3A_237, %swap3A_238], %broadcast_in_dim3A_0 {strides = array<i32>} : memref<80x128xf32, #tpu.memory_space<vmem>>, vector<16xf32>,
        %swap3A_240 = arith.index_cast %scan3A_221 : i32 to index
        %swap3A_241 = arith.constant 96 : index
        %swap3A_242 = tpu.vector_load %arg14[%swap3A_240, %swap3A_241] {strides = array<i32>} : memref<80x128xf32, #tpu.memory_space<vmem>>, vector<16xf32>,
        tpu.vector_store %arg14[%swap3A_240, %swap3A_241], %broadcast_in_dim3A_0 {strides = array<i32>} : memref<80x128xf32, #tpu.memory_space<vmem>>, vector<16xf32>,
        %swap3A_243 = arith.index_cast %scan3A_221 : i32 to index
        %swap3A_244 = arith.constant 112 : index
        %swap3A_245 = tpu.vector_load %arg14[%swap3A_243, %swap3A_244] {strides = array<i32>} : memref<80x128xf32, #tpu.memory_space<vmem>>, vector<16xf32>,
        tpu.vector_store %arg14[%swap3A_243, %swap3A_244], %broadcast_in_dim3A_0 {strides = array<i32>} : memref<80x128xf32, #tpu.memory_space<vmem>>, vector<16xf32>,
      }
      %scan3A_205 = arith.constant 80 : i32
      %scan3A_206 = arith.constant 0 : i32
      %scan3A_207 = arith.constant 0 : i32
      %scan3A_208 = arith.constant 80 : i32
      %scan3A_209 = arith.addi %scan3A_207, %scan3A_208 : i32
      %scan3A_210 = arith.constant 1 : i32
      scf.for %scan3A_221 = %scan3A_207 to %scan3A_209 step %scan3A_210  : i32 {
        %broadcast_in_dim3A_222 = arith.constant 0 : i32
        %broadcast_in_dim3A_223 = vector.broadcast %broadcast_in_dim3A_222 : i32 to vector<16xi32>
        %add3A_224 = vector.broadcast %scan3A_221 : i32 to vector<16xi32>
        %add3A_225 = arith.addi %broadcast_in_dim3A_223, %add3A_224 : vector<16xi32>
        %get3A = arith.index_cast %scan3A_221 : i32 to index
        %get3A_226 = arith.constant 0 : index
        %get3A_227 = tpu.vector_load %arg13[%get3A, %get3A_226] {strides = array<i32>} : memref<80x16xf32, #tpu.memory_space<vmem>>, vector<16xf32>,
        %mul3A_228 = arith.mulf %get3A_227, %select_n3A : vector<16xf32>
        %gather3A_229 = tpu.vector_load_idx %arg11[%add3A_225] : memref<80xi32, #tpu.memory_space<vmem>>[vector<16xi32>], vector<16xi32>,
        %add3A_230 = arith.addi %gather3A_229, %select_n3A_8 : vector<16xi32>
        tpu.vector_store_idx %arg14[%add3A_225, %add3A_230], %mul3A_228 masked %lt3A_2 : memref<80x128xf32, #tpu.memory_space<vmem>>[vector<16xi32>, vector<16xi32>], vector<16xf32>, vector<16xi1>
      }
      %scan3A_211 = arith.constant 80 : i32
      "tpu.region"() ({
        %run_scoped3A = tpu.sem_alloc : memref<!tpu.dma_semaphore, #tpu.memory_space<semaphore_mem>>
        %dma_start3A_221 = arith.constant 0 : i32
        %dma_start3A_222 = arith.constant 0 : i32
        %dma_start3A_223 = tpu.memref_slice %arg17[%dma_start3A_221, %dma_start3A_222] : memref<1280x128xf32, #tpu.memory_space<vmem_shared>> -> memref<1280x128xf32, #tpu.memory_space<vmem_shared>>
        tpu.enqueue_indirect_dma source(%arg14 : memref<80x128xf32, #tpu.memory_space<vmem>>) target(%dma_start3A_223 : memref<1280x128xf32, #tpu.memory_space<vmem_shared>>) offsets(%arg10 : memref<80xi32, #tpu.memory_space<vmem>>) semaphore(%run_scoped3A : memref<!tpu.dma_semaphore, #tpu.memory_space<semaphore_mem>>) {add = true}
        %dma_wait3A_224 = arith.constant 0 : i32
        %dma_wait3A_225 = arith.constant 0 : i32
        %dma_wait3A_226 = tpu.memref_slice %arg17[%dma_wait3A_224, %dma_wait3A_225] : memref<1280x128xf32, #tpu.memory_space<vmem_shared>> -> memref<1280x128xf32, #tpu.memory_space<vmem_shared>>
        tpu.wait_indirect_dma semaphore(%run_scoped3A : memref<!tpu.dma_semaphore, #tpu.memory_space<semaphore_mem>>) src(%arg14 : memref<80x128xf32, #tpu.memory_space<vmem>>) dst(%dma_wait3A_226 : memref<1280x128xf32, #tpu.memory_space<vmem_shared>>)
        tpu.yield
      }) : () -> ()
      %dma_wait3A_212 = arith.constant 0 : i32
      %dma_wait3A_213 = arith.constant 0 : i32
      %dma_wait3A_214 = tpu.memref_slice %arg5[%dma_wait3A_212, %dma_wait3A_213] : memref<20000x128xf32, #tpu.memory_space<hbm>> -> memref<20000x128xf32, #tpu.memory_space<hbm>>
      tpu.wait_indirect_dma semaphore(%arg18 : memref<!tpu.dma_semaphore, #tpu.memory_space<semaphore_mem>>) src(%dma_wait3A_214 : memref<20000x128xf32, #tpu.memory_space<hbm>>) dst(%arg12 : memref<80x128xf32, #tpu.memory_space<vmem>>)
      %scan3A_215 = arith.constant 0 : i32
      %scan3A_216 = arith.constant 0 : i32
      %scan3A_217 = arith.constant 80 : i32
      %scan3A_218 = arith.addi %scan3A_216, %scan3A_217 : i32
      %scan3A_219 = arith.constant 1 : i32
      scf.for %scan3A_221 = %scan3A_216 to %scan3A_218 step %scan3A_219  : i32 {
        %get3A = arith.index_cast %scan3A_221 : i32 to index
        %get3A_222 = arith.constant 0 : index
        %get3A_223 = tpu.vector_load %arg13[%get3A, %get3A_222] {strides = array<i32>} : memref<80x16xf32, #tpu.memory_space<vmem>>, vector<16xf32>,
        %get3A_224 = arith.index_cast %scan3A_221 : i32 to index
        %get3A_225 = arith.constant 0 : index
        %get3A_226 = tpu.vector_load %arg12[%get3A_224, %get3A_225] {strides = array<i32>} : memref<80x128xf32, #tpu.memory_space<vmem>>, vector<16xf32>,
        %broadcast_in_dim3A_227 = arith.constant 0 : i32
        %broadcast_in_dim3A_228 = vector.broadcast %broadcast_in_dim3A_227 : i32 to vector<16xi32>
        %broadcast_in_dim3A_229 = vector.shape_cast %broadcast_in_dim3A_228 : vector<16xi32> to vector<16x1xi32>
        %gather3A_230 = vector.shape_cast %broadcast_in_dim3A_229 : vector<16x1xi32> to vector<16xi32>
        %gather3A_231 = tpu.dynamic_gather %get3A_223[%gather3A_230] in [0] : vector<16xf32>, vector<16xi32> -> vector<16xf32>
        %mul3A_232 = arith.mulf %get3A_226, %gather3A_231 : vector<16xf32>
        %swap3A_233 = arith.index_cast %scan3A_221 : i32 to index
        %swap3A_234 = arith.constant 0 : index
        %swap3A_235 = tpu.vector_load %arg14[%swap3A_233, %swap3A_234] {strides = array<i32>} : memref<80x128xf32, #tpu.memory_space<vmem>>, vector<16xf32>,
        tpu.vector_store %arg14[%swap3A_233, %swap3A_234], %mul3A_232 {strides = array<i32>} : memref<80x128xf32, #tpu.memory_space<vmem>>, vector<16xf32>,
        %get3A_236 = arith.index_cast %scan3A_221 : i32 to index
        %get3A_237 = arith.constant 16 : index
        %get3A_238 = tpu.vector_load %arg12[%get3A_236, %get3A_237] {strides = array<i32>} : memref<80x128xf32, #tpu.memory_space<vmem>>, vector<16xf32>,
        %broadcast_in_dim3A_239 = arith.constant 0 : i32
        %broadcast_in_dim3A_240 = vector.broadcast %broadcast_in_dim3A_239 : i32 to vector<16xi32>
        %broadcast_in_dim3A_241 = vector.shape_cast %broadcast_in_dim3A_240 : vector<16xi32> to vector<16x1xi32>
        %gather3A_242 = vector.shape_cast %broadcast_in_dim3A_241 : vector<16x1xi32> to vector<16xi32>
        %gather3A_243 = tpu.dynamic_gather %get3A_223[%gather3A_242] in [0] : vector<16xf32>, vector<16xi32> -> vector<16xf32>
        %mul3A_244 = arith.mulf %get3A_238, %gather3A_243 : vector<16xf32>
        %swap3A_245 = arith.index_cast %scan3A_221 : i32 to index
        %swap3A_246 = arith.constant 16 : index
        %swap3A_247 = tpu.vector_load %arg14[%swap3A_245, %swap3A_246] {strides = array<i32>} : memref<80x128xf32, #tpu.memory_space<vmem>>, vector<16xf32>,
        tpu.vector_store %arg14[%swap3A_245, %swap3A_246], %mul3A_244 {strides = array<i32>} : memref<80x128xf32, #tpu.memory_space<vmem>>, vector<16xf32>,
        %get3A_248 = arith.index_cast %scan3A_221 : i32 to index
        %get3A_249 = arith.constant 32 : index
        %get3A_250 = tpu.vector_load %arg12[%get3A_248, %get3A_249] {strides = array<i32>} : memref<80x128xf32, #tpu.memory_space<vmem>>, vector<16xf32>,
        %broadcast_in_dim3A_251 = arith.constant 1 : i32
        %broadcast_in_dim3A_252 = vector.broadcast %broadcast_in_dim3A_251 : i32 to vector<16xi32>
        %broadcast_in_dim3A_253 = vector.shape_cast %broadcast_in_dim3A_252 : vector<16xi32> to vector<16x1xi32>
        %gather3A_254 = vector.shape_cast %broadcast_in_dim3A_253 : vector<16x1xi32> to vector<16xi32>
        %gather3A_255 = tpu.dynamic_gather %get3A_223[%gather3A_254] in [0] : vector<16xf32>, vector<16xi32> -> vector<16xf32>
        %mul3A_256 = arith.mulf %get3A_250, %gather3A_255 : vector<16xf32>
        %swap3A_257 = arith.index_cast %scan3A_221 : i32 to index
        %swap3A_258 = arith.constant 32 : index
        %swap3A_259 = tpu.vector_load %arg14[%swap3A_257, %swap3A_258] {strides = array<i32>} : memref<80x128xf32, #tpu.memory_space<vmem>>, vector<16xf32>,
        tpu.vector_store %arg14[%swap3A_257, %swap3A_258], %mul3A_256 {strides = array<i32>} : memref<80x128xf32, #tpu.memory_space<vmem>>, vector<16xf32>,
        %get3A_260 = arith.index_cast %scan3A_221 : i32 to index
        %get3A_261 = arith.constant 48 : index
        %get3A_262 = tpu.vector_load %arg12[%get3A_260, %get3A_261] {strides = array<i32>} : memref<80x128xf32, #tpu.memory_space<vmem>>, vector<16xf32>,
        %broadcast_in_dim3A_263 = arith.constant 1 : i32
        %broadcast_in_dim3A_264 = vector.broadcast %broadcast_in_dim3A_263 : i32 to vector<16xi32>
        %broadcast_in_dim3A_265 = vector.shape_cast %broadcast_in_dim3A_264 : vector<16xi32> to vector<16x1xi32>
        %gather3A_266 = vector.shape_cast %broadcast_in_dim3A_265 : vector<16x1xi32> to vector<16xi32>
        %gather3A_267 = tpu.dynamic_gather %get3A_223[%gather3A_266] in [0] : vector<16xf32>, vector<16xi32> -> vector<16xf32>
        %mul3A_268 = arith.mulf %get3A_262, %gather3A_267 : vector<16xf32>
        %swap3A_269 = arith.index_cast %scan3A_221 : i32 to index
        %swap3A_270 = arith.constant 48 : index
        %swap3A_271 = tpu.vector_load %arg14[%swap3A_269, %swap3A_270] {strides = array<i32>} : memref<80x128xf32, #tpu.memory_space<vmem>>, vector<16xf32>,
        tpu.vector_store %arg14[%swap3A_269, %swap3A_270], %mul3A_268 {strides = array<i32>} : memref<80x128xf32, #tpu.memory_space<vmem>>, vector<16xf32>,
        %get3A_272 = arith.index_cast %scan3A_221 : i32 to index
        %get3A_273 = arith.constant 64 : index
        %get3A_274 = tpu.vector_load %arg12[%get3A_272, %get3A_273] {strides = array<i32>} : memref<80x128xf32, #tpu.memory_space<vmem>>, vector<16xf32>,
        %broadcast_in_dim3A_275 = arith.constant 2 : i32
        %broadcast_in_dim3A_276 = vector.broadcast %broadcast_in_dim3A_275 : i32 to vector<16xi32>
        %broadcast_in_dim3A_277 = vector.shape_cast %broadcast_in_dim3A_276 : vector<16xi32> to vector<16x1xi32>
        %gather3A_278 = vector.shape_cast %broadcast_in_dim3A_277 : vector<16x1xi32> to vector<16xi32>
        %gather3A_279 = tpu.dynamic_gather %get3A_223[%gather3A_278] in [0] : vector<16xf32>, vector<16xi32> -> vector<16xf32>
        %mul3A_280 = arith.mulf %get3A_274, %gather3A_279 : vector<16xf32>
        %swap3A_281 = arith.index_cast %scan3A_221 : i32 to index
        %swap3A_282 = arith.constant 64 : index
        %swap3A_283 = tpu.vector_load %arg14[%swap3A_281, %swap3A_282] {strides = array<i32>} : memref<80x128xf32, #tpu.memory_space<vmem>>, vector<16xf32>,
        tpu.vector_store %arg14[%swap3A_281, %swap3A_282], %mul3A_280 {strides = array<i32>} : memref<80x128xf32, #tpu.memory_space<vmem>>, vector<16xf32>,
        %get3A_284 = arith.index_cast %scan3A_221 : i32 to index
        %get3A_285 = arith.constant 80 : index
        %get3A_286 = tpu.vector_load %arg12[%get3A_284, %get3A_285] {strides = array<i32>} : memref<80x128xf32, #tpu.memory_space<vmem>>, vector<16xf32>,
        %broadcast_in_dim3A_287 = arith.constant 2 : i32
        %broadcast_in_dim3A_288 = vector.broadcast %broadcast_in_dim3A_287 : i32 to vector<16xi32>
        %broadcast_in_dim3A_289 = vector.shape_cast %broadcast_in_dim3A_288 : vector<16xi32> to vector<16x1xi32>
        %gather3A_290 = vector.shape_cast %broadcast_in_dim3A_289 : vector<16x1xi32> to vector<16xi32>
        %gather3A_291 = tpu.dynamic_gather %get3A_223[%gather3A_290] in [0] : vector<16xf32>, vector<16xi32> -> vector<16xf32>
        %mul3A_292 = arith.mulf %get3A_286, %gather3A_291 : vector<16xf32>
        %swap3A_293 = arith.index_cast %scan3A_221 : i32 to index
        %swap3A_294 = arith.constant 80 : index
        %swap3A_295 = tpu.vector_load %arg14[%swap3A_293, %swap3A_294] {strides = array<i32>} : memref<80x128xf32, #tpu.memory_space<vmem>>, vector<16xf32>,
        tpu.vector_store %arg14[%swap3A_293, %swap3A_294], %mul3A_292 {strides = array<i32>} : memref<80x128xf32, #tpu.memory_space<vmem>>, vector<16xf32>,
        %get3A_296 = arith.index_cast %scan3A_221 : i32 to index
        %get3A_297 = arith.constant 96 : index
        %get3A_298 = tpu.vector_load %arg12[%get3A_296, %get3A_297] {strides = array<i32>} : memref<80x128xf32, #tpu.memory_space<vmem>>, vector<16xf32>,
        %broadcast_in_dim3A_299 = arith.constant 3 : i32
        %broadcast_in_dim3A_300 = vector.broadcast %broadcast_in_dim3A_299 : i32 to vector<16xi32>
        %broadcast_in_dim3A_301 = vector.shape_cast %broadcast_in_dim3A_300 : vector<16xi32> to vector<16x1xi32>
        %gather3A_302 = vector.shape_cast %broadcast_in_dim3A_301 : vector<16x1xi32> to vector<16xi32>
        %gather3A_303 = tpu.dynamic_gather %get3A_223[%gather3A_302] in [0] : vector<16xf32>, vector<16xi32> -> vector<16xf32>
        %mul3A_304 = arith.mulf %get3A_298, %gather3A_303 : vector<16xf32>
        %swap3A_305 = arith.index_cast %scan3A_221 : i32 to index
        %swap3A_306 = arith.constant 96 : index
        %swap3A_307 = tpu.vector_load %arg14[%swap3A_305, %swap3A_306] {strides = array<i32>} : memref<80x128xf32, #tpu.memory_space<vmem>>, vector<16xf32>,
        tpu.vector_store %arg14[%swap3A_305, %swap3A_306], %mul3A_304 {strides = array<i32>} : memref<80x128xf32, #tpu.memory_space<vmem>>, vector<16xf32>,
        %get3A_308 = arith.index_cast %scan3A_221 : i32 to index
        %get3A_309 = arith.constant 112 : index
        %get3A_310 = tpu.vector_load %arg12[%get3A_308, %get3A_309] {strides = array<i32>} : memref<80x128xf32, #tpu.memory_space<vmem>>, vector<16xf32>,
        %broadcast_in_dim3A_311 = arith.constant 3 : i32
        %broadcast_in_dim3A_312 = vector.broadcast %broadcast_in_dim3A_311 : i32 to vector<16xi32>
        %broadcast_in_dim3A_313 = vector.shape_cast %broadcast_in_dim3A_312 : vector<16xi32> to vector<16x1xi32>
        %gather3A_314 = vector.shape_cast %broadcast_in_dim3A_313 : vector<16x1xi32> to vector<16xi32>
        %gather3A_315 = tpu.dynamic_gather %get3A_223[%gather3A_314] in [0] : vector<16xf32>, vector<16xi32> -> vector<16xf32>
        %mul3A_316 = arith.mulf %get3A_310, %gather3A_315 : vector<16xf32>
        %swap3A_317 = arith.index_cast %scan3A_221 : i32 to index
        %swap3A_318 = arith.constant 112 : index
        %swap3A_319 = tpu.vector_load %arg14[%swap3A_317, %swap3A_318] {strides = array<i32>} : memref<80x128xf32, #tpu.memory_space<vmem>>, vector<16xf32>,
        tpu.vector_store %arg14[%swap3A_317, %swap3A_318], %mul3A_316 {strides = array<i32>} : memref<80x128xf32, #tpu.memory_space<vmem>>, vector<16xf32>,
      }
      %scan3A_220 = arith.constant 80 : i32
      "tpu.region"() ({
        %run_scoped3A = tpu.sem_alloc : memref<!tpu.dma_semaphore, #tpu.memory_space<semaphore_mem>>
        %dma_start3A_221 = arith.constant 0 : i32
        %dma_start3A_222 = arith.constant 0 : i32
        %dma_start3A_223 = tpu.memref_slice %arg16[%dma_start3A_221, %dma_start3A_222] : memref<10240x128xf32, #tpu.memory_space<vmem_shared>> -> memref<10240x128xf32, #tpu.memory_space<vmem_shared>>
        tpu.enqueue_indirect_dma source(%arg14 : memref<80x128xf32, #tpu.memory_space<vmem>>) target(%dma_start3A_223 : memref<10240x128xf32, #tpu.memory_space<vmem_shared>>) offsets(%arg8 : memref<80xi32, #tpu.memory_space<vmem>>) semaphore(%run_scoped3A : memref<!tpu.dma_semaphore, #tpu.memory_space<semaphore_mem>>) {add = true}
        %dma_wait3A_224 = arith.constant 0 : i32
        %dma_wait3A_225 = arith.constant 0 : i32
        %dma_wait3A_226 = tpu.memref_slice %arg16[%dma_wait3A_224, %dma_wait3A_225] : memref<10240x128xf32, #tpu.memory_space<vmem_shared>> -> memref<10240x128xf32, #tpu.memory_space<vmem_shared>>
        tpu.wait_indirect_dma semaphore(%run_scoped3A : memref<!tpu.dma_semaphore, #tpu.memory_space<semaphore_mem>>) src(%arg14 : memref<80x128xf32, #tpu.memory_space<vmem>>) dst(%dma_wait3A_226 : memref<10240x128xf32, #tpu.memory_space<vmem_shared>>)
        tpu.yield
      }) : () -> ()
    }
    %scan3A_38 = arith.constant 250 : i32
    %barrier3A_39 = arith.constant 0 : index
    tpu.barrier barrier_id(%barrier3A_39)
    %scan3A_40 = arith.constant 0 : i32
    %scan3A_41 = arith.constant 0 : i32
    %scan3A_42 = arith.constant 40 : i32
    %scan3A_43 = arith.addi %scan3A_41, %scan3A_42 : i32
    %scan3A_44 = arith.constant 1 : i32
    scf.for %scan3A_52 = %scan3A_41 to %scan3A_43 step %scan3A_44  : i32 {
      %mul3A_53 = arith.constant 16 : i32
      %mul3A_54 = arith.muli %scan3A_52, %mul3A_53 : i32
      %add3A = arith.addi %mul3A_9, %mul3A_54 : i32
      %add3A_55 = vector.broadcast %add3A : i32 to vector<16xi32>
      %add3A_56 = arith.addi %add3A_55, %iota3A : vector<16xi32>
      "tpu.region"() ({
        %run_scoped3A = tpu.sem_alloc : memref<!tpu.dma_semaphore, #tpu.memory_space<semaphore_mem>>
        %dma_start3A = arith.constant 0 : i32
        %dma_start3A_60 = arith.constant 0 : i32
        %dma_start3A_61 = tpu.memref_slice %arg16[%dma_start3A, %dma_start3A_60] : memref<10240x128xf32, #tpu.memory_space<vmem_shared>> -> memref<10240x128xf32, #tpu.memory_space<vmem_shared>>
        tpu.enqueue_indirect_dma source(%dma_start3A_61 : memref<10240x128xf32, #tpu.memory_space<vmem_shared>>) target(%arg15 : memref<16x128xf32, #tpu.memory_space<vmem>>) offsets(%add3A_56 : vector<16xi32>) semaphore(%run_scoped3A : memref<!tpu.dma_semaphore, #tpu.memory_space<semaphore_mem>>)
        %dma_wait3A = arith.constant 0 : i32
        %dma_wait3A_62 = arith.constant 0 : i32
        %dma_wait3A_63 = tpu.memref_slice %arg16[%dma_wait3A, %dma_wait3A_62] : memref<10240x128xf32, #tpu.memory_space<vmem_shared>> -> memref<10240x128xf32, #tpu.memory_space<vmem_shared>>
        tpu.wait_indirect_dma semaphore(%run_scoped3A : memref<!tpu.dma_semaphore, #tpu.memory_space<semaphore_mem>>) src(%dma_wait3A_63 : memref<10240x128xf32, #tpu.memory_space<vmem_shared>>) dst(%arg15 : memref<16x128xf32, #tpu.memory_space<vmem>>)
        tpu.yield
      }) : () -> ()
      %mul3A_57 = arith.constant 16 : i32
      %mul3A_58 = arith.muli %scan3A_52, %mul3A_57 : i32
      %add3A_59 = arith.addi %mul3A_9, %mul3A_58 : i32
      "tpu.region"() ({
        %run_scoped3A = tpu.sem_alloc : memref<!tpu.dma_semaphore, #tpu.memory_space<semaphore_mem>>
        %dma_start3A = arith.constant 0 : i32
        %dma_start3A_60 = tpu.memref_slice %arg6[%arg0, %add3A_59, %dma_start3A] : memref<2x10240x128xf32, #tpu.memory_space<hbm>> -> memref<1x16x128xf32, #tpu.memory_space<hbm>>
        %dma_start3A_61 = tpu.memref_squeeze %dma_start3A_60 : memref<1x16x128xf32, #tpu.memory_space<hbm>> -> memref<16x128xf32, #tpu.memory_space<hbm>>
        %dma_start3A_62 = arith.constant 0 : i32
        %dma_start3A_63 = tpu.memref_slice %arg6[%arg0, %add3A_59, %dma_start3A_62] : memref<2x10240x128xf32, #tpu.memory_space<hbm>> -> memref<1x16x128xf32, #tpu.memory_space<hbm>>
        %dma_start3A_64 = tpu.memref_squeeze %dma_start3A_63 : memref<1x16x128xf32, #tpu.memory_space<hbm>> -> memref<16x128xf32, #tpu.memory_space<hbm>>
        tpu.enqueue_dma source(%arg15 : memref<16x128xf32, #tpu.memory_space<vmem>>) target(%dma_start3A_64 : memref<16x128xf32, #tpu.memory_space<hbm>>) target_semaphore(%run_scoped3A : memref<!tpu.dma_semaphore, #tpu.memory_space<semaphore_mem>>)
        %dma_wait3A = arith.constant 0 : i32
        %dma_wait3A_65 = tpu.memref_slice %arg6[%arg0, %add3A_59, %dma_wait3A] : memref<2x10240x128xf32, #tpu.memory_space<hbm>> -> memref<1x16x128xf32, #tpu.memory_space<hbm>>
        %dma_wait3A_66 = tpu.memref_squeeze %dma_wait3A_65 : memref<1x16x128xf32, #tpu.memory_space<hbm>> -> memref<16x128xf32, #tpu.memory_space<hbm>>
        %dma_wait3A_67 = arith.constant 0 : i32
        %dma_wait3A_68 = tpu.memref_slice %arg6[%arg0, %add3A_59, %dma_wait3A_67] : memref<2x10240x128xf32, #tpu.memory_space<hbm>> -> memref<1x16x128xf32, #tpu.memory_space<hbm>>
        %dma_wait3A_69 = tpu.memref_squeeze %dma_wait3A_68 : memref<1x16x128xf32, #tpu.memory_space<hbm>> -> memref<16x128xf32, #tpu.memory_space<hbm>>
        tpu.wait_dma2 semaphore(%run_scoped3A : memref<!tpu.dma_semaphore, #tpu.memory_space<semaphore_mem>>) src(%arg15 : memref<16x128xf32, #tpu.memory_space<vmem>>) dst(%dma_wait3A_69 : memref<16x128xf32, #tpu.memory_space<hbm>>)
        tpu.yield
      }) : () -> ()
    }
    %scan3A_45 = arith.constant 40 : i32
    %scan3A_46 = arith.constant 0 : i32
    %scan3A_47 = arith.constant 0 : i32
    %scan3A_48 = arith.constant 5 : i32
    %scan3A_49 = arith.addi %scan3A_47, %scan3A_48 : i32
    %scan3A_50 = arith.constant 1 : i32
    scf.for %scan3A_52 = %scan3A_47 to %scan3A_49 step %scan3A_50  : i32 {
      %mul3A_53 = arith.constant 16 : i32
      %mul3A_54 = arith.muli %scan3A_52, %mul3A_53 : i32
      %add3A = arith.addi %mul3A_11, %mul3A_54 : i32
      %add3A_55 = vector.broadcast %add3A : i32 to vector<16xi32>
      %add3A_56 = arith.addi %add3A_55, %iota3A : vector<16xi32>
      "tpu.region"() ({
        %run_scoped3A = tpu.sem_alloc : memref<!tpu.dma_semaphore, #tpu.memory_space<semaphore_mem>>
        %dma_start3A = arith.constant 0 : i32
        %dma_start3A_60 = arith.constant 0 : i32
        %dma_start3A_61 = tpu.memref_slice %arg17[%dma_start3A, %dma_start3A_60] : memref<1280x128xf32, #tpu.memory_space<vmem_shared>> -> memref<1280x128xf32, #tpu.memory_space<vmem_shared>>
        tpu.enqueue_indirect_dma source(%dma_start3A_61 : memref<1280x128xf32, #tpu.memory_space<vmem_shared>>) target(%arg15 : memref<16x128xf32, #tpu.memory_space<vmem>>) offsets(%add3A_56 : vector<16xi32>) semaphore(%run_scoped3A : memref<!tpu.dma_semaphore, #tpu.memory_space<semaphore_mem>>)
        %dma_wait3A = arith.constant 0 : i32
        %dma_wait3A_62 = arith.constant 0 : i32
        %dma_wait3A_63 = tpu.memref_slice %arg17[%dma_wait3A, %dma_wait3A_62] : memref<1280x128xf32, #tpu.memory_space<vmem_shared>> -> memref<1280x128xf32, #tpu.memory_space<vmem_shared>>
        tpu.wait_indirect_dma semaphore(%run_scoped3A : memref<!tpu.dma_semaphore, #tpu.memory_space<semaphore_mem>>) src(%dma_wait3A_63 : memref<1280x128xf32, #tpu.memory_space<vmem_shared>>) dst(%arg15 : memref<16x128xf32, #tpu.memory_space<vmem>>)
        tpu.yield
      }) : () -> ()
      %mul3A_57 = arith.constant 16 : i32
      %mul3A_58 = arith.muli %scan3A_52, %mul3A_57 : i32
      %add3A_59 = arith.addi %mul3A_11, %mul3A_58 : i32
      "tpu.region"() ({
        %run_scoped3A = tpu.sem_alloc : memref<!tpu.dma_semaphore, #tpu.memory_space<semaphore_mem>>
        %dma_start3A = arith.constant 0 : i32
        %dma_start3A_60 = tpu.memref_slice %arg7[%arg0, %add3A_59, %dma_start3A] : memref<2x1280x128xf32, #tpu.memory_space<hbm>> -> memref<1x16x128xf32, #tpu.memory_space<hbm>>
        %dma_start3A_61 = tpu.memref_squeeze %dma_start3A_60 : memref<1x16x128xf32, #tpu.memory_space<hbm>> -> memref<16x128xf32, #tpu.memory_space<hbm>>
        %dma_start3A_62 = arith.constant 0 : i32
        %dma_start3A_63 = tpu.memref_slice %arg7[%arg0, %add3A_59, %dma_start3A_62] : memref<2x1280x128xf32, #tpu.memory_space<hbm>> -> memref<1x16x128xf32, #tpu.memory_space<hbm>>
        %dma_start3A_64 = tpu.memref_squeeze %dma_start3A_63 : memref<1x16x128xf32, #tpu.memory_space<hbm>> -> memref<16x128xf32, #tpu.memory_space<hbm>>
        tpu.enqueue_dma source(%arg15 : memref<16x128xf32, #tpu.memory_space<vmem>>) target(%dma_start3A_64 : memref<16x128xf32, #tpu.memory_space<hbm>>) target_semaphore(%run_scoped3A : memref<!tpu.dma_semaphore, #tpu.memory_space<semaphore_mem>>)
        %dma_wait3A = arith.constant 0 : i32
        %dma_wait3A_65 = tpu.memref_slice %arg7[%arg0, %add3A_59, %dma_wait3A] : memref<2x1280x128xf32, #tpu.memory_space<hbm>> -> memref<1x16x128xf32, #tpu.memory_space<hbm>>
        %dma_wait3A_66 = tpu.memref_squeeze %dma_wait3A_65 : memref<1x16x128xf32, #tpu.memory_space<hbm>> -> memref<16x128xf32, #tpu.memory_space<hbm>>
        %dma_wait3A_67 = arith.constant 0 : i32
        %dma_wait3A_68 = tpu.memref_slice %arg7[%arg0, %add3A_59, %dma_wait3A_67] : memref<2x1280x128xf32, #tpu.memory_space<hbm>> -> memref<1x16x128xf32, #tpu.memory_space<hbm>>
        %dma_wait3A_69 = tpu.memref_squeeze %dma_wait3A_68 : memref<1x16x128xf32, #tpu.memory_space<hbm>> -> memref<16x128xf32, #tpu.memory_space<hbm>>
        tpu.wait_dma2 semaphore(%run_scoped3A : memref<!tpu.dma_semaphore, #tpu.memory_space<semaphore_mem>>) src(%arg15 : memref<16x128xf32, #tpu.memory_space<vmem>>) dst(%dma_wait3A_69 : memref<16x128xf32, #tpu.memory_space<hbm>>)
        tpu.yield
      }) : () -> ()
    }
    %scan3A_51 = arith.constant 5 : i32
    return
  }
}

#map = affine_map<(d0, d1) -> (0)>
#map1 = affine_map<(d0, d1) -> (0, 0, 0)>
#map2 = affine_map<(d0, d1) -> (0, 0)>
module attributes {stable_mosaic.version = 14 : i64} {
  func.func @_sc_agg_body(%arg0: i32, %arg1: i32, %arg2: memref<320000xi32, #tpu.memory_space<hbm>>, %arg3: memref<320000xi32, #tpu.memory_space<hbm>>, %arg4: memref<2x320000x16xf32, #tpu.memory_space<hbm>>, %arg5: memref<20000x128xf32, #tpu.memory_space<hbm>>, %arg6: memref<2x10240x128xf32, #tpu.memory_space<hbm>>, %arg7: memref<2x1280x128xf32, #tpu.memory_space<hbm>>, %arg8: memref<80xi32, #tpu.memory_space<vmem>>, %arg9: memref<80xi32, #tpu.memory_space<vmem>>, %arg10: memref<80xi32, #tpu.memory_space<vmem>>, %arg11: memref<80xi32, #tpu.memory_space<vmem>>, %arg12: memref<80x128xf32, #tpu.memory_space<vmem>>, %arg13: memref<80x16xf32, #tpu.memory_space<vmem>>, %arg14: memref<80x128xf32, #tpu.memory_space<vmem>>, %arg15: memref<16x128xf32, #tpu.memory_space<vmem>>, %arg16: memref<10240x128xf32, #tpu.memory_space<vmem_shared>>, %arg17: memref<1280x128xf32, #tpu.memory_space<vmem_shared>>, %arg18: memref<!tpu.dma_semaphore, #tpu.memory_space<semaphore_mem>>, %arg19: memref<!tpu.dma_semaphore, #tpu.memory_space<semaphore_mem>>) attributes {dimension_semantics = [#tpu.dimension_semantics<core_parallel>, #tpu.dimension_semantics<subcore_parallel>], iteration_bounds = array<i64: 2, 16>, scalar_prefetch = 0 : i64, scratch_operands = 12 : i64, tpu.core_type = #tpu.core_type<sc_vector_subcore>, window_params = [{transform_indices = #map}, {transform_indices = #map}, {transform_indices = #map1}, {transform_indices = #map2}, {transform_indices = #map1}, {transform_indices = #map1}]} {
    %broadcast_in_dim3A = arith.constant 0.000000e+00 : f32
    %broadcast_in_dim3A_0 = vector.broadcast %broadcast_in_dim3A : f32 to vector<16xf32>
    %iota3A = tpu.iota {dimensions = array<i32: 0>} : vector<16xi32>
    %lt3A = arith.constant 4 : i32
    %lt3A_1 = vector.broadcast %lt3A : i32 to vector<16xi32>
    %lt3A_2 = arith.cmpi slt, %iota3A, %lt3A_1 : vector<16xi32>
    %jit3A = arith.constant 1.000000e+00 : f32
    %jit3A_3 = arith.constant 0.000000e+00 : f32
    %broadcast_in_dim3A_4 = vector.broadcast %jit3A : f32 to vector<16xf32>
    %broadcast_in_dim3A_5 = vector.broadcast %jit3A_3 : f32 to vector<16xf32>
    %select_n3A = arith.select %lt3A_2, %broadcast_in_dim3A_4, %broadcast_in_dim3A_5 : vector<16xi1>, vector<16xf32>
    %jit3A_6 = arith.constant 0 : i32
    %broadcast_in_dim3A_7 = vector.broadcast %jit3A_6 : i32 to vector<16xi32>
    %select_n3A_8 = arith.select %lt3A_2, %iota3A, %broadcast_in_dim3A_7 : vector<16xi1>, vector<16xi32>
    %mul3A = arith.constant 640 : i32
    %mul3A_9 = arith.muli %arg1, %mul3A : i32
    %mul3A_10 = arith.constant 80 : i32
    %mul3A_11 = arith.muli %arg1, %mul3A_10 : i32
    %scan3A = arith.constant 0 : i32
    %scan3A_12 = arith.constant 0 : i32
    %scan3A_13 = arith.constant 16 : i32
    %scan3A_14 = arith.addi %scan3A_12, %scan3A_13 : i32
    %scan3A_15 = arith.constant 1 : i32
    scf.for %scan3A_52 = %scan3A_12 to %scan3A_14 step %scan3A_15  : i32 {
      %swap3A = arith.index_cast %scan3A_52 : i32 to index
      %swap3A_53 = arith.constant 0 : index
      %swap3A_54 = tpu.vector_load %arg15[%swap3A, %swap3A_53] {strides = array<i32>} : memref<16x128xf32, #tpu.memory_space<vmem>>, vector<16xf32>,
      tpu.vector_store %arg15[%swap3A, %swap3A_53], %broadcast_in_dim3A_0 {strides = array<i32>} : memref<16x128xf32, #tpu.memory_space<vmem>>, vector<16xf32>,
      %swap3A_55 = arith.index_cast %scan3A_52 : i32 to index
      %swap3A_56 = arith.constant 16 : index
      %swap3A_57 = tpu.vector_load %arg15[%swap3A_55, %swap3A_56] {strides = array<i32>} : memref<16x128xf32, #tpu.memory_space<vmem>>, vector<16xf32>,
      tpu.vector_store %arg15[%swap3A_55, %swap3A_56], %broadcast_in_dim3A_0 {strides = array<i32>} : memref<16x128xf32, #tpu.memory_space<vmem>>, vector<16xf32>,
      %swap3A_58 = arith.index_cast %scan3A_52 : i32 to index
      %swap3A_59 = arith.constant 32 : index
      %swap3A_60 = tpu.vector_load %arg15[%swap3A_58, %swap3A_59] {strides = array<i32>} : memref<16x128xf32, #tpu.memory_space<vmem>>, vector<16xf32>,
      tpu.vector_store %arg15[%swap3A_58, %swap3A_59], %broadcast_in_dim3A_0 {strides = array<i32>} : memref<16x128xf32, #tpu.memory_space<vmem>>, vector<16xf32>,
      %swap3A_61 = arith.index_cast %scan3A_52 : i32 to index
      %swap3A_62 = arith.constant 48 : index
      %swap3A_63 = tpu.vector_load %arg15[%swap3A_61, %swap3A_62] {strides = array<i32>} : memref<16x128xf32, #tpu.memory_space<vmem>>, vector<16xf32>,
      tpu.vector_store %arg15[%swap3A_61, %swap3A_62], %broadcast_in_dim3A_0 {strides = array<i32>} : memref<16x128xf32, #tpu.memory_space<vmem>>, vector<16xf32>,
      %swap3A_64 = arith.index_cast %scan3A_52 : i32 to index
      %swap3A_65 = arith.constant 64 : index
      %swap3A_66 = tpu.vector_load %arg15[%swap3A_64, %swap3A_65] {strides = array<i32>} : memref<16x128xf32, #tpu.memory_space<vmem>>, vector<16xf32>,
      tpu.vector_store %arg15[%swap3A_64, %swap3A_65], %broadcast_in_dim3A_0 {strides = array<i32>} : memref<16x128xf32, #tpu.memory_space<vmem>>, vector<16xf32>,
      %swap3A_67 = arith.index_cast %scan3A_52 : i32 to index
      %swap3A_68 = arith.constant 80 : index
      %swap3A_69 = tpu.vector_load %arg15[%swap3A_67, %swap3A_68] {strides = array<i32>} : memref<16x128xf32, #tpu.memory_space<vmem>>, vector<16xf32>,
      tpu.vector_store %arg15[%swap3A_67, %swap3A_68], %broadcast_in_dim3A_0 {strides = array<i32>} : memref<16x128xf32, #tpu.memory_space<vmem>>, vector<16xf32>,
      %swap3A_70 = arith.index_cast %scan3A_52 : i32 to index
      %swap3A_71 = arith.constant 96 : index
      %swap3A_72 = tpu.vector_load %arg15[%swap3A_70, %swap3A_71] {strides = array<i32>} : memref<16x128xf32, #tpu.memory_space<vmem>>, vector<16xf32>,
      tpu.vector_store %arg15[%swap3A_70, %swap3A_71], %broadcast_in_dim3A_0 {strides = array<i32>} : memref<16x128xf32, #tpu.memory_space<vmem>>, vector<16xf32>,
      %swap3A_73 = arith.index_cast %scan3A_52 : i32 to index
      %swap3A_74 = arith.constant 112 : index
      %swap3A_75 = tpu.vector_load %arg15[%swap3A_73, %swap3A_74] {strides = array<i32>} : memref<16x128xf32, #tpu.memory_space<vmem>>, vector<16xf32>,
      tpu.vector_store %arg15[%swap3A_73, %swap3A_74], %broadcast_in_dim3A_0 {strides = array<i32>} : memref<16x128xf32, #tpu.memory_space<vmem>>, vector<16xf32>,
    }
    %scan3A_16 = arith.constant 16 : i32
    %scan3A_17 = arith.constant 0 : i32
    %scan3A_18 = arith.constant 0 : i32
    %scan3A_19 = arith.constant 40 : i32
    %scan3A_20 = arith.addi %scan3A_18, %scan3A_19 : i32
    %scan3A_21 = arith.constant 1 : i32
    scf.for %scan3A_52 = %scan3A_18 to %scan3A_20 step %scan3A_21  : i32 {
      %mul3A_53 = arith.constant 16 : i32
      %mul3A_54 = arith.muli %scan3A_52, %mul3A_53 : i32
      %add3A = arith.addi %mul3A_9, %mul3A_54 : i32
      %add3A_55 = vector.broadcast %add3A : i32 to vector<16xi32>
      %add3A_56 = arith.addi %add3A_55, %iota3A : vector<16xi32>
      "tpu.region"() ({
        %run_scoped3A = tpu.sem_alloc : memref<!tpu.dma_semaphore, #tpu.memory_space<semaphore_mem>>
        %dma_start3A = arith.constant 0 : i32
        %dma_start3A_57 = arith.constant 0 : i32
        %dma_start3A_58 = tpu.memref_slice %arg16[%dma_start3A, %dma_start3A_57] : memref<10240x128xf32, #tpu.memory_space<vmem_shared>> -> memref<10240x128xf32, #tpu.memory_space<vmem_shared>>
        tpu.enqueue_indirect_dma source(%arg15 : memref<16x128xf32, #tpu.memory_space<vmem>>) target(%dma_start3A_58 : memref<10240x128xf32, #tpu.memory_space<vmem_shared>>) offsets(%add3A_56 : vector<16xi32>) semaphore(%run_scoped3A : memref<!tpu.dma_semaphore, #tpu.memory_space<semaphore_mem>>)
        %dma_wait3A = arith.constant 0 : i32
        %dma_wait3A_59 = arith.constant 0 : i32
        %dma_wait3A_60 = tpu.memref_slice %arg16[%dma_wait3A, %dma_wait3A_59] : memref<10240x128xf32, #tpu.memory_space<vmem_shared>> -> memref<10240x128xf32, #tpu.memory_space<vmem_shared>>
        tpu.wait_indirect_dma semaphore(%run_scoped3A : memref<!tpu.dma_semaphore, #tpu.memory_space<semaphore_mem>>) src(%arg15 : memref<16x128xf32, #tpu.memory_space<vmem>>) dst(%dma_wait3A_60 : memref<10240x128xf32, #tpu.memory_space<vmem_shared>>)
        tpu.yield
      }) : () -> ()
    }
    %scan3A_22 = arith.constant 40 : i32
    %scan3A_23 = arith.constant 0 : i32
    %scan3A_24 = arith.constant 0 : i32
    %scan3A_25 = arith.constant 5 : i32
    %scan3A_26 = arith.addi %scan3A_24, %scan3A_25 : i32
    %scan3A_27 = arith.constant 1 : i32
    scf.for %scan3A_52 = %scan3A_24 to %scan3A_26 step %scan3A_27  : i32 {
      %mul3A_53 = arith.constant 16 : i32
      %mul3A_54 = arith.muli %scan3A_52, %mul3A_53 : i32
      %add3A = arith.addi %mul3A_11, %mul3A_54 : i32
      %add3A_55 = vector.broadcast %add3A : i32 to vector<16xi32>
      %add3A_56 = arith.addi %add3A_55, %iota3A : vector<16xi32>
      "tpu.region"() ({
        %run_scoped3A = tpu.sem_alloc : memref<!tpu.dma_semaphore, #tpu.memory_space<semaphore_mem>>
        %dma_start3A = arith.constant 0 : i32
        %dma_start3A_57 = arith.constant 0 : i32
        %dma_start3A_58 = tpu.memref_slice %arg17[%dma_start3A, %dma_start3A_57] : memref<1280x128xf32, #tpu.memory_space<vmem_shared>> -> memref<1280x128xf32, #tpu.memory_space<vmem_shared>>
        tpu.enqueue_indirect_dma source(%arg15 : memref<16x128xf32, #tpu.memory_space<vmem>>) target(%dma_start3A_58 : memref<1280x128xf32, #tpu.memory_space<vmem_shared>>) offsets(%add3A_56 : vector<16xi32>) semaphore(%run_scoped3A : memref<!tpu.dma_semaphore, #tpu.memory_space<semaphore_mem>>)
        %dma_wait3A = arith.constant 0 : i32
        %dma_wait3A_59 = arith.constant 0 : i32
        %dma_wait3A_60 = tpu.memref_slice %arg17[%dma_wait3A, %dma_wait3A_59] : memref<1280x128xf32, #tpu.memory_space<vmem_shared>> -> memref<1280x128xf32, #tpu.memory_space<vmem_shared>>
        tpu.wait_indirect_dma semaphore(%run_scoped3A : memref<!tpu.dma_semaphore, #tpu.memory_space<semaphore_mem>>) src(%arg15 : memref<16x128xf32, #tpu.memory_space<vmem>>) dst(%dma_wait3A_60 : memref<1280x128xf32, #tpu.memory_space<vmem_shared>>)
        tpu.yield
      }) : () -> ()
    }
    %scan3A_28 = arith.constant 5 : i32
    %barrier3A = arith.constant 0 : index
    tpu.barrier barrier_id(%barrier3A)
    %mul3A_29 = arith.constant 10000 : i32
    %mul3A_30 = arith.muli %arg0, %mul3A_29 : i32
    %mul3A_31 = arith.constant 20000 : i32
    %mul3A_32 = arith.muli %arg1, %mul3A_31 : i32
    %scan3A_33 = arith.constant 0 : i32
    %scan3A_34 = arith.constant 0 : i32
    %scan3A_35 = arith.constant 250 : i32
    %scan3A_36 = arith.addi %scan3A_34, %scan3A_35 : i32
    %scan3A_37 = arith.constant 1 : i32
    scf.for %scan3A_52 = %scan3A_34 to %scan3A_36 step %scan3A_37  : i32 {
      %mul3A_53 = arith.constant 80 : i32
      %mul3A_54 = arith.muli %scan3A_52, %mul3A_53 : i32
      %add3A = arith.addi %mul3A_32, %mul3A_54 : i32
      %dma_start3A = arith.constant 0 : i32
      %dma_start3A_55 = tpu.memref_slice %arg4[%arg0, %add3A, %dma_start3A] : memref<2x320000x16xf32, #tpu.memory_space<hbm>> -> memref<1x80x16xf32, #tpu.memory_space<hbm>>
      %dma_start3A_56 = tpu.memref_squeeze %dma_start3A_55 : memref<1x80x16xf32, #tpu.memory_space<hbm>> -> memref<80x16xf32, #tpu.memory_space<hbm>>
      %dma_start3A_57 = arith.constant 0 : i32
      %dma_start3A_58 = tpu.memref_slice %arg4[%arg0, %add3A, %dma_start3A_57] : memref<2x320000x16xf32, #tpu.memory_space<hbm>> -> memref<1x80x16xf32, #tpu.memory_space<hbm>>
      %dma_start3A_59 = tpu.memref_squeeze %dma_start3A_58 : memref<1x80x16xf32, #tpu.memory_space<hbm>> -> memref<80x16xf32, #tpu.memory_space<hbm>>
      tpu.enqueue_dma source(%dma_start3A_59 : memref<80x16xf32, #tpu.memory_space<hbm>>) target(%arg13 : memref<80x16xf32, #tpu.memory_space<vmem>>) target_semaphore(%arg19 : memref<!tpu.dma_semaphore, #tpu.memory_space<semaphore_mem>>)
      %dma_wait3A = arith.constant 0 : i32
      %dma_wait3A_60 = tpu.memref_slice %arg4[%arg0, %add3A, %dma_wait3A] : memref<2x320000x16xf32, #tpu.memory_space<hbm>> -> memref<1x80x16xf32, #tpu.memory_space<hbm>>
      %dma_wait3A_61 = tpu.memref_squeeze %dma_wait3A_60 : memref<1x80x16xf32, #tpu.memory_space<hbm>> -> memref<80x16xf32, #tpu.memory_space<hbm>>
      %dma_wait3A_62 = arith.constant 0 : i32
      %dma_wait3A_63 = tpu.memref_slice %arg4[%arg0, %add3A, %dma_wait3A_62] : memref<2x320000x16xf32, #tpu.memory_space<hbm>> -> memref<1x80x16xf32, #tpu.memory_space<hbm>>
      %dma_wait3A_64 = tpu.memref_squeeze %dma_wait3A_63 : memref<1x80x16xf32, #tpu.memory_space<hbm>> -> memref<80x16xf32, #tpu.memory_space<hbm>>
      tpu.wait_dma2 semaphore(%arg19 : memref<!tpu.dma_semaphore, #tpu.memory_space<semaphore_mem>>) src(%dma_wait3A_64 : memref<80x16xf32, #tpu.memory_space<hbm>>) dst(%arg13 : memref<80x16xf32, #tpu.memory_space<vmem>>)
      %add3A_65 = arith.constant 0 : i32
      %add3A_66 = vector.broadcast %add3A_65 : i32 to vector<16xi32>
      %add3A_67 = arith.addi %iota3A, %add3A_66 : vector<16xi32>
      %broadcast_in_dim3A_68 = arith.constant 4 : i32
      %broadcast_in_dim3A_69 = vector.broadcast %broadcast_in_dim3A_68 : i32 to vector<16xi32>
      %gather3A = tpu.vector_load_idx %arg13[%add3A_67, %broadcast_in_dim3A_69] : memref<80x16xf32, #tpu.memory_space<vmem>>[vector<16xi32>, vector<16xi32>], vector<16xf32>,
      %bitcast3A = vector.bitcast %gather3A : vector<16xf32> to vector<16xi32>
      %swap3A = arith.constant 0 : index
      %swap3A_70 = tpu.vector_load %arg9[%swap3A] {strides = array<i32>} : memref<80xi32, #tpu.memory_space<vmem>>, vector<16xi32>,
      tpu.vector_store %arg9[%swap3A], %bitcast3A {strides = array<i32>} : memref<80xi32, #tpu.memory_space<vmem>>, vector<16xi32>,
      %broadcast_in_dim3A_71 = arith.constant 5 : i32
      %broadcast_in_dim3A_72 = vector.broadcast %broadcast_in_dim3A_71 : i32 to vector<16xi32>
      %gather3A_73 = tpu.vector_load_idx %arg13[%add3A_67, %broadcast_in_dim3A_72] : memref<80x16xf32, #tpu.memory_space<vmem>>[vector<16xi32>, vector<16xi32>], vector<16xf32>,
      %bitcast3A_74 = vector.bitcast %gather3A_73 : vector<16xf32> to vector<16xi32>
      %swap3A_75 = arith.constant 0 : index
      %swap3A_76 = tpu.vector_load %arg10[%swap3A_75] {strides = array<i32>} : memref<80xi32, #tpu.memory_space<vmem>>, vector<16xi32>,
      tpu.vector_store %arg10[%swap3A_75], %bitcast3A_74 {strides = array<i32>} : memref<80xi32, #tpu.memory_space<vmem>>, vector<16xi32>,
      %broadcast_in_dim3A_77 = arith.constant 6 : i32
      %broadcast_in_dim3A_78 = vector.broadcast %broadcast_in_dim3A_77 : i32 to vector<16xi32>
      %gather3A_79 = tpu.vector_load_idx %arg13[%add3A_67, %broadcast_in_dim3A_78] : memref<80x16xf32, #tpu.memory_space<vmem>>[vector<16xi32>, vector<16xi32>], vector<16xf32>,
      %bitcast3A_80 = vector.bitcast %gather3A_79 : vector<16xf32> to vector<16xi32>
      %swap3A_81 = arith.constant 0 : index
      %swap3A_82 = tpu.vector_load %arg11[%swap3A_81] {strides = array<i32>} : memref<80xi32, #tpu.memory_space<vmem>>, vector<16xi32>,
      tpu.vector_store %arg11[%swap3A_81], %bitcast3A_80 {strides = array<i32>} : memref<80xi32, #tpu.memory_space<vmem>>, vector<16xi32>,
      %broadcast_in_dim3A_83 = arith.constant 7 : i32
      %broadcast_in_dim3A_84 = vector.broadcast %broadcast_in_dim3A_83 : i32 to vector<16xi32>
      %gather3A_85 = tpu.vector_load_idx %arg13[%add3A_67, %broadcast_in_dim3A_84] : memref<80x16xf32, #tpu.memory_space<vmem>>[vector<16xi32>, vector<16xi32>], vector<16xf32>,
      %bitcast3A_86 = vector.bitcast %gather3A_85 : vector<16xf32> to vector<16xi32>
      %swap3A_87 = arith.constant 0 : index
      %swap3A_88 = tpu.vector_load %arg8[%swap3A_87] {strides = array<i32>} : memref<80xi32, #tpu.memory_space<vmem>>, vector<16xi32>,
      tpu.vector_store %arg8[%swap3A_87], %bitcast3A_86 {strides = array<i32>} : memref<80xi32, #tpu.memory_space<vmem>>, vector<16xi32>,
      %add3A_89 = arith.constant 16 : i32
      %add3A_90 = vector.broadcast %add3A_89 : i32 to vector<16xi32>
      %add3A_91 = arith.addi %iota3A, %add3A_90 : vector<16xi32>
      %broadcast_in_dim3A_92 = arith.constant 4 : i32
      %broadcast_in_dim3A_93 = vector.broadcast %broadcast_in_dim3A_92 : i32 to vector<16xi32>
      %gather3A_94 = tpu.vector_load_idx %arg13[%add3A_91, %broadcast_in_dim3A_93] : memref<80x16xf32, #tpu.memory_space<vmem>>[vector<16xi32>, vector<16xi32>], vector<16xf32>,
      %bitcast3A_95 = vector.bitcast %gather3A_94 : vector<16xf32> to vector<16xi32>
      %swap3A_96 = arith.constant 16 : index
      %swap3A_97 = tpu.vector_load %arg9[%swap3A_96] {strides = array<i32>} : memref<80xi32, #tpu.memory_space<vmem>>, vector<16xi32>,
      tpu.vector_store %arg9[%swap3A_96], %bitcast3A_95 {strides = array<i32>} : memref<80xi32, #tpu.memory_space<vmem>>, vector<16xi32>,
      %broadcast_in_dim3A_98 = arith.constant 5 : i32
      %broadcast_in_dim3A_99 = vector.broadcast %broadcast_in_dim3A_98 : i32 to vector<16xi32>
      %gather3A_100 = tpu.vector_load_idx %arg13[%add3A_91, %broadcast_in_dim3A_99] : memref<80x16xf32, #tpu.memory_space<vmem>>[vector<16xi32>, vector<16xi32>], vector<16xf32>,
      %bitcast3A_101 = vector.bitcast %gather3A_100 : vector<16xf32> to vector<16xi32>
      %swap3A_102 = arith.constant 16 : index
      %swap3A_103 = tpu.vector_load %arg10[%swap3A_102] {strides = array<i32>} : memref<80xi32, #tpu.memory_space<vmem>>, vector<16xi32>,
      tpu.vector_store %arg10[%swap3A_102], %bitcast3A_101 {strides = array<i32>} : memref<80xi32, #tpu.memory_space<vmem>>, vector<16xi32>,
      %broadcast_in_dim3A_104 = arith.constant 6 : i32
      %broadcast_in_dim3A_105 = vector.broadcast %broadcast_in_dim3A_104 : i32 to vector<16xi32>
      %gather3A_106 = tpu.vector_load_idx %arg13[%add3A_91, %broadcast_in_dim3A_105] : memref<80x16xf32, #tpu.memory_space<vmem>>[vector<16xi32>, vector<16xi32>], vector<16xf32>,
      %bitcast3A_107 = vector.bitcast %gather3A_106 : vector<16xf32> to vector<16xi32>
      %swap3A_108 = arith.constant 16 : index
      %swap3A_109 = tpu.vector_load %arg11[%swap3A_108] {strides = array<i32>} : memref<80xi32, #tpu.memory_space<vmem>>, vector<16xi32>,
      tpu.vector_store %arg11[%swap3A_108], %bitcast3A_107 {strides = array<i32>} : memref<80xi32, #tpu.memory_space<vmem>>, vector<16xi32>,
      %broadcast_in_dim3A_110 = arith.constant 7 : i32
      %broadcast_in_dim3A_111 = vector.broadcast %broadcast_in_dim3A_110 : i32 to vector<16xi32>
      %gather3A_112 = tpu.vector_load_idx %arg13[%add3A_91, %broadcast_in_dim3A_111] : memref<80x16xf32, #tpu.memory_space<vmem>>[vector<16xi32>, vector<16xi32>], vector<16xf32>,
      %bitcast3A_113 = vector.bitcast %gather3A_112 : vector<16xf32> to vector<16xi32>
      %swap3A_114 = arith.constant 16 : index
      %swap3A_115 = tpu.vector_load %arg8[%swap3A_114] {strides = array<i32>} : memref<80xi32, #tpu.memory_space<vmem>>, vector<16xi32>,
      tpu.vector_store %arg8[%swap3A_114], %bitcast3A_113 {strides = array<i32>} : memref<80xi32, #tpu.memory_space<vmem>>, vector<16xi32>,
      %add3A_116 = arith.constant 32 : i32
      %add3A_117 = vector.broadcast %add3A_116 : i32 to vector<16xi32>
      %add3A_118 = arith.addi %iota3A, %add3A_117 : vector<16xi32>
      %broadcast_in_dim3A_119 = arith.constant 4 : i32
      %broadcast_in_dim3A_120 = vector.broadcast %broadcast_in_dim3A_119 : i32 to vector<16xi32>
      %gather3A_121 = tpu.vector_load_idx %arg13[%add3A_118, %broadcast_in_dim3A_120] : memref<80x16xf32, #tpu.memory_space<vmem>>[vector<16xi32>, vector<16xi32>], vector<16xf32>,
      %bitcast3A_122 = vector.bitcast %gather3A_121 : vector<16xf32> to vector<16xi32>
      %swap3A_123 = arith.constant 32 : index
      %swap3A_124 = tpu.vector_load %arg9[%swap3A_123] {strides = array<i32>} : memref<80xi32, #tpu.memory_space<vmem>>, vector<16xi32>,
      tpu.vector_store %arg9[%swap3A_123], %bitcast3A_122 {strides = array<i32>} : memref<80xi32, #tpu.memory_space<vmem>>, vector<16xi32>,
      %broadcast_in_dim3A_125 = arith.constant 5 : i32
      %broadcast_in_dim3A_126 = vector.broadcast %broadcast_in_dim3A_125 : i32 to vector<16xi32>
      %gather3A_127 = tpu.vector_load_idx %arg13[%add3A_118, %broadcast_in_dim3A_126] : memref<80x16xf32, #tpu.memory_space<vmem>>[vector<16xi32>, vector<16xi32>], vector<16xf32>,
      %bitcast3A_128 = vector.bitcast %gather3A_127 : vector<16xf32> to vector<16xi32>
      %swap3A_129 = arith.constant 32 : index
      %swap3A_130 = tpu.vector_load %arg10[%swap3A_129] {strides = array<i32>} : memref<80xi32, #tpu.memory_space<vmem>>, vector<16xi32>,
      tpu.vector_store %arg10[%swap3A_129], %bitcast3A_128 {strides = array<i32>} : memref<80xi32, #tpu.memory_space<vmem>>, vector<16xi32>,
      %broadcast_in_dim3A_131 = arith.constant 6 : i32
      %broadcast_in_dim3A_132 = vector.broadcast %broadcast_in_dim3A_131 : i32 to vector<16xi32>
      %gather3A_133 = tpu.vector_load_idx %arg13[%add3A_118, %broadcast_in_dim3A_132] : memref<80x16xf32, #tpu.memory_space<vmem>>[vector<16xi32>, vector<16xi32>], vector<16xf32>,
      %bitcast3A_134 = vector.bitcast %gather3A_133 : vector<16xf32> to vector<16xi32>
      %swap3A_135 = arith.constant 32 : index
      %swap3A_136 = tpu.vector_load %arg11[%swap3A_135] {strides = array<i32>} : memref<80xi32, #tpu.memory_space<vmem>>, vector<16xi32>,
      tpu.vector_store %arg11[%swap3A_135], %bitcast3A_134 {strides = array<i32>} : memref<80xi32, #tpu.memory_space<vmem>>, vector<16xi32>,
      %broadcast_in_dim3A_137 = arith.constant 7 : i32
      %broadcast_in_dim3A_138 = vector.broadcast %broadcast_in_dim3A_137 : i32 to vector<16xi32>
      %gather3A_139 = tpu.vector_load_idx %arg13[%add3A_118, %broadcast_in_dim3A_138] : memref<80x16xf32, #tpu.memory_space<vmem>>[vector<16xi32>, vector<16xi32>], vector<16xf32>,
      %bitcast3A_140 = vector.bitcast %gather3A_139 : vector<16xf32> to vector<16xi32>
      %swap3A_141 = arith.constant 32 : index
      %swap3A_142 = tpu.vector_load %arg8[%swap3A_141] {strides = array<i32>} : memref<80xi32, #tpu.memory_space<vmem>>, vector<16xi32>,
      tpu.vector_store %arg8[%swap3A_141], %bitcast3A_140 {strides = array<i32>} : memref<80xi32, #tpu.memory_space<vmem>>, vector<16xi32>,
      %add3A_143 = arith.constant 48 : i32
      %add3A_144 = vector.broadcast %add3A_143 : i32 to vector<16xi32>
      %add3A_145 = arith.addi %iota3A, %add3A_144 : vector<16xi32>
      %broadcast_in_dim3A_146 = arith.constant 4 : i32
      %broadcast_in_dim3A_147 = vector.broadcast %broadcast_in_dim3A_146 : i32 to vector<16xi32>
      %gather3A_148 = tpu.vector_load_idx %arg13[%add3A_145, %broadcast_in_dim3A_147] : memref<80x16xf32, #tpu.memory_space<vmem>>[vector<16xi32>, vector<16xi32>], vector<16xf32>,
      %bitcast3A_149 = vector.bitcast %gather3A_148 : vector<16xf32> to vector<16xi32>
      %swap3A_150 = arith.constant 48 : index
      %swap3A_151 = tpu.vector_load %arg9[%swap3A_150] {strides = array<i32>} : memref<80xi32, #tpu.memory_space<vmem>>, vector<16xi32>,
      tpu.vector_store %arg9[%swap3A_150], %bitcast3A_149 {strides = array<i32>} : memref<80xi32, #tpu.memory_space<vmem>>, vector<16xi32>,
      %broadcast_in_dim3A_152 = arith.constant 5 : i32
      %broadcast_in_dim3A_153 = vector.broadcast %broadcast_in_dim3A_152 : i32 to vector<16xi32>
      %gather3A_154 = tpu.vector_load_idx %arg13[%add3A_145, %broadcast_in_dim3A_153] : memref<80x16xf32, #tpu.memory_space<vmem>>[vector<16xi32>, vector<16xi32>], vector<16xf32>,
      %bitcast3A_155 = vector.bitcast %gather3A_154 : vector<16xf32> to vector<16xi32>
      %swap3A_156 = arith.constant 48 : index
      %swap3A_157 = tpu.vector_load %arg10[%swap3A_156] {strides = array<i32>} : memref<80xi32, #tpu.memory_space<vmem>>, vector<16xi32>,
      tpu.vector_store %arg10[%swap3A_156], %bitcast3A_155 {strides = array<i32>} : memref<80xi32, #tpu.memory_space<vmem>>, vector<16xi32>,
      %broadcast_in_dim3A_158 = arith.constant 6 : i32
      %broadcast_in_dim3A_159 = vector.broadcast %broadcast_in_dim3A_158 : i32 to vector<16xi32>
      %gather3A_160 = tpu.vector_load_idx %arg13[%add3A_145, %broadcast_in_dim3A_159] : memref<80x16xf32, #tpu.memory_space<vmem>>[vector<16xi32>, vector<16xi32>], vector<16xf32>,
      %bitcast3A_161 = vector.bitcast %gather3A_160 : vector<16xf32> to vector<16xi32>
      %swap3A_162 = arith.constant 48 : index
      %swap3A_163 = tpu.vector_load %arg11[%swap3A_162] {strides = array<i32>} : memref<80xi32, #tpu.memory_space<vmem>>, vector<16xi32>,
      tpu.vector_store %arg11[%swap3A_162], %bitcast3A_161 {strides = array<i32>} : memref<80xi32, #tpu.memory_space<vmem>>, vector<16xi32>,
      %broadcast_in_dim3A_164 = arith.constant 7 : i32
      %broadcast_in_dim3A_165 = vector.broadcast %broadcast_in_dim3A_164 : i32 to vector<16xi32>
      %gather3A_166 = tpu.vector_load_idx %arg13[%add3A_145, %broadcast_in_dim3A_165] : memref<80x16xf32, #tpu.memory_space<vmem>>[vector<16xi32>, vector<16xi32>], vector<16xf32>,
      %bitcast3A_167 = vector.bitcast %gather3A_166 : vector<16xf32> to vector<16xi32>
      %swap3A_168 = arith.constant 48 : index
      %swap3A_169 = tpu.vector_load %arg8[%swap3A_168] {strides = array<i32>} : memref<80xi32, #tpu.memory_space<vmem>>, vector<16xi32>,
      tpu.vector_store %arg8[%swap3A_168], %bitcast3A_167 {strides = array<i32>} : memref<80xi32, #tpu.memory_space<vmem>>, vector<16xi32>,
      %add3A_170 = arith.constant 64 : i32
      %add3A_171 = vector.broadcast %add3A_170 : i32 to vector<16xi32>
      %add3A_172 = arith.addi %iota3A, %add3A_171 : vector<16xi32>
      %broadcast_in_dim3A_173 = arith.constant 4 : i32
      %broadcast_in_dim3A_174 = vector.broadcast %broadcast_in_dim3A_173 : i32 to vector<16xi32>
      %gather3A_175 = tpu.vector_load_idx %arg13[%add3A_172, %broadcast_in_dim3A_174] : memref<80x16xf32, #tpu.memory_space<vmem>>[vector<16xi32>, vector<16xi32>], vector<16xf32>,
      %bitcast3A_176 = vector.bitcast %gather3A_175 : vector<16xf32> to vector<16xi32>
      %swap3A_177 = arith.constant 64 : index
      %swap3A_178 = tpu.vector_load %arg9[%swap3A_177] {strides = array<i32>} : memref<80xi32, #tpu.memory_space<vmem>>, vector<16xi32>,
      tpu.vector_store %arg9[%swap3A_177], %bitcast3A_176 {strides = array<i32>} : memref<80xi32, #tpu.memory_space<vmem>>, vector<16xi32>,
      %broadcast_in_dim3A_179 = arith.constant 5 : i32
      %broadcast_in_dim3A_180 = vector.broadcast %broadcast_in_dim3A_179 : i32 to vector<16xi32>
      %gather3A_181 = tpu.vector_load_idx %arg13[%add3A_172, %broadcast_in_dim3A_180] : memref<80x16xf32, #tpu.memory_space<vmem>>[vector<16xi32>, vector<16xi32>], vector<16xf32>,
      %bitcast3A_182 = vector.bitcast %gather3A_181 : vector<16xf32> to vector<16xi32>
      %swap3A_183 = arith.constant 64 : index
      %swap3A_184 = tpu.vector_load %arg10[%swap3A_183] {strides = array<i32>} : memref<80xi32, #tpu.memory_space<vmem>>, vector<16xi32>,
      tpu.vector_store %arg10[%swap3A_183], %bitcast3A_182 {strides = array<i32>} : memref<80xi32, #tpu.memory_space<vmem>>, vector<16xi32>,
      %broadcast_in_dim3A_185 = arith.constant 6 : i32
      %broadcast_in_dim3A_186 = vector.broadcast %broadcast_in_dim3A_185 : i32 to vector<16xi32>
      %gather3A_187 = tpu.vector_load_idx %arg13[%add3A_172, %broadcast_in_dim3A_186] : memref<80x16xf32, #tpu.memory_space<vmem>>[vector<16xi32>, vector<16xi32>], vector<16xf32>,
      %bitcast3A_188 = vector.bitcast %gather3A_187 : vector<16xf32> to vector<16xi32>
      %swap3A_189 = arith.constant 64 : index
      %swap3A_190 = tpu.vector_load %arg11[%swap3A_189] {strides = array<i32>} : memref<80xi32, #tpu.memory_space<vmem>>, vector<16xi32>,
      tpu.vector_store %arg11[%swap3A_189], %bitcast3A_188 {strides = array<i32>} : memref<80xi32, #tpu.memory_space<vmem>>, vector<16xi32>,
      %broadcast_in_dim3A_191 = arith.constant 7 : i32
      %broadcast_in_dim3A_192 = vector.broadcast %broadcast_in_dim3A_191 : i32 to vector<16xi32>
      %gather3A_193 = tpu.vector_load_idx %arg13[%add3A_172, %broadcast_in_dim3A_192] : memref<80x16xf32, #tpu.memory_space<vmem>>[vector<16xi32>, vector<16xi32>], vector<16xf32>,
      %bitcast3A_194 = vector.bitcast %gather3A_193 : vector<16xf32> to vector<16xi32>
      %swap3A_195 = arith.constant 64 : index
      %swap3A_196 = tpu.vector_load %arg8[%swap3A_195] {strides = array<i32>} : memref<80xi32, #tpu.memory_space<vmem>>, vector<16xi32>,
      tpu.vector_store %arg8[%swap3A_195], %bitcast3A_194 {strides = array<i32>} : memref<80xi32, #tpu.memory_space<vmem>>, vector<16xi32>,
      %dma_start3A_197 = arith.constant 0 : i32
      %dma_start3A_198 = arith.constant 0 : i32
      %dma_start3A_199 = tpu.memref_slice %arg5[%dma_start3A_197, %dma_start3A_198] : memref<20000x128xf32, #tpu.memory_space<hbm>> -> memref<20000x128xf32, #tpu.memory_space<hbm>>
      tpu.enqueue_indirect_dma source(%dma_start3A_199 : memref<20000x128xf32, #tpu.memory_space<hbm>>) target(%arg12 : memref<80x128xf32, #tpu.memory_space<vmem>>) offsets(%arg9 : memref<80xi32, #tpu.memory_space<vmem>>) semaphore(%arg18 : memref<!tpu.dma_semaphore, #tpu.memory_space<semaphore_mem>>)
      %scan3A_200 = arith.constant 0 : i32
      %scan3A_201 = arith.constant 0 : i32
      %scan3A_202 = arith.constant 80 : i32
      %scan3A_203 = arith.addi %scan3A_201, %scan3A_202 : i32
      %scan3A_204 = arith.constant 1 : i32
      scf.for %scan3A_221 = %scan3A_201 to %scan3A_203 step %scan3A_204  : i32 {
        %swap3A_222 = arith.index_cast %scan3A_221 : i32 to index
        %swap3A_223 = arith.constant 0 : index
        %swap3A_224 = tpu.vector_load %arg14[%swap3A_222, %swap3A_223] {strides = array<i32>} : memref<80x128xf32, #tpu.memory_space<vmem>>, vector<16xf32>,
        tpu.vector_store %arg14[%swap3A_222, %swap3A_223], %broadcast_in_dim3A_0 {strides = array<i32>} : memref<80x128xf32, #tpu.memory_space<vmem>>, vector<16xf32>,
        %swap3A_225 = arith.index_cast %scan3A_221 : i32 to index
        %swap3A_226 = arith.constant 16 : index
        %swap3A_227 = tpu.vector_load %arg14[%swap3A_225, %swap3A_226] {strides = array<i32>} : memref<80x128xf32, #tpu.memory_space<vmem>>, vector<16xf32>,
        tpu.vector_store %arg14[%swap3A_225, %swap3A_226], %broadcast_in_dim3A_0 {strides = array<i32>} : memref<80x128xf32, #tpu.memory_space<vmem>>, vector<16xf32>,
        %swap3A_228 = arith.index_cast %scan3A_221 : i32 to index
        %swap3A_229 = arith.constant 32 : index
        %swap3A_230 = tpu.vector_load %arg14[%swap3A_228, %swap3A_229] {strides = array<i32>} : memref<80x128xf32, #tpu.memory_space<vmem>>, vector<16xf32>,
        tpu.vector_store %arg14[%swap3A_228, %swap3A_229], %broadcast_in_dim3A_0 {strides = array<i32>} : memref<80x128xf32, #tpu.memory_space<vmem>>, vector<16xf32>,
        %swap3A_231 = arith.index_cast %scan3A_221 : i32 to index
        %swap3A_232 = arith.constant 48 : index
        %swap3A_233 = tpu.vector_load %arg14[%swap3A_231, %swap3A_232] {strides = array<i32>} : memref<80x128xf32, #tpu.memory_space<vmem>>, vector<16xf32>,
        tpu.vector_store %arg14[%swap3A_231, %swap3A_232], %broadcast_in_dim3A_0 {strides = array<i32>} : memref<80x128xf32, #tpu.memory_space<vmem>>, vector<16xf32>,
        %swap3A_234 = arith.index_cast %scan3A_221 : i32 to index
        %swap3A_235 = arith.constant 64 : index
        %swap3A_236 = tpu.vector_load %arg14[%swap3A_234, %swap3A_235] {strides = array<i32>} : memref<80x128xf32, #tpu.memory_space<vmem>>, vector<16xf32>,
        tpu.vector_store %arg14[%swap3A_234, %swap3A_235], %broadcast_in_dim3A_0 {strides = array<i32>} : memref<80x128xf32, #tpu.memory_space<vmem>>, vector<16xf32>,
        %swap3A_237 = arith.index_cast %scan3A_221 : i32 to index
        %swap3A_238 = arith.constant 80 : index
        %swap3A_239 = tpu.vector_load %arg14[%swap3A_237, %swap3A_238] {strides = array<i32>} : memref<80x128xf32, #tpu.memory_space<vmem>>, vector<16xf32>,
        tpu.vector_store %arg14[%swap3A_237, %swap3A_238], %broadcast_in_dim3A_0 {strides = array<i32>} : memref<80x128xf32, #tpu.memory_space<vmem>>, vector<16xf32>,
        %swap3A_240 = arith.index_cast %scan3A_221 : i32 to index
        %swap3A_241 = arith.constant 96 : index
        %swap3A_242 = tpu.vector_load %arg14[%swap3A_240, %swap3A_241] {strides = array<i32>} : memref<80x128xf32, #tpu.memory_space<vmem>>, vector<16xf32>,
        tpu.vector_store %arg14[%swap3A_240, %swap3A_241], %broadcast_in_dim3A_0 {strides = array<i32>} : memref<80x128xf32, #tpu.memory_space<vmem>>, vector<16xf32>,
        %swap3A_243 = arith.index_cast %scan3A_221 : i32 to index
        %swap3A_244 = arith.constant 112 : index
        %swap3A_245 = tpu.vector_load %arg14[%swap3A_243, %swap3A_244] {strides = array<i32>} : memref<80x128xf32, #tpu.memory_space<vmem>>, vector<16xf32>,
        tpu.vector_store %arg14[%swap3A_243, %swap3A_244], %broadcast_in_dim3A_0 {strides = array<i32>} : memref<80x128xf32, #tpu.memory_space<vmem>>, vector<16xf32>,
      }
      %scan3A_205 = arith.constant 80 : i32
      %scan3A_206 = arith.constant 0 : i32
      %scan3A_207 = arith.constant 0 : i32
      %scan3A_208 = arith.constant 80 : i32
      %scan3A_209 = arith.addi %scan3A_207, %scan3A_208 : i32
      %scan3A_210 = arith.constant 1 : i32
      scf.for %scan3A_221 = %scan3A_207 to %scan3A_209 step %scan3A_210  : i32 {
        %broadcast_in_dim3A_222 = arith.constant 0 : i32
        %broadcast_in_dim3A_223 = vector.broadcast %broadcast_in_dim3A_222 : i32 to vector<16xi32>
        %add3A_224 = vector.broadcast %scan3A_221 : i32 to vector<16xi32>
        %add3A_225 = arith.addi %broadcast_in_dim3A_223, %add3A_224 : vector<16xi32>
        %get3A = arith.index_cast %scan3A_221 : i32 to index
        %get3A_226 = arith.constant 0 : index
        %get3A_227 = tpu.vector_load %arg13[%get3A, %get3A_226] {strides = array<i32>} : memref<80x16xf32, #tpu.memory_space<vmem>>, vector<16xf32>,
        %mul3A_228 = arith.mulf %get3A_227, %select_n3A : vector<16xf32>
        %gather3A_229 = tpu.vector_load_idx %arg11[%add3A_225] : memref<80xi32, #tpu.memory_space<vmem>>[vector<16xi32>], vector<16xi32>,
        %add3A_230 = arith.addi %gather3A_229, %select_n3A_8 : vector<16xi32>
        tpu.vector_store_idx %arg14[%add3A_225, %add3A_230], %mul3A_228 masked %lt3A_2 : memref<80x128xf32, #tpu.memory_space<vmem>>[vector<16xi32>, vector<16xi32>], vector<16xf32>, vector<16xi1>
      }
      %scan3A_211 = arith.constant 80 : i32
      "tpu.region"() ({
        %run_scoped3A = tpu.sem_alloc : memref<!tpu.dma_semaphore, #tpu.memory_space<semaphore_mem>>
        %dma_start3A_221 = arith.constant 0 : i32
        %dma_start3A_222 = arith.constant 0 : i32
        %dma_start3A_223 = tpu.memref_slice %arg17[%dma_start3A_221, %dma_start3A_222] : memref<1280x128xf32, #tpu.memory_space<vmem_shared>> -> memref<1280x128xf32, #tpu.memory_space<vmem_shared>>
        tpu.enqueue_indirect_dma source(%arg14 : memref<80x128xf32, #tpu.memory_space<vmem>>) target(%dma_start3A_223 : memref<1280x128xf32, #tpu.memory_space<vmem_shared>>) offsets(%arg10 : memref<80xi32, #tpu.memory_space<vmem>>) semaphore(%run_scoped3A : memref<!tpu.dma_semaphore, #tpu.memory_space<semaphore_mem>>) {add = true}
        %dma_wait3A_224 = arith.constant 0 : i32
        %dma_wait3A_225 = arith.constant 0 : i32
        %dma_wait3A_226 = tpu.memref_slice %arg17[%dma_wait3A_224, %dma_wait3A_225] : memref<1280x128xf32, #tpu.memory_space<vmem_shared>> -> memref<1280x128xf32, #tpu.memory_space<vmem_shared>>
        tpu.wait_indirect_dma semaphore(%run_scoped3A : memref<!tpu.dma_semaphore, #tpu.memory_space<semaphore_mem>>) src(%arg14 : memref<80x128xf32, #tpu.memory_space<vmem>>) dst(%dma_wait3A_226 : memref<1280x128xf32, #tpu.memory_space<vmem_shared>>)
        tpu.yield
      }) : () -> ()
      %dma_wait3A_212 = arith.constant 0 : i32
      %dma_wait3A_213 = arith.constant 0 : i32
      %dma_wait3A_214 = tpu.memref_slice %arg5[%dma_wait3A_212, %dma_wait3A_213] : memref<20000x128xf32, #tpu.memory_space<hbm>> -> memref<20000x128xf32, #tpu.memory_space<hbm>>
      tpu.wait_indirect_dma semaphore(%arg18 : memref<!tpu.dma_semaphore, #tpu.memory_space<semaphore_mem>>) src(%dma_wait3A_214 : memref<20000x128xf32, #tpu.memory_space<hbm>>) dst(%arg12 : memref<80x128xf32, #tpu.memory_space<vmem>>)
      %scan3A_215 = arith.constant 0 : i32
      %scan3A_216 = arith.constant 0 : i32
      %scan3A_217 = arith.constant 80 : i32
      %scan3A_218 = arith.addi %scan3A_216, %scan3A_217 : i32
      %scan3A_219 = arith.constant 1 : i32
      scf.for %scan3A_221 = %scan3A_216 to %scan3A_218 step %scan3A_219  : i32 {
        %get3A = arith.index_cast %scan3A_221 : i32 to index
        %get3A_222 = arith.constant 0 : index
        %get3A_223 = tpu.vector_load %arg13[%get3A, %get3A_222] {strides = array<i32>} : memref<80x16xf32, #tpu.memory_space<vmem>>, vector<16xf32>,
        %get3A_224 = arith.index_cast %scan3A_221 : i32 to index
        %get3A_225 = arith.constant 0 : index
        %get3A_226 = tpu.vector_load %arg12[%get3A_224, %get3A_225] {strides = array<i32>} : memref<80x128xf32, #tpu.memory_space<vmem>>, vector<16xf32>,
        %broadcast_in_dim3A_227 = arith.constant 0 : i32
        %broadcast_in_dim3A_228 = vector.broadcast %broadcast_in_dim3A_227 : i32 to vector<16xi32>
        %broadcast_in_dim3A_229 = vector.shape_cast %broadcast_in_dim3A_228 : vector<16xi32> to vector<16x1xi32>
        %gather3A_230 = vector.shape_cast %broadcast_in_dim3A_229 : vector<16x1xi32> to vector<16xi32>
        %gather3A_231 = tpu.dynamic_gather %get3A_223[%gather3A_230] in [0] : vector<16xf32>, vector<16xi32> -> vector<16xf32>
        %mul3A_232 = arith.mulf %get3A_226, %gather3A_231 : vector<16xf32>
        %swap3A_233 = arith.index_cast %scan3A_221 : i32 to index
        %swap3A_234 = arith.constant 0 : index
        %swap3A_235 = tpu.vector_load %arg14[%swap3A_233, %swap3A_234] {strides = array<i32>} : memref<80x128xf32, #tpu.memory_space<vmem>>, vector<16xf32>,
        tpu.vector_store %arg14[%swap3A_233, %swap3A_234], %mul3A_232 {strides = array<i32>} : memref<80x128xf32, #tpu.memory_space<vmem>>, vector<16xf32>,
        %get3A_236 = arith.index_cast %scan3A_221 : i32 to index
        %get3A_237 = arith.constant 16 : index
        %get3A_238 = tpu.vector_load %arg12[%get3A_236, %get3A_237] {strides = array<i32>} : memref<80x128xf32, #tpu.memory_space<vmem>>, vector<16xf32>,
        %broadcast_in_dim3A_239 = arith.constant 0 : i32
        %broadcast_in_dim3A_240 = vector.broadcast %broadcast_in_dim3A_239 : i32 to vector<16xi32>
        %broadcast_in_dim3A_241 = vector.shape_cast %broadcast_in_dim3A_240 : vector<16xi32> to vector<16x1xi32>
        %gather3A_242 = vector.shape_cast %broadcast_in_dim3A_241 : vector<16x1xi32> to vector<16xi32>
        %gather3A_243 = tpu.dynamic_gather %get3A_223[%gather3A_242] in [0] : vector<16xf32>, vector<16xi32> -> vector<16xf32>
        %mul3A_244 = arith.mulf %get3A_238, %gather3A_243 : vector<16xf32>
        %swap3A_245 = arith.index_cast %scan3A_221 : i32 to index
        %swap3A_246 = arith.constant 16 : index
        %swap3A_247 = tpu.vector_load %arg14[%swap3A_245, %swap3A_246] {strides = array<i32>} : memref<80x128xf32, #tpu.memory_space<vmem>>, vector<16xf32>,
        tpu.vector_store %arg14[%swap3A_245, %swap3A_246], %mul3A_244 {strides = array<i32>} : memref<80x128xf32, #tpu.memory_space<vmem>>, vector<16xf32>,
        %get3A_248 = arith.index_cast %scan3A_221 : i32 to index
        %get3A_249 = arith.constant 32 : index
        %get3A_250 = tpu.vector_load %arg12[%get3A_248, %get3A_249] {strides = array<i32>} : memref<80x128xf32, #tpu.memory_space<vmem>>, vector<16xf32>,
        %broadcast_in_dim3A_251 = arith.constant 1 : i32
        %broadcast_in_dim3A_252 = vector.broadcast %broadcast_in_dim3A_251 : i32 to vector<16xi32>
        %broadcast_in_dim3A_253 = vector.shape_cast %broadcast_in_dim3A_252 : vector<16xi32> to vector<16x1xi32>
        %gather3A_254 = vector.shape_cast %broadcast_in_dim3A_253 : vector<16x1xi32> to vector<16xi32>
        %gather3A_255 = tpu.dynamic_gather %get3A_223[%gather3A_254] in [0] : vector<16xf32>, vector<16xi32> -> vector<16xf32>
        %mul3A_256 = arith.mulf %get3A_250, %gather3A_255 : vector<16xf32>
        %swap3A_257 = arith.index_cast %scan3A_221 : i32 to index
        %swap3A_258 = arith.constant 32 : index
        %swap3A_259 = tpu.vector_load %arg14[%swap3A_257, %swap3A_258] {strides = array<i32>} : memref<80x128xf32, #tpu.memory_space<vmem>>, vector<16xf32>,
        tpu.vector_store %arg14[%swap3A_257, %swap3A_258], %mul3A_256 {strides = array<i32>} : memref<80x128xf32, #tpu.memory_space<vmem>>, vector<16xf32>,
        %get3A_260 = arith.index_cast %scan3A_221 : i32 to index
        %get3A_261 = arith.constant 48 : index
        %get3A_262 = tpu.vector_load %arg12[%get3A_260, %get3A_261] {strides = array<i32>} : memref<80x128xf32, #tpu.memory_space<vmem>>, vector<16xf32>,
        %broadcast_in_dim3A_263 = arith.constant 1 : i32
        %broadcast_in_dim3A_264 = vector.broadcast %broadcast_in_dim3A_263 : i32 to vector<16xi32>
        %broadcast_in_dim3A_265 = vector.shape_cast %broadcast_in_dim3A_264 : vector<16xi32> to vector<16x1xi32>
        %gather3A_266 = vector.shape_cast %broadcast_in_dim3A_265 : vector<16x1xi32> to vector<16xi32>
        %gather3A_267 = tpu.dynamic_gather %get3A_223[%gather3A_266] in [0] : vector<16xf32>, vector<16xi32> -> vector<16xf32>
        %mul3A_268 = arith.mulf %get3A_262, %gather3A_267 : vector<16xf32>
        %swap3A_269 = arith.index_cast %scan3A_221 : i32 to index
        %swap3A_270 = arith.constant 48 : index
        %swap3A_271 = tpu.vector_load %arg14[%swap3A_269, %swap3A_270] {strides = array<i32>} : memref<80x128xf32, #tpu.memory_space<vmem>>, vector<16xf32>,
        tpu.vector_store %arg14[%swap3A_269, %swap3A_270], %mul3A_268 {strides = array<i32>} : memref<80x128xf32, #tpu.memory_space<vmem>>, vector<16xf32>,
        %get3A_272 = arith.index_cast %scan3A_221 : i32 to index
        %get3A_273 = arith.constant 64 : index
        %get3A_274 = tpu.vector_load %arg12[%get3A_272, %get3A_273] {strides = array<i32>} : memref<80x128xf32, #tpu.memory_space<vmem>>, vector<16xf32>,
        %broadcast_in_dim3A_275 = arith.constant 2 : i32
        %broadcast_in_dim3A_276 = vector.broadcast %broadcast_in_dim3A_275 : i32 to vector<16xi32>
        %broadcast_in_dim3A_277 = vector.shape_cast %broadcast_in_dim3A_276 : vector<16xi32> to vector<16x1xi32>
        %gather3A_278 = vector.shape_cast %broadcast_in_dim3A_277 : vector<16x1xi32> to vector<16xi32>
        %gather3A_279 = tpu.dynamic_gather %get3A_223[%gather3A_278] in [0] : vector<16xf32>, vector<16xi32> -> vector<16xf32>
        %mul3A_280 = arith.mulf %get3A_274, %gather3A_279 : vector<16xf32>
        %swap3A_281 = arith.index_cast %scan3A_221 : i32 to index
        %swap3A_282 = arith.constant 64 : index
        %swap3A_283 = tpu.vector_load %arg14[%swap3A_281, %swap3A_282] {strides = array<i32>} : memref<80x128xf32, #tpu.memory_space<vmem>>, vector<16xf32>,
        tpu.vector_store %arg14[%swap3A_281, %swap3A_282], %mul3A_280 {strides = array<i32>} : memref<80x128xf32, #tpu.memory_space<vmem>>, vector<16xf32>,
        %get3A_284 = arith.index_cast %scan3A_221 : i32 to index
        %get3A_285 = arith.constant 80 : index
        %get3A_286 = tpu.vector_load %arg12[%get3A_284, %get3A_285] {strides = array<i32>} : memref<80x128xf32, #tpu.memory_space<vmem>>, vector<16xf32>,
        %broadcast_in_dim3A_287 = arith.constant 2 : i32
        %broadcast_in_dim3A_288 = vector.broadcast %broadcast_in_dim3A_287 : i32 to vector<16xi32>
        %broadcast_in_dim3A_289 = vector.shape_cast %broadcast_in_dim3A_288 : vector<16xi32> to vector<16x1xi32>
        %gather3A_290 = vector.shape_cast %broadcast_in_dim3A_289 : vector<16x1xi32> to vector<16xi32>
        %gather3A_291 = tpu.dynamic_gather %get3A_223[%gather3A_290] in [0] : vector<16xf32>, vector<16xi32> -> vector<16xf32>
        %mul3A_292 = arith.mulf %get3A_286, %gather3A_291 : vector<16xf32>
        %swap3A_293 = arith.index_cast %scan3A_221 : i32 to index
        %swap3A_294 = arith.constant 80 : index
        %swap3A_295 = tpu.vector_load %arg14[%swap3A_293, %swap3A_294] {strides = array<i32>} : memref<80x128xf32, #tpu.memory_space<vmem>>, vector<16xf32>,
        tpu.vector_store %arg14[%swap3A_293, %swap3A_294], %mul3A_292 {strides = array<i32>} : memref<80x128xf32, #tpu.memory_space<vmem>>, vector<16xf32>,
        %get3A_296 = arith.index_cast %scan3A_221 : i32 to index
        %get3A_297 = arith.constant 96 : index
        %get3A_298 = tpu.vector_load %arg12[%get3A_296, %get3A_297] {strides = array<i32>} : memref<80x128xf32, #tpu.memory_space<vmem>>, vector<16xf32>,
        %broadcast_in_dim3A_299 = arith.constant 3 : i32
        %broadcast_in_dim3A_300 = vector.broadcast %broadcast_in_dim3A_299 : i32 to vector<16xi32>
        %broadcast_in_dim3A_301 = vector.shape_cast %broadcast_in_dim3A_300 : vector<16xi32> to vector<16x1xi32>
        %gather3A_302 = vector.shape_cast %broadcast_in_dim3A_301 : vector<16x1xi32> to vector<16xi32>
        %gather3A_303 = tpu.dynamic_gather %get3A_223[%gather3A_302] in [0] : vector<16xf32>, vector<16xi32> -> vector<16xf32>
        %mul3A_304 = arith.mulf %get3A_298, %gather3A_303 : vector<16xf32>
        %swap3A_305 = arith.index_cast %scan3A_221 : i32 to index
        %swap3A_306 = arith.constant 96 : index
        %swap3A_307 = tpu.vector_load %arg14[%swap3A_305, %swap3A_306] {strides = array<i32>} : memref<80x128xf32, #tpu.memory_space<vmem>>, vector<16xf32>,
        tpu.vector_store %arg14[%swap3A_305, %swap3A_306], %mul3A_304 {strides = array<i32>} : memref<80x128xf32, #tpu.memory_space<vmem>>, vector<16xf32>,
        %get3A_308 = arith.index_cast %scan3A_221 : i32 to index
        %get3A_309 = arith.constant 112 : index
        %get3A_310 = tpu.vector_load %arg12[%get3A_308, %get3A_309] {strides = array<i32>} : memref<80x128xf32, #tpu.memory_space<vmem>>, vector<16xf32>,
        %broadcast_in_dim3A_311 = arith.constant 3 : i32
        %broadcast_in_dim3A_312 = vector.broadcast %broadcast_in_dim3A_311 : i32 to vector<16xi32>
        %broadcast_in_dim3A_313 = vector.shape_cast %broadcast_in_dim3A_312 : vector<16xi32> to vector<16x1xi32>
        %gather3A_314 = vector.shape_cast %broadcast_in_dim3A_313 : vector<16x1xi32> to vector<16xi32>
        %gather3A_315 = tpu.dynamic_gather %get3A_223[%gather3A_314] in [0] : vector<16xf32>, vector<16xi32> -> vector<16xf32>
        %mul3A_316 = arith.mulf %get3A_310, %gather3A_315 : vector<16xf32>
        %swap3A_317 = arith.index_cast %scan3A_221 : i32 to index
        %swap3A_318 = arith.constant 112 : index
        %swap3A_319 = tpu.vector_load %arg14[%swap3A_317, %swap3A_318] {strides = array<i32>} : memref<80x128xf32, #tpu.memory_space<vmem>>, vector<16xf32>,
        tpu.vector_store %arg14[%swap3A_317, %swap3A_318], %mul3A_316 {strides = array<i32>} : memref<80x128xf32, #tpu.memory_space<vmem>>, vector<16xf32>,
      }
      %scan3A_220 = arith.constant 80 : i32
      "tpu.region"() ({
        %run_scoped3A = tpu.sem_alloc : memref<!tpu.dma_semaphore, #tpu.memory_space<semaphore_mem>>
        %dma_start3A_221 = arith.constant 0 : i32
        %dma_start3A_222 = arith.constant 0 : i32
        %dma_start3A_223 = tpu.memref_slice %arg16[%dma_start3A_221, %dma_start3A_222] : memref<10240x128xf32, #tpu.memory_space<vmem_shared>> -> memref<10240x128xf32, #tpu.memory_space<vmem_shared>>
        tpu.enqueue_indirect_dma source(%arg14 : memref<80x128xf32, #tpu.memory_space<vmem>>) target(%dma_start3A_223 : memref<10240x128xf32, #tpu.memory_space<vmem_shared>>) offsets(%arg8 : memref<80xi32, #tpu.memory_space<vmem>>) semaphore(%run_scoped3A : memref<!tpu.dma_semaphore, #tpu.memory_space<semaphore_mem>>) {add = true}
        %dma_wait3A_224 = arith.constant 0 : i32
        %dma_wait3A_225 = arith.constant 0 : i32
        %dma_wait3A_226 = tpu.memref_slice %arg16[%dma_wait3A_224, %dma_wait3A_225] : memref<10240x128xf32, #tpu.memory_space<vmem_shared>> -> memref<10240x128xf32, #tpu.memory_space<vmem_shared>>
        tpu.wait_indirect_dma semaphore(%run_scoped3A : memref<!tpu.dma_semaphore, #tpu.memory_space<semaphore_mem>>) src(%arg14 : memref<80x128xf32, #tpu.memory_space<vmem>>) dst(%dma_wait3A_226 : memref<10240x128xf32, #tpu.memory_space<vmem_shared>>)
        tpu.yield
      }) : () -> ()
    }
    %scan3A_38 = arith.constant 250 : i32
    %barrier3A_39 = arith.constant 0 : index
    tpu.barrier barrier_id(%barrier3A_39)
    %scan3A_40 = arith.constant 0 : i32
    %scan3A_41 = arith.constant 0 : i32
    %scan3A_42 = arith.constant 40 : i32
    %scan3A_43 = arith.addi %scan3A_41, %scan3A_42 : i32
    %scan3A_44 = arith.constant 1 : i32
    scf.for %scan3A_52 = %scan3A_41 to %scan3A_43 step %scan3A_44  : i32 {
      %mul3A_53 = arith.constant 16 : i32
      %mul3A_54 = arith.muli %scan3A_52, %mul3A_53 : i32
      %add3A = arith.addi %mul3A_9, %mul3A_54 : i32
      %add3A_55 = vector.broadcast %add3A : i32 to vector<16xi32>
      %add3A_56 = arith.addi %add3A_55, %iota3A : vector<16xi32>
      "tpu.region"() ({
        %run_scoped3A = tpu.sem_alloc : memref<!tpu.dma_semaphore, #tpu.memory_space<semaphore_mem>>
        %dma_start3A = arith.constant 0 : i32
        %dma_start3A_60 = arith.constant 0 : i32
        %dma_start3A_61 = tpu.memref_slice %arg16[%dma_start3A, %dma_start3A_60] : memref<10240x128xf32, #tpu.memory_space<vmem_shared>> -> memref<10240x128xf32, #tpu.memory_space<vmem_shared>>
        tpu.enqueue_indirect_dma source(%dma_start3A_61 : memref<10240x128xf32, #tpu.memory_space<vmem_shared>>) target(%arg15 : memref<16x128xf32, #tpu.memory_space<vmem>>) offsets(%add3A_56 : vector<16xi32>) semaphore(%run_scoped3A : memref<!tpu.dma_semaphore, #tpu.memory_space<semaphore_mem>>)
        %dma_wait3A = arith.constant 0 : i32
        %dma_wait3A_62 = arith.constant 0 : i32
        %dma_wait3A_63 = tpu.memref_slice %arg16[%dma_wait3A, %dma_wait3A_62] : memref<10240x128xf32, #tpu.memory_space<vmem_shared>> -> memref<10240x128xf32, #tpu.memory_space<vmem_shared>>
        tpu.wait_indirect_dma semaphore(%run_scoped3A : memref<!tpu.dma_semaphore, #tpu.memory_space<semaphore_mem>>) src(%dma_wait3A_63 : memref<10240x128xf32, #tpu.memory_space<vmem_shared>>) dst(%arg15 : memref<16x128xf32, #tpu.memory_space<vmem>>)
        tpu.yield
      }) : () -> ()
      %mul3A_57 = arith.constant 16 : i32
      %mul3A_58 = arith.muli %scan3A_52, %mul3A_57 : i32
      %add3A_59 = arith.addi %mul3A_9, %mul3A_58 : i32
      "tpu.region"() ({
        %run_scoped3A = tpu.sem_alloc : memref<!tpu.dma_semaphore, #tpu.memory_space<semaphore_mem>>
        %dma_start3A = arith.constant 0 : i32
        %dma_start3A_60 = tpu.memref_slice %arg6[%arg0, %add3A_59, %dma_start3A] : memref<2x10240x128xf32, #tpu.memory_space<hbm>> -> memref<1x16x128xf32, #tpu.memory_space<hbm>>
        %dma_start3A_61 = tpu.memref_squeeze %dma_start3A_60 : memref<1x16x128xf32, #tpu.memory_space<hbm>> -> memref<16x128xf32, #tpu.memory_space<hbm>>
        %dma_start3A_62 = arith.constant 0 : i32
        %dma_start3A_63 = tpu.memref_slice %arg6[%arg0, %add3A_59, %dma_start3A_62] : memref<2x10240x128xf32, #tpu.memory_space<hbm>> -> memref<1x16x128xf32, #tpu.memory_space<hbm>>
        %dma_start3A_64 = tpu.memref_squeeze %dma_start3A_63 : memref<1x16x128xf32, #tpu.memory_space<hbm>> -> memref<16x128xf32, #tpu.memory_space<hbm>>
        tpu.enqueue_dma source(%arg15 : memref<16x128xf32, #tpu.memory_space<vmem>>) target(%dma_start3A_64 : memref<16x128xf32, #tpu.memory_space<hbm>>) target_semaphore(%run_scoped3A : memref<!tpu.dma_semaphore, #tpu.memory_space<semaphore_mem>>)
        %dma_wait3A = arith.constant 0 : i32
        %dma_wait3A_65 = tpu.memref_slice %arg6[%arg0, %add3A_59, %dma_wait3A] : memref<2x10240x128xf32, #tpu.memory_space<hbm>> -> memref<1x16x128xf32, #tpu.memory_space<hbm>>
        %dma_wait3A_66 = tpu.memref_squeeze %dma_wait3A_65 : memref<1x16x128xf32, #tpu.memory_space<hbm>> -> memref<16x128xf32, #tpu.memory_space<hbm>>
        %dma_wait3A_67 = arith.constant 0 : i32
        %dma_wait3A_68 = tpu.memref_slice %arg6[%arg0, %add3A_59, %dma_wait3A_67] : memref<2x10240x128xf32, #tpu.memory_space<hbm>> -> memref<1x16x128xf32, #tpu.memory_space<hbm>>
        %dma_wait3A_69 = tpu.memref_squeeze %dma_wait3A_68 : memref<1x16x128xf32, #tpu.memory_space<hbm>> -> memref<16x128xf32, #tpu.memory_space<hbm>>
        tpu.wait_dma2 semaphore(%run_scoped3A : memref<!tpu.dma_semaphore, #tpu.memory_space<semaphore_mem>>) src(%arg15 : memref<16x128xf32, #tpu.memory_space<vmem>>) dst(%dma_wait3A_69 : memref<16x128xf32, #tpu.memory_space<hbm>>)
        tpu.yield
      }) : () -> ()
    }
    %scan3A_45 = arith.constant 40 : i32
    %scan3A_46 = arith.constant 0 : i32
    %scan3A_47 = arith.constant 0 : i32
    %scan3A_48 = arith.constant 5 : i32
    %scan3A_49 = arith.addi %scan3A_47, %scan3A_48 : i32
    %scan3A_50 = arith.constant 1 : i32
    scf.for %scan3A_52 = %scan3A_47 to %scan3A_49 step %scan3A_50  : i32 {
      %mul3A_53 = arith.constant 16 : i32
      %mul3A_54 = arith.muli %scan3A_52, %mul3A_53 : i32
      %add3A = arith.addi %mul3A_11, %mul3A_54 : i32
      %add3A_55 = vector.broadcast %add3A : i32 to vector<16xi32>
      %add3A_56 = arith.addi %add3A_55, %iota3A : vector<16xi32>
      "tpu.region"() ({
        %run_scoped3A = tpu.sem_alloc : memref<!tpu.dma_semaphore, #tpu.memory_space<semaphore_mem>>
        %dma_start3A = arith.constant 0 : i32
        %dma_start3A_60 = arith.constant 0 : i32
        %dma_start3A_61 = tpu.memref_slice %arg17[%dma_start3A, %dma_start3A_60] : memref<1280x128xf32, #tpu.memory_space<vmem_shared>> -> memref<1280x128xf32, #tpu.memory_space<vmem_shared>>
        tpu.enqueue_indirect_dma source(%dma_start3A_61 : memref<1280x128xf32, #tpu.memory_space<vmem_shared>>) target(%arg15 : memref<16x128xf32, #tpu.memory_space<vmem>>) offsets(%add3A_56 : vector<16xi32>) semaphore(%run_scoped3A : memref<!tpu.dma_semaphore, #tpu.memory_space<semaphore_mem>>)
        %dma_wait3A = arith.constant 0 : i32
        %dma_wait3A_62 = arith.constant 0 : i32
        %dma_wait3A_63 = tpu.memref_slice %arg17[%dma_wait3A, %dma_wait3A_62] : memref<1280x128xf32, #tpu.memory_space<vmem_shared>> -> memref<1280x128xf32, #tpu.memory_space<vmem_shared>>
        tpu.wait_indirect_dma semaphore(%run_scoped3A : memref<!tpu.dma_semaphore, #tpu.memory_space<semaphore_mem>>) src(%dma_wait3A_63 : memref<1280x128xf32, #tpu.memory_space<vmem_shared>>) dst(%arg15 : memref<16x128xf32, #tpu.memory_space<vmem>>)
        tpu.yield
      }) : () -> ()
      %mul3A_57 = arith.constant 16 : i32
      %mul3A_58 = arith.muli %scan3A_52, %mul3A_57 : i32
      %add3A_59 = arith.addi %mul3A_11, %mul3A_58 : i32
      "tpu.region"() ({
        %run_scoped3A = tpu.sem_alloc : memref<!tpu.dma_semaphore, #tpu.memory_space<semaphore_mem>>
        %dma_start3A = arith.constant 0 : i32
        %dma_start3A_60 = tpu.memref_slice %arg7[%arg0, %add3A_59, %dma_start3A] : memref<2x1280x128xf32, #tpu.memory_space<hbm>> -> memref<1x16x128xf32, #tpu.memory_space<hbm>>
        %dma_start3A_61 = tpu.memref_squeeze %dma_start3A_60 : memref<1x16x128xf32, #tpu.memory_space<hbm>> -> memref<16x128xf32, #tpu.memory_space<hbm>>
        %dma_start3A_62 = arith.constant 0 : i32
        %dma_start3A_63 = tpu.memref_slice %arg7[%arg0, %add3A_59, %dma_start3A_62] : memref<2x1280x128xf32, #tpu.memory_space<hbm>> -> memref<1x16x128xf32, #tpu.memory_space<hbm>>
        %dma_start3A_64 = tpu.memref_squeeze %dma_start3A_63 : memref<1x16x128xf32, #tpu.memory_space<hbm>> -> memref<16x128xf32, #tpu.memory_space<hbm>>
        tpu.enqueue_dma source(%arg15 : memref<16x128xf32, #tpu.memory_space<vmem>>) target(%dma_start3A_64 : memref<16x128xf32, #tpu.memory_space<hbm>>) target_semaphore(%run_scoped3A : memref<!tpu.dma_semaphore, #tpu.memory_space<semaphore_mem>>)
        %dma_wait3A = arith.constant 0 : i32
        %dma_wait3A_65 = tpu.memref_slice %arg7[%arg0, %add3A_59, %dma_wait3A] : memref<2x1280x128xf32, #tpu.memory_space<hbm>> -> memref<1x16x128xf32, #tpu.memory_space<hbm>>
        %dma_wait3A_66 = tpu.memref_squeeze %dma_wait3A_65 : memref<1x16x128xf32, #tpu.memory_space<hbm>> -> memref<16x128xf32, #tpu.memory_space<hbm>>
        %dma_wait3A_67 = arith.constant 0 : i32
        %dma_wait3A_68 = tpu.memref_slice %arg7[%arg0, %add3A_59, %dma_wait3A_67] : memref<2x1280x128xf32, #tpu.memory_space<hbm>> -> memref<1x16x128xf32, #tpu.memory_space<hbm>>
        %dma_wait3A_69 = tpu.memref_squeeze %dma_wait3A_68 : memref<1x16x128xf32, #tpu.memory_space<hbm>> -> memref<16x128xf32, #tpu.memory_space<hbm>>
        tpu.wait_dma2 semaphore(%run_scoped3A : memref<!tpu.dma_semaphore, #tpu.memory_space<semaphore_mem>>) src(%arg15 : memref<16x128xf32, #tpu.memory_space<vmem>>) dst(%dma_wait3A_69 : memref<16x128xf32, #tpu.memory_space<hbm>>)
        tpu.yield
      }) : () -> ()
    }
    %scan3A_51 = arith.constant 5 : i32
    return
  }
}

module attributes {stable_mosaic.version = 14 : i64} {
  func.func @_proj_body(%arg0: i32, %arg1: memref<2000x128xf32, #tpu.memory_space<vmem>>, %arg2: memref<128x512xf32, #tpu.memory_space<vmem>>, %arg3: memref<512x32xf32, #tpu.memory_space<vmem>>, %arg4: memref<2000x512xf32, #tpu.memory_space<vmem>>, %arg5: memref<2000x32xf32, #tpu.memory_space<vmem>>) attributes {dimension_semantics = [#tpu.dimension_semantics<arbitrary>], iteration_bounds = array<i64: 5>, scalar_prefetch = 0 : i64, scratch_operands = 0 : i64, tpu.core_type = #tpu.core_type<tc>, window_params = [{transform_indices = @transform_0, window_bounds = array<i64: 2000, 128>}, {pipeline_mode = #tpu.pipeline_mode<synchronous>, transform_indices = @transform_1, window_bounds = array<i64: 128, 512>}, {pipeline_mode = #tpu.pipeline_mode<synchronous>, transform_indices = @transform_2, window_bounds = array<i64: 512, 32>}, {transform_indices = @transform_3, window_bounds = array<i64: 2000, 512>}, {transform_indices = @transform_4, window_bounds = array<i64: 2000, 32>}]} {
    %get3A = arith.constant 0 : index
    %get3A_0 = arith.constant 0 : index
    %get3A_1 = vector.load %arg1[%get3A, %get3A_0] : memref<2000x128xf32, #tpu.memory_space<vmem>>, vector<2000x128xf32>
    %get3A_2 = arith.constant 0 : index
    %get3A_3 = arith.constant 0 : index
    %get3A_4 = vector.load %arg2[%get3A_2, %get3A_3] : memref<128x512xf32, #tpu.memory_space<vmem>>, vector<128x512xf32>
    %dot_general3A = arith.constant dense<0.000000e+00> : vector<2000x512xf32>
    %dot_general3A_5 = tpu.matmul %get3A_1, %get3A_4, %dot_general3A {dimension_numbers = #tpu.dot_dimension_numbers<[1], [0], [0], [1], [0, 0, 1, 1], [], []>, transpose_lhs_hint = false} : vector<2000x128xf32>, vector<128x512xf32>, vector<2000x512xf32> -> vector<2000x512xf32>
    %swap3A = arith.constant 0 : index
    %swap3A_6 = arith.constant 0 : index
    %swap3A_7 = vector.load %arg4[%swap3A, %swap3A_6] : memref<2000x512xf32, #tpu.memory_space<vmem>>, vector<2000x512xf32>
    tpu.vector_store %arg4[%swap3A, %swap3A_6], %dot_general3A_5 {strides = array<i32>} : memref<2000x512xf32, #tpu.memory_space<vmem>>, vector<2000x512xf32>,
    %get3A_8 = arith.constant 0 : index
    %get3A_9 = arith.constant 0 : index
    %get3A_10 = vector.load %arg3[%get3A_8, %get3A_9] : memref<512x32xf32, #tpu.memory_space<vmem>>, vector<512x32xf32>
    %dot_general3A_11 = arith.constant dense<0.000000e+00> : vector<2000x32xf32>
    %dot_general3A_12 = tpu.matmul %dot_general3A_5, %get3A_10, %dot_general3A_11 {dimension_numbers = #tpu.dot_dimension_numbers<[1], [0], [0], [1], [0, 0, 1, 1], [], []>, transpose_lhs_hint = false} : vector<2000x512xf32>, vector<512x32xf32>, vector<2000x32xf32> -> vector<2000x32xf32>
    %swap3A_13 = arith.constant 0 : index
    %swap3A_14 = arith.constant 0 : index
    %swap3A_15 = vector.load %arg5[%swap3A_13, %swap3A_14] : memref<2000x32xf32, #tpu.memory_space<vmem>>, vector<2000x32xf32>
    tpu.vector_store %arg5[%swap3A_13, %swap3A_14], %dot_general3A_12 {strides = array<i32>} : memref<2000x32xf32, #tpu.memory_space<vmem>>, vector<2000x32xf32>,
    return
  }
  func.func @transform_0(%arg0: i32) -> (i32, i32) {
    %c0_i32 = arith.constant 0 : i32
    %c0_i32_0 = arith.constant 0 : i32
    return %arg0, %c0_i32 : i32, i32
  }
  func.func @transform_1(%arg0: i32) -> (i32, i32) {
    %c0_i32 = arith.constant 0 : i32
    %c0_i32_0 = arith.constant 0 : i32
    %c0_i32_1 = arith.constant 0 : i32
    return %c0_i32, %c0_i32_0 : i32, i32
  }
  func.func @transform_2(%arg0: i32) -> (i32, i32) {
    %c0_i32 = arith.constant 0 : i32
    %c0_i32_0 = arith.constant 0 : i32
    %c0_i32_1 = arith.constant 0 : i32
    return %c0_i32, %c0_i32_0 : i32, i32
  }
  func.func @transform_3(%arg0: i32) -> (i32, i32) {
    %c0_i32 = arith.constant 0 : i32
    %c0_i32_0 = arith.constant 0 : i32
    return %arg0, %c0_i32 : i32, i32
  }
  func.func @transform_4(%arg0: i32) -> (i32, i32) {
    %c0_i32 = arith.constant 0 : i32
    %c0_i32_0 = arith.constant 0 : i32
    return %arg0, %c0_i32 : i32, i32
  }
}

module attributes {stable_mosaic.version = 14 : i64} {
  func.func @_epi_body(%arg0: i32, %arg1: memref<2000x256xf32, #tpu.memory_space<vmem>>, %arg2: memref<2000x256xf32, #tpu.memory_space<vmem>>, %arg3: memref<2000x256xf32, #tpu.memory_space<vmem>>, %arg4: memref<2000x256xf32, #tpu.memory_space<vmem>>, %arg5: memref<256x128xf32, #tpu.memory_space<vmem>>, %arg6: memref<1x128xf32, #tpu.memory_space<vmem>>, %arg7: memref<1x128xf32, #tpu.memory_space<vmem>>, %arg8: memref<256x40xf32, #tpu.memory_space<vmem>>, %arg9: memref<2000x40xf32, #tpu.memory_space<vmem>>) attributes {dimension_semantics = [#tpu.dimension_semantics<arbitrary>], iteration_bounds = array<i64: 5>, scalar_prefetch = 0 : i64, scratch_operands = 0 : i64, tpu.core_type = #tpu.core_type<tc>, window_params = [{transform_indices = @transform_0, window_bounds = array<i64: 2000, 256>}, {transform_indices = @transform_1, window_bounds = array<i64: 2000, 256>}, {transform_indices = @transform_2, window_bounds = array<i64: 2000, 256>}, {transform_indices = @transform_3, window_bounds = array<i64: 2000, 256>}, {pipeline_mode = #tpu.pipeline_mode<synchronous>, transform_indices = @transform_4, window_bounds = array<i64: 256, 128>}, {pipeline_mode = #tpu.pipeline_mode<synchronous>, transform_indices = @transform_5, window_bounds = array<i64: 1, 128>}, {pipeline_mode = #tpu.pipeline_mode<synchronous>, transform_indices = @transform_6, window_bounds = array<i64: 1, 128>}, {pipeline_mode = #tpu.pipeline_mode<synchronous>, transform_indices = @transform_7, window_bounds = array<i64: 256, 40>}, {transform_indices = @transform_8, window_bounds = array<i64: 2000, 40>}]} {
    %get3A = arith.constant 0 : index
    %get3A_0 = arith.constant 0 : index
    %get3A_1 = vector.load %arg1[%get3A, %get3A_0] : memref<2000x256xf32, #tpu.memory_space<vmem>>, vector<2000x256xf32>
    %get3A_2 = arith.constant 0 : index
    %get3A_3 = arith.constant 0 : index
    %get3A_4 = vector.load %arg2[%get3A_2, %get3A_3] : memref<2000x256xf32, #tpu.memory_space<vmem>>, vector<2000x256xf32>
    %add3A = arith.constant 1.000000e-16 : f32
    %add3A_5 = vector.broadcast %add3A : f32 to vector<2000x256xf32>
    %add3A_6 = arith.addf %get3A_4, %add3A_5 : vector<2000x256xf32>
    %div3A = arith.divf %get3A_1, %add3A_6 : vector<2000x256xf32>
    %gt3A = arith.constant 0.000000e+00 : f32
    %gt3A_7 = vector.broadcast %gt3A : f32 to vector<2000x256xf32>
    %gt3A_8 = arith.cmpf ogt, %div3A, %gt3A_7 : vector<2000x256xf32>
    %min3A = arith.constant 0.000000e+00 : f32
    %min3A_9 = vector.broadcast %min3A : f32 to vector<2000x256xf32>
    %min3A_10 = arith.minimumf %div3A, %min3A_9 : vector<2000x256xf32>
    %exp3A = math.exp %min3A_10 : vector<2000x256xf32>
    %sub3A = arith.constant 1.000000e+00 : f32
    %sub3A_11 = vector.broadcast %sub3A : f32 to vector<2000x256xf32>
    %sub3A_12 = arith.subf %exp3A, %sub3A_11 : vector<2000x256xf32>
    %select_n3A = arith.select %gt3A_8, %div3A, %sub3A_12 : vector<2000x256xi1>, vector<2000x256xf32>
    %get3A_13 = arith.constant 0 : index
    %get3A_14 = arith.constant 0 : index
    %get3A_15 = vector.load %arg3[%get3A_13, %get3A_14] : memref<2000x256xf32, #tpu.memory_space<vmem>>, vector<2000x256xf32>
    %get3A_16 = arith.constant 0 : index
    %get3A_17 = arith.constant 0 : index
    %get3A_18 = vector.load %arg4[%get3A_16, %get3A_17] : memref<2000x256xf32, #tpu.memory_space<vmem>>, vector<2000x256xf32>
    %add3A_19 = arith.constant 1.000000e-16 : f32
    %add3A_20 = vector.broadcast %add3A_19 : f32 to vector<2000x256xf32>
    %add3A_21 = arith.addf %get3A_18, %add3A_20 : vector<2000x256xf32>
    %div3A_22 = arith.divf %get3A_15, %add3A_21 : vector<2000x256xf32>
    %gt3A_23 = arith.constant 0.000000e+00 : f32
    %gt3A_24 = vector.broadcast %gt3A_23 : f32 to vector<2000x256xf32>
    %gt3A_25 = arith.cmpf ogt, %div3A_22, %gt3A_24 : vector<2000x256xf32>
    %min3A_26 = arith.constant 0.000000e+00 : f32
    %min3A_27 = vector.broadcast %min3A_26 : f32 to vector<2000x256xf32>
    %min3A_28 = arith.minimumf %div3A_22, %min3A_27 : vector<2000x256xf32>
    %exp3A_29 = math.exp %min3A_28 : vector<2000x256xf32>
    %sub3A_30 = arith.constant 1.000000e+00 : f32
    %sub3A_31 = vector.broadcast %sub3A_30 : f32 to vector<2000x256xf32>
    %sub3A_32 = arith.subf %exp3A_29, %sub3A_31 : vector<2000x256xf32>
    %select_n3A_33 = arith.select %gt3A_25, %div3A_22, %sub3A_32 : vector<2000x256xi1>, vector<2000x256xf32>
    %get3A_34 = arith.constant 0 : index
    %get3A_35 = arith.constant 0 : index
    %get3A_36 = vector.load %arg5[%get3A_34, %get3A_35] : memref<256x128xf32, #tpu.memory_space<vmem>>, vector<256x128xf32>
    %dot_general3A = arith.constant dense<0.000000e+00> : vector<2000x128xf32>
    %dot_general3A_37 = tpu.matmul %select_n3A, %get3A_36, %dot_general3A {dimension_numbers = #tpu.dot_dimension_numbers<[1], [0], [0], [1], [0, 0, 1, 1], [], []>, transpose_lhs_hint = false} : vector<2000x256xf32>, vector<256x128xf32>, vector<2000x128xf32> -> vector<2000x128xf32>
    %get3A_38 = arith.constant 0 : index
    %get3A_39 = arith.constant 0 : index
    %get3A_40 = vector.load %arg6[%get3A_38, %get3A_39] : memref<1x128xf32, #tpu.memory_space<vmem>>, vector<1x128xf32>
    %add3A_41 = vector.broadcast %get3A_40 : vector<1x128xf32> to vector<2000x128xf32>
    %add3A_42 = arith.addf %dot_general3A_37, %add3A_41 : vector<2000x128xf32>
    %tanh3A = math.tanh %add3A_42 : vector<2000x128xf32>
    %get3A_43 = arith.constant 0 : index
    %get3A_44 = arith.constant 0 : index
    %get3A_45 = vector.load %arg5[%get3A_43, %get3A_44] : memref<256x128xf32, #tpu.memory_space<vmem>>, vector<256x128xf32>
    %dot_general3A_46 = arith.constant dense<0.000000e+00> : vector<2000x128xf32>
    %dot_general3A_47 = tpu.matmul %select_n3A_33, %get3A_45, %dot_general3A_46 {dimension_numbers = #tpu.dot_dimension_numbers<[1], [0], [0], [1], [0, 0, 1, 1], [], []>, transpose_lhs_hint = false} : vector<2000x256xf32>, vector<256x128xf32>, vector<2000x128xf32> -> vector<2000x128xf32>
    %get3A_48 = arith.constant 0 : index
    %get3A_49 = arith.constant 0 : index
    %get3A_50 = vector.load %arg6[%get3A_48, %get3A_49] : memref<1x128xf32, #tpu.memory_space<vmem>>, vector<1x128xf32>
    %add3A_51 = vector.broadcast %get3A_50 : vector<1x128xf32> to vector<2000x128xf32>
    %add3A_52 = arith.addf %dot_general3A_47, %add3A_51 : vector<2000x128xf32>
    %tanh3A_53 = math.tanh %add3A_52 : vector<2000x128xf32>
    %get3A_54 = arith.constant 0 : index
    %get3A_55 = arith.constant 0 : index
    %get3A_56 = vector.load %arg7[%get3A_54, %get3A_55] : memref<1x128xf32, #tpu.memory_space<vmem>>, vector<1x128xf32>
    %mul3A = vector.broadcast %get3A_56 : vector<1x128xf32> to vector<2000x128xf32>
    %mul3A_57 = arith.mulf %tanh3A, %mul3A : vector<2000x128xf32>
    %reduce_sum3A = arith.constant dense<0.000000e+00> : vector<2000xf32>
    %reduce_sum3A_58 = vector.multi_reduction <add>, %mul3A_57, %reduce_sum3A [1] : vector<2000x128xf32> to vector<2000xf32>
    %broadcast_in_dim3A = vector.shape_cast %reduce_sum3A_58 : vector<2000xf32> to vector<2000x1xf32>
    %mul3A_59 = vector.broadcast %get3A_56 : vector<1x128xf32> to vector<2000x128xf32>
    %mul3A_60 = arith.mulf %tanh3A_53, %mul3A_59 : vector<2000x128xf32>
    %reduce_sum3A_61 = arith.constant dense<0.000000e+00> : vector<2000xf32>
    %reduce_sum3A_62 = vector.multi_reduction <add>, %mul3A_60, %reduce_sum3A_61 [1] : vector<2000x128xf32> to vector<2000xf32>
    %broadcast_in_dim3A_63 = vector.shape_cast %reduce_sum3A_62 : vector<2000xf32> to vector<2000x1xf32>
    %max3A = arith.maximumf %broadcast_in_dim3A, %broadcast_in_dim3A_63 : vector<2000x1xf32>
    %sub3A_64 = arith.subf %broadcast_in_dim3A, %max3A : vector<2000x1xf32>
    %exp3A_65 = math.exp %sub3A_64 : vector<2000x1xf32>
    %sub3A_66 = arith.subf %broadcast_in_dim3A_63, %max3A : vector<2000x1xf32>
    %exp3A_67 = math.exp %sub3A_66 : vector<2000x1xf32>
    %add3A_68 = arith.addf %exp3A_65, %exp3A_67 : vector<2000x1xf32>
    %div3A_69 = arith.constant 1.000000e+00 : f32
    %div3A_70 = vector.broadcast %div3A_69 : f32 to vector<2000x1xf32>
    %div3A_71 = arith.divf %div3A_70, %add3A_68 : vector<2000x1xf32>
    %mul3A_72 = arith.mulf %exp3A_65, %div3A_71 : vector<2000x1xf32>
    %mul3A_73 = vector.broadcast %mul3A_72 : vector<2000x1xf32> to vector<2000x256xf32>
    %mul3A_74 = arith.mulf %mul3A_73, %select_n3A : vector<2000x256xf32>
    %mul3A_75 = arith.mulf %exp3A_67, %div3A_71 : vector<2000x1xf32>
    %mul3A_76 = vector.broadcast %mul3A_75 : vector<2000x1xf32> to vector<2000x256xf32>
    %mul3A_77 = arith.mulf %mul3A_76, %select_n3A_33 : vector<2000x256xf32>
    %add3A_78 = arith.addf %mul3A_74, %mul3A_77 : vector<2000x256xf32>
    %get3A_79 = arith.constant 0 : index
    %get3A_80 = arith.constant 0 : index
    %get3A_81 = vector.load %arg8[%get3A_79, %get3A_80] : memref<256x40xf32, #tpu.memory_space<vmem>>, vector<256x40xf32>
    %dot_general3A_82 = arith.constant dense<0.000000e+00> : vector<2000x40xf32>
    %dot_general3A_83 = tpu.matmul %add3A_78, %get3A_81, %dot_general3A_82 {dimension_numbers = #tpu.dot_dimension_numbers<[1], [0], [0], [1], [0, 0, 1, 1], [], []>, transpose_lhs_hint = false} : vector<2000x256xf32>, vector<256x40xf32>, vector<2000x40xf32> -> vector<2000x40xf32>
    %neg3A = arith.constant 0.000000e+00 : f32
    %neg3A_84 = vector.broadcast %neg3A : f32 to vector<2000x40xf32>
    %neg3A_85 = arith.subf %neg3A_84, %dot_general3A_83 : vector<2000x40xf32>
    %exp3A_86 = math.exp %neg3A_85 : vector<2000x40xf32>
    %add3A_87 = arith.constant 1.000000e+00 : f32
    %add3A_88 = vector.broadcast %add3A_87 : f32 to vector<2000x40xf32>
    %add3A_89 = arith.addf %add3A_88, %exp3A_86 : vector<2000x40xf32>
    %div3A_90 = arith.constant 1.000000e+00 : f32
    %div3A_91 = vector.broadcast %div3A_90 : f32 to vector<2000x40xf32>
    %div3A_92 = arith.divf %div3A_91, %add3A_89 : vector<2000x40xf32>
    %swap3A = arith.constant 0 : index
    %swap3A_93 = arith.constant 0 : index
    %swap3A_94 = vector.load %arg9[%swap3A, %swap3A_93] : memref<2000x40xf32, #tpu.memory_space<vmem>>, vector<2000x40xf32>
    tpu.vector_store %arg9[%swap3A, %swap3A_93], %div3A_92 {strides = array<i32>} : memref<2000x40xf32, #tpu.memory_space<vmem>>, vector<2000x40xf32>,
    return
  }
  func.func @transform_0(%arg0: i32) -> (i32, i32) {
    %c0_i32 = arith.constant 0 : i32
    %c0_i32_0 = arith.constant 0 : i32
    return %arg0, %c0_i32 : i32, i32
  }
  func.func @transform_1(%arg0: i32) -> (i32, i32) {
    %c0_i32 = arith.constant 0 : i32
    %c0_i32_0 = arith.constant 0 : i32
    return %arg0, %c0_i32 : i32, i32
  }
  func.func @transform_2(%arg0: i32) -> (i32, i32) {
    %c0_i32 = arith.constant 0 : i32
    %c0_i32_0 = arith.constant 0 : i32
    return %arg0, %c0_i32 : i32, i32
  }
  func.func @transform_3(%arg0: i32) -> (i32, i32) {
    %c0_i32 = arith.constant 0 : i32
    %c0_i32_0 = arith.constant 0 : i32
    return %arg0, %c0_i32 : i32, i32
  }
  func.func @transform_4(%arg0: i32) -> (i32, i32) {
    %c0_i32 = arith.constant 0 : i32
    %c0_i32_0 = arith.constant 0 : i32
    %c0_i32_1 = arith.constant 0 : i32
    return %c0_i32, %c0_i32_0 : i32, i32
  }
  func.func @transform_5(%arg0: i32) -> (i32, i32) {
    %c0_i32 = arith.constant 0 : i32
    %c0_i32_0 = arith.constant 0 : i32
    %c0_i32_1 = arith.constant 0 : i32
    return %c0_i32, %c0_i32_0 : i32, i32
  }
  func.func @transform_6(%arg0: i32) -> (i32, i32) {
    %c0_i32 = arith.constant 0 : i32
    %c0_i32_0 = arith.constant 0 : i32
    %c0_i32_1 = arith.constant 0 : i32
    return %c0_i32, %c0_i32_0 : i32, i32
  }
  func.func @transform_7(%arg0: i32) -> (i32, i32) {
    %c0_i32 = arith.constant 0 : i32
    %c0_i32_0 = arith.constant 0 : i32
    %c0_i32_1 = arith.constant 0 : i32
    return %c0_i32, %c0_i32_0 : i32, i32
  }
  func.func @transform_8(%arg0: i32) -> (i32, i32) {
    %c0_i32 = arith.constant 0 : i32
    %c0_i32_0 = arith.constant 0 : i32
    return %arg0, %c0_i32 : i32, i32
  }
}

</mosaic_0001>

<sc_bundles>
// kernel: kernel.11.cloned.1.call-start
scs
__scs_entry_jumppad:
0x0: {  	(pc) =	sbr.rel $0x88, $3  }
0x1: {  	(tag) =	ssettag $0x0;
	lr =	simm.s32 $0x1  }
0x2: {  	[smem:$0x3F98] =	sst lr;
	_ =	strace $0xD0000000  }
0x3: {  	_ = 	snop  }
0x4: {  	_ = 	snop  }
0x5: {  	_ = 	snop  }
0x6: {  	_ = 	snop  }
0x7: {  	_ = 	snop  }
__scs_overlays_trampoline_lowered:
0x8: {  	[smem:$0x3FA7] =	sst s0  }
0x9: {  	[smem:$0x3FA8] =	sst s1  }
0xa: {  	[smem:$0x3FA9] =	sst s2  }
0xb: {  	[smem:$0x3FAA] =	sst s3  }
0xc: {  	[smem:$0x3FAB] =	sst s4  }
0xd: {  	[smem:$0x3FAC] =	sst s5  }
0xe: {  	[smem:$0x3FAD] =	sst s6  }
0xf: {  	[smem:$0x3FAE] =	sst s7  }
0x10: {  	[smem:$0x3FAF] =	sst s8  }
0x11: {  	[smem:$0x3FB0] =	sst s9;
	s0 =	simm.s32 @!p0 $0x0  }
0x12: {  	s1 =	sld [smem:$0x3F96];
	s0 =	simm.s32 @p0 $0x1  }
0x13: {  	[smem:$0x3FB1] =	sst s0;
	s0 =	simm.s32 @!p1 $0x0  }
0x14: {  	s2 =	sld [smem:$0x3F95];
	s0 =	simm.s32 @p1 $0x1  }
0x15: {  	[smem:$0x3FB2] =	sst s0;
	s0 =	simm.s32 @!p2 $0x0  }
0x16: {  	s3 =	sld [smem:$0x3FDB];
	s0 =	simm.s32 @p2 $0x1  }
0x17: {  	s4 =	simm.s32 $0x1BF5;
	[smem:$0x3FB4] =	sst s0  }
0x18: {  	s0 =	sld [smem:$0x3F97];
	_ =	swait.ge [sflag:s4], $0x0  }
0x19: {  	s7 =	sld [smem:$0x3F98]  }
0x1a: {  	s8 =	sadd.s32 $0xFFFFE003, lr  }
0x1b: {  	s9 =	sadd.s32 $0xFFFFFEF7, lr;
	s5 =	simm.s32 $0xFFFFFFFF;
	p2 =	slt.u32 s8, $0xFFFFF086  }
0x1c: {  	p1 =	slt.u32 s9, $0xF7A;
	s5 =	simm.s32 @!p2 $0x0  }
0x1d: {  	s5 =	simm.s32 @p1 $0x1;
	p0 =	seq.s32 s7, s2  }
0x1e: {  	s7 =	smul.u32 @!p0 $0xF7A, s2;
	p2 =	seq.s32 @!p0 s5, $0x0  }
0x1f: {  	s9 =	smul.u32 $0xF7A, s1;
	s8 =	simm.s32 @!p0 $0x1BF5;
	p2 =	por !p2, p0  }
0x20: {  	[sflag:s8] =	ssyncset.s32 @!p0 $0xFFFFF086;
	s6 =	sadd.s32 @!p0 s3, s7;
	s7 =	simm.s32 @!p0 $0x108  }
0x21: {  	s3 =	sadd.s32 s3, s9;
	s6 =	sadd.s32 @!p0 $0x88, s6;
	s7 =	simm.s32 @p2 $0x1082  }
0x22: {  	[simem:s7], [sflag:s8] =	dma.local @!p0 [hbm:s6], $0xF7A  }
0x23: {  	s9 =	sor.u32 $0xD0000000, s2;
	s6 =	simm.s32 $0x108;
	_ =	swait.ge @!p0 [sflag:s8], $0x0  }
0x24: {  	s3 =	sadd.s32 $0x88, s3;
	s6 =	simm.s32 @!p1 $0x1082;
	[sflag:s4] =	ssyncset.s32 $0xFFFFF086  }
0x25: {  	[simem:s6], [sflag:s4] =	dma.local [hbm:s3], $0xF7A  }
0x26: {  	[smem:$0x3F98] =	sst s1;
	(tag) =	ssettag s2;
	_ =	strace s9  }
0x27: {  	s1 =	sld [smem:$0x3FA8]  }
0x28: {  	s2 =	sld [smem:$0x3FA9]  }
0x29: {  	s4 =	sld [smem:$0x3FAB]  }
0x2a: {  	p0 =	seq.s32 s5, $0x0;
	s5 =	sld [smem:$0x3FAC]  }
0x2b: {  	s6 =	sld [smem:$0x3FAD]  }
0x2c: {  	s7 =	sld [smem:$0x3FAE]  }
0x2d: {  	s3 =	simm.s32 $0x108;
	s8 =	sld [smem:$0x3FAF]  }
0x2e: {  	s3 =	simm.s32 @!p0 $0x1082;
	s9 =	sld [smem:$0x3FB0]  }
0x2f: {  	lr =	sadd.s32 s0, s3;
	s0 =	sld [smem:$0x3FA7]  }
0x30: {  	s3 =	sld [smem:$0x3FAA]  }
0x31: {  	[smem:$0x3FB3] =	sst s10  }
0x32: {  	s10 =	sld [smem:$0x3FB1];
	_ =	sdelay $0x3  }
0x33: {  	p0 =	seq.s32 s10, $0x1;
	s10 =	sld [smem:$0x3FB3];
	_ =	sdelay $0x3  }
0x34: {  	[smem:$0x3FB3] =	sst s10  }
0x35: {  	s10 =	sld [smem:$0x3FB2];
	_ =	sdelay $0x3  }
0x36: {  	p1 =	seq.s32 s10, $0x1;
	s10 =	sld [smem:$0x3FB3];
	_ =	sdelay $0x3  }
0x37: {  	[smem:$0x3FB3] =	sst s10  }
0x38: {  	s10 =	sld [smem:$0x3FB4]  }
0x39: {  	_ = 	snop;
	(pc) =	sbr.ind lr, $3  }
0x3a: {  	_ = 	snop  }
0x3b: {  	_ = 	snop  }
0x3c: {  	p2 =	seq.s32 s10, $0x1;
	s10 =	sld [smem:$0x3FB3]  }
0x3d: {  	_ =	shalt  }
0x3e: {  	_ =	shalt  }
0x3f: {  	_ =	shalt  }
0x40: {  	_ =	shalt  }
0x41: {  	_ =	shalt  }
0x42: {  	_ =	shalt  }
0x43: {  	_ =	shalt  }
0x44: {  	_ =	shalt  }
0x45: {  	_ =	shalt  }
0x46: {  	_ =	shalt  }
0x47: {  	_ =	shalt  }
0x48: {  	_ =	shalt  }
0x49: {  	_ =	shalt  }
0x4a: {  	_ =	shalt  }
0x4b: {  	_ =	shalt  }
0x4c: {  	_ =	shalt  }
0x4d: {  	_ =	shalt  }
0x4e: {  	_ =	shalt  }
0x4f: {  	_ =	shalt  }
0x50: {  	_ =	shalt  }
0x51: {  	_ =	shalt  }
0x52: {  	_ =	shalt  }
0x53: {  	_ =	shalt  }
0x54: {  	_ =	shalt  }
0x55: {  	_ =	shalt  }
0x56: {  	_ =	shalt  }
0x57: {  	_ =	shalt  }
0x58: {  	_ =	shalt  }
0x59: {  	_ =	shalt  }
0x5a: {  	_ =	shalt  }
0x5b: {  	_ =	shalt  }
0x5c: {  	_ =	shalt  }
0x5d: {  	_ =	shalt  }
0x5e: {  	_ =	shalt  }
0x5f: {  	_ =	shalt  }
0x60: {  	_ =	shalt  }
0x61: {  	_ =	shalt  }
0x62: {  	_ =	shalt  }
0x63: {  	_ =	shalt  }
0x64: {  	_ =	shalt  }
0x65: {  	_ =	shalt  }
0x66: {  	_ =	shalt  }
0x67: {  	_ =	shalt  }
0x68: {  	_ =	shalt  }
0x69: {  	_ =	shalt  }
0x6a: {  	_ =	shalt  }
0x6b: {  	_ =	shalt  }
0x6c: {  	_ =	shalt  }
0x6d: {  	_ =	shalt  }
0x6e: {  	_ =	shalt  }
0x6f: {  	_ =	shalt  }
0x70: {  	_ =	shalt  }
0x71: {  	_ =	shalt  }
0x72: {  	_ =	shalt  }
0x73: {  	_ =	shalt  }
0x74: {  	_ =	shalt  }
0x75: {  	_ =	shalt  }
0x76: {  	_ =	shalt  }
0x77: {  	_ =	shalt  }
0x78: {  	_ =	shalt  }
0x79: {  	_ =	shalt  }
0x7a: {  	_ =	shalt  }
0x7b: {  	_ =	shalt  }
0x7c: {  	_ =	shalt  }
0x7d: {  	_ =	shalt  }
0x7e: {  	_ =	shalt  }
0x7f: {  	_ =	shalt  }
0x80: {  	_ =	shalt  }
0x81: {  	_ =	shalt  }
0x82: {  	_ =	shalt  }
0x83: {  	_ =	shalt  }
0x84: {  	_ =	shalt  }
0x85: {  	_ =	shalt  }
0x86: {  	_ =	shalt  }
0x87: {  	_ =	shalt  }
.Lfunc_end0:
.L_simem_size_0:
called_computation.1_lowered:
.L_overlay_start_0:
0x88: {  	s2 =	sld [smem:$0x3FD9]  }
0x89: {  	s3 =	sld [smem:$0x3FFE];
	_ =	sdelay $0x1  }
0x8a: {  	s1 =	srdreg.scid  }
0x8b: {  	s0 =	sand.u32 $0x1, s1  }
0x8c: {  	s17 =	sshll.u32 s0, $0xA;
	s2 =	sadd.s32 s3, s2  }
0x8d: {  	s2 =	sadd.s32 s2, s17  }
0x8e: {  	[smem:$0x3FBF] =	sst s2  }
0x8f: {  	_ = 	snop  }
0x90: {  	s18 =	sld [smem:$0x3FD0];
	(tm) =	ssettm $0x1  }
0x91: {  	s19 =	sld [smem:$0x3FFB];
	_ =	sdelay $0x3  }
0x92: {  	_ =	strace s19  }
0x93: {  	s2 =	sld [smem:$0x3FFC];
	_ =	sdelay $0x3  }
0x94: {  	_ =	strace s2  }
0x95: {  	s2 =	sld [smem:$0x3FFD];
	_ =	sdelay $0x3  }
0x96: {  	_ =	strace s2  }
0x97: {  	_ =	strace $0x8FFFFFFF  }
0x98: {  	s20 =	sld [smem:$0x3FDB];
	_ =	sdelay $0x1  }
0x99: {  	s4 =	simm.s32 $_scs_section_size  }
0x9a: {  	s5 =	simm.s32 $_size__tile_overlayer_lowered;
	s6 =	simm.s32 $_tile_overlayer_lowered  }
0x9b: {  	s7 =	simm.s32 $0x1BFF;
	s21 =	sshll.u32 s6, $0x1;
	s4 =	sadd.s32 s4, s20  }
0x9c: {  	s22 =	simm.s32 $0x0;
	s5 =	sshll.u32 s5, $0x1;
	s6 =	sadd.s32 s21, s4  }
0x9d: {  	[timem:s22], [sflag:s7] =	dma.local [hbm:s6], s5  }
0x9e: {  	_ =	swait.ge [sflag:s7], s5  }
0x9f: {  	s5 =	ssub.s32 $0x0, s5;
	[sflag:s7] =	ssyncset.done $0x0  }
0xa0: {  	[sflag:s7] =	ssyncadd.s32 s5;
	_ =	sdelay $0x1  }
0xa1: {  	s23 =	simm.s32 $0x1B8B  }
0xa2: {  	_ =	swait.ge [sflag:s23], $0x1  }
0xa3: {  	[sflag:s23] =	ssyncset.done $0x0  }
0xa4: {  	[sflag:s23] =	ssyncadd.s32 $0xFFFFFFFF  }
0xa5: {  	s5 =	sld [smem:$0x0]  }
0xa6: {  	s6 =	sand.u32 $0xFFFFFFFE, s1  }
0xa7: {  	p0 =	sne.s32 s1, s6  }
0xa8: {  	s6 =	sshll.u32 @p0 s6, $0xE  }
0xa9: {  	s6 =	sadd.s32 @p0 $0x11B8D, s6;
	s7 =	sshll.u32 @p0 s5, $0x11  }
0xaa: {  	s6 =	sor.u32 @p0 s7, s6  }
0xab: {  	[sflag:s6] =	ssyncadd.remote.s32 @p0 $0x1;
	_ =	sdelay $0x1  }
0xac: {  	s6 =	simm.s32 @p0 $0x1B8D  }
0xad: {  	_ =	swait.eq @p0 [sflag:s6], $0x1  }
0xae: {  	[sflag:s6] =	ssyncadd.s32 @p0 $0xFFFFFFFF  }
0xaf: {  	s7 =	sshll.u32 @!p0 s1, $0xE  }
0xb0: {  	s7 =	sor.u32 @!p0 $0x4000, s7;
	s6 =	simm.s32 @!p0 $0x1B8D  }
0xb1: {  	s5 =	sshll.u32 @!p0 s5, $0x11;
	s7 =	sadd.s32 @!p0 $0x11B8D, s7;
	_ =	swait.eq @!p0 [sflag:s6], $0x1  }
0xb2: {  	s5 =	sor.u32 @!p0 s5, s7;
	[sflag:s6] =	ssyncadd.s32 @!p0 $0xFFFFFFFF  }
0xb3: {  	s25 =	simm.s32 $0x1B8E;
	s24 =	sld [smem:$0x3FFE];
	[sflag:s5] =	ssyncadd.remote.s32 @!p0 $0x1  }
0xb4: {  	s26 =	simm.s32 $execute0_lowered;
	[smem:$0x3FD2] =	sst s25  }
0xb5: {  	s6 =	sshll.u32 s26, $0x1;
	_ =	strace $0x8000004F;
	[dreg:$0x1] =	wrdreg $0xFFFFFFFF  }
0xb6: {  	s28 =	simm.s32 $_size_execute0_lowered;
	s4 =	sadd.s32 s4, s6;
	[dreg:$0x0] =	wrdreg $0x0  }
0xb7: {  	s6 =	sshll.u32 s28, $0x1;
	[dreg:$0x2] =	wrdreg s4  }
0xb8: {  	[dreg:$0x3] =	wrdreg s6  }
0xb9: {  	[dreg:$0x4] =	wrdreg $0xC0  }
0xba: {  	_ =	task [dreg:s22], $0x5FFFF  }
0xbb: {  	[dreg:$0x1] =	wrdreg $0xFFFFFFFF  }
0xbc: {  	[dreg:$0x0] =	wrdreg $0x60  }
0xbd: {  	[dreg:$0x2] =	wrdreg s24  }
0xbe: {  	[dreg:$0x3] =	wrdreg s18  }
0xbf: {  	[dreg:$0x4] =	wrdreg $0x82000  }
0xc0: {  	[dreg:$0x5] =	wrdreg $0x1C2000  }
0xc1: {  	[dreg:$0x6] =	wrdreg $0x9  }
0xc2: {  	_ =	task.clear_ibuf [dreg:s22], $0x7FFFF;
	_ =	strace $0x9000004F  }
0xc3: {  	s29 =	simm.s32 $0x9;
	_ =	strace $0x80000051  }
0xc4: {  	_ =	swait.ge [sflag:s29], $0x1  }
0xc5: {  	[sflag:s29] =	ssyncadd.s32 $0xFFFFFFFF  }
0xc6: {  	_ =	strace $0x90000051  }
0xc7: {  	_ =	sfence  }
0xc8: {  	s30 =	sld [smem:$0x0];
	_ =	sdelay $0x2  }
0xc9: {  	s31 =	sshll.u32 s1, $0xD;
	s1 =	sshrl.u32 s1, $0x2  }
0xca: {  	s4 =	sand.u32 $0x4000, s31;
	s1 =	sadd.s32 s1, s30  }
0xcb: {  	s0 =	sor.u32 s4, s0;
	s1 =	sshll.u32 s1, $0x11  }
0xcc: {  	s0 =	sor.u32 s1, s0  }
0xcd: {  	s0 =	sadd.s32 $0x8F2B, s0  }
0xce: {  	[sflag:s0] =	ssyncadd.remote.s32 $0x1  }
0xcf: {  	_ =	sfence.sel $0xFFFF  }
0xd0: {  	[dreg:$0x0] =	wrdreg $0xFFFFFFFF;
	(pc) =	sbr.abs _section_cstart, $3  }
0xd1: {  	[dreg:$0x1] =	wrdreg $0xFFFFFFFF  }
0xd2: {  	_ =	task.clear_ibuf [dreg:s22], $0x2FFFF;
	_ =	strace $0x9FFFFFFF  }
0xd3: {  	(tm) =	ssettm $0x7FFFFFFF  }
tec
execute0_lowered:
.L_overlay_start_1:
0x0: {  	(tag) =	ssettag $0x1  }
0x1: {  	s8 =	rddreg [dreg:$0x0]  }
0x2: {  	s13 =	rddreg [dreg:$0x1]  }
0x3: {  	s2 =	rddreg [dreg:$0x2]  }
0x4: {  	s3 =	rddreg [dreg:$0x3]  }
0x5: {  	s0 =	stileid.u32;
	s1 =	rddreg [dreg:$0x4]  }
0x6: {  	s6 =	srdreg.scid;
	s5 =	simm.s32 $0x0;
	s17 =	simm.s32 $0x2  }
0x7: {  	v0 =	vlaneseq.u32;
	v6 =	vimm.f32 $0.0e+00;
	v25 =	vimm.s32 $0x3020100;
	s18 =	simm.s32 $0x50;
	s19 =	simm.s32 $0x80;
	s4 =	smul.u32 $0x50, s0  }
0x8: {  	vm0 =	vmmov $0xffff;
	vm1 =	vcmask $0xF00;
	s20 =	simm.s32 $0x200;
	s21 =	simm.s32 $0x180;
	v29 =	vimm.s32 $0x0;
	s11 =	smul.u32 $0x14000, s0  }
0x9: {  	s22 =	simm.s32 $0x5200;
	v30 =	vimm.s32 $0x1;
	v31 =	vimm.s32 $0x2;
	s10 =	sand.u32 $0x1, s6;
	v27 =	vmul.u32 $0x80, v0;
	s12 =	smul.u32 $0x2800, s0  }
0xa: {  	v32 =	vimm.s32 $0x3;
	[smem:$0x7FF] =	sst s5;
	s6 =	sadd.s32 $0xB19400, s8;
	v28 =	vunpack.c.0.s8.s32 v25;
	v26 =	vsel vm1, $0x3F800000, v6;
	s7 =	smul.u32 $0x140000, s10  }
0xb: {  	s23 =	simm.s32 $0x100;
	vm1 =	vcmask $0x1300;
	_ =	strace $0x80000050;
	s29 =	smul.u32 $0x28000, s10;
	v1 =	vor.u32 s4, v0;
	v7 =	vor.u32 $0x4, v27  }
0xc: {  	s15 =	ssub.s32 $0x2, s10;
	s10 =	smul.u32 $0x2710000, s10;
	s24 =	sadd.s32 $0x10, s4;
	v8 =	vor.u32 $0x5, v27;
	v9 =	vor.u32 $0x6, v27;
	v10 =	vor.u32 $0x7, v27  }
0xd: {  	s25 =	sadd.s32 $0x20, s4;
	s9 =	sadd.s32 $0x30, s4;
	s26 =	sadd.s32 $0x40, s4;
	v11 =	vor.u32 $0x804, v27;
	v12 =	vor.u32 $0x805, v27;
	v13 =	vor.u32 $0x806, v27  }
0xe: {  	v14 =	vor.u32 $0x807, v27;
	v15 =	vor.u32 $0x1004, v27;
	s16 =	sshrl.u32 s15, $0x1;
	v16 =	vor.u32 $0x1005, v27;
	s28 =	sadd.s32 s11, s7;
	s7 =	sadd.s32 $0x17800, s8  }
0xf: {  	v17 =	vor.u32 $0x1006, v27;
	v18 =	vor.u32 $0x1007, v27;
	v19 =	vor.u32 $0x1804, v27;
	s11 =	sadd.s32 s12, s29;
	s30 =	ssub.s32 s15, s16;
	s15 =	simm.s32 $0x3  }
0x10: {  	v20 =	vor.u32 $0x1805, v27;
	v2 =	vor.u32 s24, v0;
	v4 =	vor.u32 s9, v0;
	s16 =	simm.s32 $0x2A00;
	s24 =	simm.s32 $0x1;
	s9 =	sshrl.u32 s28, $0x3  }
0x11: {  	v21 =	vor.u32 $0x1806, v27;
	v22 =	vor.u32 $0x1807, v27;
	v3 =	vor.u32 s25, v0;
	s25 =	simm.s32 $0x0;
	s14 =	sadd.s32 s9, s8;
	s8 =	smul.u32 $0x280, s0  }
0x12: {  	v23 =	vor.u32 $0x2004, v27;
	v24 =	vor.u32 $0x2005, v27;
	v25 =	vor.u32 $0x2006, v27;
	s31 =	sshrl.u32 s11, $0x3;
	s11 =	smax.u32 s30, $0x1;
	s9 =	smul.u32 $0x4E20, s0  }
0x13: {  	v27 =	vor.u32 $0x2007, v27;
	v28 =	vnsel vm1, $0x0, v28;
	v5 =	vor.u32 s26, v0;
	s13 =	sadd.s32 s31, s13;
	s12 =	sadd.s32 $0x152D400, s14;
	s14 =	simm.s32 $0x7A00  }
.LBB2_1:
0x14: {  	p0 =	por $0x0, $0x0  }
.Ltmp0:
0x15: {  	_ = 	snop;
	(pc) =	sbr.rel @p0 .LBB2_3-.Ltmp0, $2  }
0x16: {  	_ =	sdelay $0x2  }
0x17: {  	s26 =	simm.s32 $0x0;
	s28 =	simm.s32 $0x200  }
.LBB2_2:
0x18: {  	p0 =	seq.s32 s28, $0x1E00;
	[tilespmem:s26+$0x7A70] =	vst v6  }
0x19: {  	[tilespmem:s26+$0x7A00] =	vst v6  }
0x1a: {  	[tilespmem:s26+$0x7A10] =	vst v6  }
.Ltmp1:
0x1b: {  	[tilespmem:s26+$0x7A20] =	vst v6;
	(pc) =	sbr.rel @!p0 .LBB2_2-.Ltmp1, $4  }
0x1c: {  	[tilespmem:s26+$0x7A30] =	vst v6  }
0x1d: {  	[tilespmem:s26+$0x7A40] =	vst v6  }
0x1e: {  	[tilespmem:s26+$0x7A50] =	vst v6  }
0x1f: {  	[tilespmem:s26+$0x7A60] =	vst v6;
	s26 =	sshra.s32 s28, $0x2;
	s28 =	sadd.s32 $0x200, s28  }
.LBB2_3:
0x20: {  	[tilespmem:s26+$0x7A70] =	vst v6  }
0x21: {  	[tilespmem:s26+$0x7A00] =	vst v6  }
0x22: {  	[tilespmem:s26+$0x7A10] =	vst v6;
	s30 =	sadd.s32 $0x0, s8  }
0x23: {  	[tilespmem:s26+$0x7A20] =	vst v6;
	v33 =	vor.u32 s30, v0  }
0x24: {  	[tilespmem:s26+$0x7A30] =	vst v6  }
0x25: {  	[tilespmem:s26+$0x7A40] =	vst v6  }
0x26: {  	[tilespmem:s26+$0x7A50] =	vst v6  }
0x27: {  	[tilespmem:s26+$0x7A60] =	vst v6;
	s31 =	sadd.s32 $0x10, s8  }
0x28: {  	[spmem:s2] =	stream.indirect_vreg.scatter [tilespmem:s14], [sflag:$0x3], $0x80, v33, vm0, $0xb8;
	v33 =	vor.u32 s31, v0;
	[tilespmem:$0x1EA00] =	vst v63  }
0x29: {  	_ = 	snop  }
0x2a: {  	_ =	swait.ge [sflag:s15], $0x800  }
0x2b: {  	s26 =	simm.s32 $0x20;
	[sflag:s15] =	ssyncset.done $0x0  }
.LBB2_4:
0x2c: {  	s28 =	sadd.s32 s26, s8;
	[sflag:s15] =	ssyncadd.s32 $0xFFFFF800;
	p0 =	seq.s32 s26, $0x270  }
0x2d: {  	[spmem:s2] =	stream.indirect_vreg.scatter [tilespmem:s14], [sflag:$0x3], $0x80, v33, vm0, $0xb8;
	[tilespmem:$0x1EA00] =	vst v63  }
.Ltmp2:
0x2e: {  	_ = 	snop;
	(pc) =	sbr.rel @!p0 .LBB2_4-.Ltmp2, $3  }
0x2f: {  	v33 =	vor.u32 s28, v0;
	_ =	sdelay $0x1  }
0x30: {  	s26 =	sadd.s32 $0x10, s26;
	_ =	swait.ge [sflag:s15], $0x800  }
0x31: {  	[sflag:s15] =	ssyncset.done $0x0  }
0x32: {  	_ =	sdelay $0x2  }
0x33: {  	[sflag:s15] =	ssyncadd.s32 $0xFFFFF800  }
0x34: {  	[spmem:s2] =	stream.indirect_vreg.scatter [tilespmem:s14], [sflag:$0x3], $0x80, v33, vm0, $0xb8;
	[tilespmem:$0x1EA00] =	vst v63  }
0x35: {  	_ =	swait.ge [sflag:s15], $0x800  }
0x36: {  	[sflag:s15] =	ssyncset.done $0x0  }
0x37: {  	[sflag:s15] =	ssyncadd.s32 $0xFFFFF800  }
0x38: {  	[spmem:s3] =	stream.indirect_vreg.scatter [tilespmem:s14], [sflag:$0x3], $0x80, v1, vm0, $0xb8;
	[tilespmem:$0x1EA00] =	vst v63  }
0x39: {  	_ =	swait.ge [sflag:s15], $0x800  }
0x3a: {  	[sflag:s15] =	ssyncset.done $0x0  }
0x3b: {  	[sflag:s15] =	ssyncadd.s32 $0xFFFFF800  }
0x3c: {  	[spmem:s3] =	stream.indirect_vreg.scatter [tilespmem:s14], [sflag:$0x3], $0x80, v2, vm0, $0xb8;
	[tilespmem:$0x1EA00] =	vst v63  }
0x3d: {  	_ =	swait.ge [sflag:s15], $0x800  }
0x3e: {  	[sflag:s15] =	ssyncset.done $0x0  }
0x3f: {  	[sflag:s15] =	ssyncadd.s32 $0xFFFFF800  }
0x40: {  	[spmem:s3] =	stream.indirect_vreg.scatter [tilespmem:s14], [sflag:$0x3], $0x80, v3, vm0, $0xb8;
	[tilespmem:$0x1EA00] =	vst v63  }
0x41: {  	_ =	swait.ge [sflag:s15], $0x800  }
0x42: {  	[sflag:s15] =	ssyncset.done $0x0  }
0x43: {  	[sflag:s15] =	ssyncadd.s32 $0xFFFFF800  }
0x44: {  	[spmem:s3] =	stream.indirect_vreg.scatter [tilespmem:s14], [sflag:$0x3], $0x80, v4, vm0, $0xb8;
	[tilespmem:$0x1EA00] =	vst v63  }
0x45: {  	_ =	swait.ge [sflag:s15], $0x800  }
0x46: {  	[sflag:s15] =	ssyncset.done $0x0  }
0x47: {  	[sflag:s15] =	ssyncadd.s32 $0xFFFFF800  }
0x48: {  	[spmem:s3] =	stream.indirect_vreg.scatter [tilespmem:s14], [sflag:$0x3], $0x80, v5, vm0, $0xb8;
	[tilespmem:$0x1EA00] =	vst v63  }
0x49: {  	_ =	swait.ge [sflag:s15], $0x800  }
0x4a: {  	[sflag:s15] =	ssyncset.done $0x0  }
0x4b: {  	[sflag:s15] =	ssyncadd.s32 $0xFFFFF800  }
0x4c: {  	s26 =	simm.s32 $0x0;
	s28 =	simm.s32 $0x0;
	[bflag:$0x0] =	sbarrier.arrive $0xFFFF  }
.LBB2_6:
0x4d: {  	s29 =	smul.u32 $0x50, s28;
	_ =	sdelay $0x1  }
0x4e: {  	s29 =	sadd.s32 s9, s29  }
0x4f: {  	s29 =	sshll.u32 s29, $0x7  }
0x50: {  	s29 =	sadd.s32 s10, s29  }
0x51: {  	s29 =	sshrl.u32 s29, $0x3  }
0x52: {  	s29 =	sadd.s32 s6, s29  }
0x53: {  	[tilespmem:s16], [sflag:$0x2] =	stream.linear.gather [hbm4b:s29+s26], $0x2800, $0x38;
	[tilespmem:$0x1EA00] =	vst v63  }
0x54: {  	_ =	swait.ge [sflag:s17], $0x2800  }
0x55: {  	[sflag:s17] =	ssyncset.done $0x0  }
0x56: {  	[sflag:s17] =	ssyncadd.s32 $0xFFFFD800  }
0x57: {  	v33 =	vld.idx.msk [tilespmem:v7+s16+$0x0], $0xffff;
	_ =	sdelay $0x4  }
0x58: {  	[tilespmem:$0x80] =	vst v33  }
0x59: {  	v33 =	vld.idx.msk [tilespmem:v8+s16+$0x0], $0xffff;
	_ =	sdelay $0x4  }
0x5a: {  	[tilespmem:$0x100] =	vst v33  }
0x5b: {  	v33 =	vld.idx.msk [tilespmem:v9+s16+$0x0], $0xffff;
	_ =	sdelay $0x4  }
0x5c: {  	[tilespmem:$0x180] =	vst v33  }
0x5d: {  	v33 =	vld.idx.msk [tilespmem:v10+s16+$0x0], $0xffff;
	_ =	sdelay $0x4  }
0x5e: {  	[tilespmem:$0x0] =	vst v33  }
0x5f: {  	v33 =	vld.idx.msk [tilespmem:v11+s16+$0x0], $0xffff;
	_ =	sdelay $0x4  }
0x60: {  	[tilespmem:$0x90] =	vst v33  }
0x61: {  	v33 =	vld.idx.msk [tilespmem:v12+s16+$0x0], $0xffff;
	_ =	sdelay $0x4  }
0x62: {  	[tilespmem:$0x110] =	vst v33  }
0x63: {  	v33 =	vld.idx.msk [tilespmem:v13+s16+$0x0], $0xffff;
	_ =	sdelay $0x4  }
0x64: {  	[tilespmem:$0x190] =	vst v33  }
0x65: {  	v33 =	vld.idx.msk [tilespmem:v14+s16+$0x0], $0xffff;
	_ =	sdelay $0x4  }
0x66: {  	[tilespmem:$0x10] =	vst v33  }
0x67: {  	v33 =	vld.idx.msk [tilespmem:v15+s16+$0x0], $0xffff;
	_ =	sdelay $0x4  }
0x68: {  	[tilespmem:$0xA0] =	vst v33  }
0x69: {  	v33 =	vld.idx.msk [tilespmem:v16+s16+$0x0], $0xffff;
	_ =	sdelay $0x4  }
0x6a: {  	[tilespmem:$0x120] =	vst v33  }
0x6b: {  	v33 =	vld.idx.msk [tilespmem:v17+s16+$0x0], $0xffff;
	_ =	sdelay $0x4  }
0x6c: {  	[tilespmem:$0x1A0] =	vst v33  }
0x6d: {  	v33 =	vld.idx.msk [tilespmem:v18+s16+$0x0], $0xffff;
	_ =	sdelay $0x4  }
0x6e: {  	[tilespmem:$0x20] =	vst v33  }
0x6f: {  	v33 =	vld.idx.msk [tilespmem:v19+s16+$0x0], $0xffff;
	_ =	sdelay $0x4  }
0x70: {  	[tilespmem:$0xB0] =	vst v33  }
0x71: {  	v33 =	vld.idx.msk [tilespmem:v20+s16+$0x0], $0xffff;
	_ =	sdelay $0x4  }
0x72: {  	[tilespmem:$0x130] =	vst v33  }
0x73: {  	v33 =	vld.idx.msk [tilespmem:v21+s16+$0x0], $0xffff;
	_ =	sdelay $0x4  }
0x74: {  	[tilespmem:$0x1B0] =	vst v33  }
0x75: {  	v33 =	vld.idx.msk [tilespmem:v22+s16+$0x0], $0xffff;
	_ =	sdelay $0x4  }
0x76: {  	[tilespmem:$0x30] =	vst v33  }
0x77: {  	v33 =	vld.idx.msk [tilespmem:v23+s16+$0x0], $0xffff;
	_ =	sdelay $0x4  }
0x78: {  	[tilespmem:$0xC0] =	vst v33  }
0x79: {  	v33 =	vld.idx.msk [tilespmem:v24+s16+$0x0], $0xffff;
	_ =	sdelay $0x4  }
0x7a: {  	[tilespmem:$0x140] =	vst v33  }
0x7b: {  	v33 =	vld.idx.msk [tilespmem:v25+s16+$0x0], $0xffff;
	_ =	sdelay $0x4  }
0x7c: {  	[tilespmem:$0x1C0] =	vst v33  }
0x7d: {  	v33 =	vld.idx.msk [tilespmem:v27+s16+$0x0], $0xffff;
	_ =	sdelay $0x4  }
0x7e: {  	s30 =	simm.s32 $0x200;
	s29 =	simm.s32 $0x0;
	[tilespmem:$0x40] =	vst v33  }
0x7f: {  	[tilespmem:s20], [sflag:$0x1] =	stream.indirect.gather [hbm4b:s7+s18], $0x80, s19, s18, $0xb8;
	[tilespmem:$0x1EA00] =	vst v63  }
.LBB2_7:
0x80: {  	p0 =	sne.s32 s30, $0x9E00;
	[tilespmem:s29+$0x5270] =	vst v6  }
0x81: {  	[tilespmem:s29+$0x5200] =	vst v6  }
0x82: {  	[tilespmem:s29+$0x5210] =	vst v6  }
.Ltmp3:
0x83: {  	[tilespmem:s29+$0x5220] =	vst v6;
	(pc) =	sbr.rel @p0 .LBB2_7-.Ltmp3, $4  }
0x84: {  	[tilespmem:s29+$0x5230] =	vst v6  }
0x85: {  	[tilespmem:s29+$0x5240] =	vst v6  }
0x86: {  	[tilespmem:s29+$0x5250] =	vst v6  }
0x87: {  	[tilespmem:s29+$0x5260] =	vst v6;
	s29 =	sshra.s32 s30, $0x2;
	s30 =	sadd.s32 $0x200, s30  }
0x88: {  	[tilespmem:s29+$0x5270] =	vst v6  }
0x89: {  	[tilespmem:s29+$0x5200] =	vst v6  }
0x8a: {  	[tilespmem:s29+$0x5210] =	vst v6;
	s30 =	simm.s32 $0x0  }
0x8b: {  	[tilespmem:s29+$0x5220] =	vst v6;
	v33 =	vmov s30  }
0x8c: {  	[tilespmem:s29+$0x5230] =	vst v6  }
0x8d: {  	[tilespmem:s29+$0x5240] =	vst v6  }
0x8e: {  	[tilespmem:s29+$0x5250] =	vst v6  }
0x8f: {  	[tilespmem:s29+$0x5260] =	vst v6  }
0x90: {  	v34 =	vld.idx.msk [tilespmem:v33+s21+$0x0], $0xffff;
	_ =	sdelay $0x4  }
0x91: {  	s29 =	simm.s32 $0x2A00;
	v34 =	vadd.s32 v28, v34  }
0x92: {  	v33 =	vshll.u32 v33, $0x7;
	v35 =	vand.u32 $0xFFFFFF80, v34;
	v36 =	vand.u32 $0x7F, v34;
	v34 =	vld [tilespmem:s29+$0x0]  }
0x93: {  	v33 =	vadd.s32 v33, v35  }
0x94: {  	s30 =	simm.s32 $0x1;
	v35 =	vor.u32 v36, v33  }
0x95: {  	v33 =	vmov s30;
	s30 =	simm.s32 $0x2  }
.LBB2_9:
0x96: {  	p0 =	sne.s32 s30, $0x4F  }
0x97: {  	v34 =	vmul.f32 v26, v34;
	_ =	sdelay $0x1  }
0x98: {  	[tilespmem:v35+s22+$0x0] =	vst.idx.msk $0xf, v34  }
0x99: {  	v34 =	vld.idx.msk [tilespmem:v33+s21+$0x0], $0xffff;
	_ =	sdelay $0x5  }
.Ltmp4:
0x9a: {  	s29 =	sadd.s32 $0x80, s29;
	v35 =	vadd.s32 v28, v34;
	(pc) =	sbr.rel @p0 .LBB2_9-.Ltmp4, $4  }
0x9b: {  	v33 =	vshll.u32 v33, $0x7;
	v36 =	vand.u32 $0xFFFFFF80, v35;
	v34 =	vld [tilespmem:s29+$0x0]  }
0x9c: {  	v35 =	vand.u32 $0x7F, v35;
	v33 =	vadd.s32 v33, v36  }
0x9d: {  	v35 =	vor.u32 v35, v33  }
0x9e: {  	v33 =	vmov s30;
	s30 =	sadd.s32 $0x1, s30  }
0x9f: {  	_ =	sdelay $0x1  }
0xa0: {  	v34 =	vmul.f32 v26, v34;
	_ =	sdelay $0x1  }
0xa1: {  	[tilespmem:v35+s22+$0x0] =	vst.idx.msk $0xf, v34  }
0xa2: {  	v34 =	vld.idx.msk [tilespmem:v33+s21+$0x0], $0xffff;
	_ =	sdelay $0x4  }
0xa3: {  	s29 =	sadd.s32 $0x80, s29;
	v34 =	vadd.s32 v28, v34  }
0xa4: {  	v61 =	vshll.u32 v33, $0x7;
	v35 =	vld [tilespmem:s29+$0x0];
	v36 =	vand.u32 $0xFFFFFF80, v34  }
0xa5: {  	v34 =	vand.u32 $0x7F, v34;
	v33 =	vadd.s32 v61, v36  }
0xa6: {  	v33 =	vor.u32 v34, v33;
	_ =	sdelay $0x2  }
0xa7: {  	v62 =	vmul.f32 v26, v35;
	_ =	sdelay $0x1  }
0xa8: {  	[tilespmem:v33+s22+$0x0] =	vst.idx.msk $0xf, v62  }
0xa9: {  	[spmem:s3] =	stream.indirect.scatter.add.f32 [tilespmem:s22], [sflag:$0x3], $0x80, s23, s18, $0xb8;
	[tilespmem:$0x1EA00] =	vst v63  }
0xaa: {  	_ =	swait.ge [sflag:s15], $0x2800  }
0xab: {  	[sflag:s15] =	ssyncset.done $0x0  }
0xac: {  	[sflag:s15] =	ssyncadd.s32 $0xFFFFD800  }
0xad: {  	_ =	swait.ge [sflag:s24], $0x2800  }
0xae: {  	[sflag:s24] =	ssyncset.done $0x0  }
0xaf: {  	s30 =	simm.s32 $0x0;
	[sflag:s24] =	ssyncadd.s32 $0xFFFFD800  }
0xb0: {  	v63 =	vld [tilespmem:s30+$0x2A00]  }
0xb1: {  	v38 =	vld [tilespmem:s30+$0x200]  }
0xb2: {  	v40 =	vld [tilespmem:s30+$0x270]  }
0xb3: {  	v42 =	vld [tilespmem:s30+$0x210]  }
0xb4: {  	v36 =	vld [tilespmem:s30+$0x220]  }
0xb5: {  	v35 =	vld [tilespmem:s30+$0x230];
	v44 =	vperm.xlane v63, v29;
	v33 =	vperm.xlane v63, v32  }
0xb6: {  	v37 =	vld [tilespmem:s30+$0x240];
	v39 =	vperm.xlane v63, v30  }
0xb7: {  	v41 =	vmul.f32 v44, v38;
	v38 =	vld [tilespmem:s30+$0x250];
	v43 =	vmul.f32 v40, v33  }
0xb8: {  	s31 =	simm.s32 $0x400;
	s29 =	simm.s32 $0x80;
	v34 =	vperm.xlane v63, v31;
	v42 =	vmul.f32 v42, v44;
	v40 =	vld [tilespmem:s30+$0x260]  }
.LBB2_11:
0xb9: {  	p0 =	sne.s32 s31, $0x9E00;
	v44 =	vld [tilespmem:s29+$0x2A00];
	v36 =	vmul.f32 v39, v36;
	[tilespmem:s30+$0x5270] =	vst v43  }
0xba: {  	v43 =	vld [tilespmem:s29+$0x200];
	[tilespmem:s30+$0x5200] =	vst v41;
	v35 =	vmul.f32 v35, v39  }
0xbb: {  	v45 =	vld [tilespmem:s29+$0x270];
	[tilespmem:s30+$0x5210] =	vst v42;
	v37 =	vmul.f32 v34, v37  }
0xbc: {  	v42 =	vld [tilespmem:s29+$0x210];
	[tilespmem:s30+$0x5220] =	vst v36;
	v38 =	vmul.f32 v38, v34  }
.Ltmp5:
0xbd: {  	v36 =	vld [tilespmem:s29+$0x220];
	[tilespmem:s30+$0x5230] =	vst v35;
	v40 =	vmul.f32 v33, v40;
	(pc) =	sbr.rel @p0 .LBB2_11-.Ltmp5, $4  }
0xbe: {  	v46 =	vperm.xlane v44, v29;
	v35 =	vld [tilespmem:s29+$0x230];
	v33 =	vperm.xlane v44, v32;
	[tilespmem:s30+$0x5240] =	vst v37  }
0xbf: {  	v39 =	vperm.xlane v44, v30;
	v34 =	vperm.xlane v44, v31;
	v37 =	vld [tilespmem:s29+$0x240];
	[tilespmem:s30+$0x5250] =	vst v38  }
0xc0: {  	v41 =	vmul.f32 v46, v43;
	v38 =	vld [tilespmem:s29+$0x250];
	v43 =	vmul.f32 v45, v33;
	[tilespmem:s30+$0x5260] =	vst v40;
	s30 =	smov.u32 s29  }
0xc1: {  	s29 =	sshra.s32 s31, $0x2;
	s31 =	sadd.s32 $0x200, s31;
	v42 =	vmul.f32 v42, v46;
	v40 =	vld [tilespmem:s30+$0x260]  }
0xc2: {  	v44 =	vld [tilespmem:s29+$0x2A00];
	[tilespmem:s30+$0x5270] =	vst v43  }
0xc3: {  	v43 =	vld [tilespmem:s29+$0x200];
	[tilespmem:s30+$0x5200] =	vst v41  }
0xc4: {  	v36 =	vmul.f32 v39, v36;
	v41 =	vld [tilespmem:s29+$0x270]  }
0xc5: {  	v35 =	vmul.f32 v35, v39;
	[tilespmem:s30+$0x5210] =	vst v42  }
0xc6: {  	v37 =	vmul.f32 v34, v37;
	v42 =	vld [tilespmem:s29+$0x210];
	[tilespmem:s30+$0x5220] =	vst v36  }
0xc7: {  	v52 =	vmul.f32 v38, v34;
	v36 =	vld [tilespmem:s29+$0x220];
	[tilespmem:s30+$0x5230] =	vst v35;
	v53 =	vperm.xlane v44, v32  }
0xc8: {  	v33 =	vmul.f32 v33, v40;
	v35 =	vld [tilespmem:s29+$0x230];
	[tilespmem:s30+$0x5240] =	vst v37;
	v54 =	vperm.xlane v44, v29  }
0xc9: {  	v37 =	vld [tilespmem:s29+$0x240];
	[tilespmem:s30+$0x5250] =	vst v52;
	v56 =	vmul.f32 v41, v53  }
0xca: {  	v57 =	vperm.xlane v44, v30;
	v55 =	vld [tilespmem:s29+$0x250];
	[tilespmem:s30+$0x5260] =	vst v33;
	v58 =	vmul.f32 v54, v43  }
0xcb: {  	v59 =	vld [tilespmem:s29+$0x260];
	v34 =	vmul.f32 v42, v54;
	[tilespmem:s29+$0x5270] =	vst v56  }
0xcc: {  	v60 =	vperm.xlane v44, v31;
	v36 =	vmul.f32 v57, v36;
	[tilespmem:s29+$0x5200] =	vst v58  }
0xcd: {  	v33 =	vmul.f32 v35, v57;
	[tilespmem:s29+$0x5210] =	vst v34  }
0xce: {  	v61 =	vmul.f32 v60, v37;
	[tilespmem:s29+$0x5220] =	vst v36  }
0xcf: {  	v62 =	vmul.f32 v55, v60;
	[tilespmem:s29+$0x5230] =	vst v33  }
0xd0: {  	s28 =	sadd.s32 $0x1, s28;
	v63 =	vmul.f32 v53, v59;
	[tilespmem:s29+$0x5240] =	vst v61  }
0xd1: {  	p0 =	sne.s32 s28, $0xFA;
	[tilespmem:s29+$0x5250] =	vst v62  }
.Ltmp6:
0xd2: {  	[tilespmem:s29+$0x5260] =	vst v63;
	(pc) =	sbr.rel @p0 .LBB2_6-.Ltmp6, $4  }
0xd3: {  	[spmem:s2] =	stream.indirect.scatter.add.f32 [tilespmem:s22], [sflag:$0x3], $0x80, s5, s18, $0xb8;
	[tilespmem:$0x1EA00] =	vst v63  }
0xd4: {  	_ =	swait.ge [sflag:s15], $0x2800  }
0xd5: {  	[sflag:s15] =	ssyncset.done $0x0  }
0xd6: {  	[sflag:s15] =	ssyncadd.s32 $0xFFFFD800  }
0xd7: {  	s26 =	sadd.s32 $0x0, s8  }
0xd8: {  	v33 =	vor.u32 s26, v0;
	_ =	sdelay $0x3  }
0xd9: {  	[bflag:$0x0] =	sbarrier.arrive $0xFFFF  }
0xda: {  	[tilespmem:s14], [sflag:$0x3] =	stream.indirect_vreg.gather [spmem:s2], $0x80, v33, vm0, $0xb8;
	[tilespmem:$0x1EA00] =	vst v63  }
0xdb: {  	_ =	swait.ge [sflag:s15], $0x800  }
0xdc: {  	[sflag:s15] =	ssyncset.done $0x0  }
0xdd: {  	s28 =	sadd.s32 $0x10, s8;
	s26 =	simm.s32 $0x0;
	[sflag:s15] =	ssyncadd.s32 $0xFFFFF800  }
0xde: {  	v33 =	vor.u32 s28, v0;
	[hbm4b:s12+s26] =	stream.linear.scatter [tilespmem:s14], [sflag:$0x3], $0x800, $0x38;
	[tilespmem:$0x1EA00] =	vst v63  }
0xdf: {  	_ =	swait.ge [sflag:s15], $0x800  }
0xe0: {  	s29 =	simm.s32 $0x20;
	s28 =	smov.u32 s12;
	[sflag:s15] =	ssyncset.done $0x0  }
.LBB2_14:
0xe1: {  	[sflag:s15] =	ssyncadd.s32 $0xFFFFF800  }
0xe2: {  	s28 =	sadd.s32 $0x100, s28;
	s30 =	smov.u32 s29;
	s31 =	sadd.s32 $0x10, s29  }
0xe3: {  	[tilespmem:s14], [sflag:$0x3] =	stream.indirect_vreg.gather [spmem:s2], $0x80, v33, vm0, $0xb8;
	[tilespmem:$0x1EA00] =	vst v63  }
0xe4: {  	p0 =	sne.s32 s29, $0x270;
	_ =	swait.ge [sflag:s15], $0x800  }
.Ltmp7:
0xe5: {  	s29 =	sadd.s32 s30, s8;
	[sflag:s15] =	ssyncset.done $0x0;
	(pc) =	sbr.rel @p0 .LBB2_14-.Ltmp7, $4  }
0xe6: {  	v33 =	vor.u32 s29, v0;
	[sflag:s15] =	ssyncadd.s32 $0xFFFFF800  }
0xe7: {  	[hbm4b:s28+s26] =	stream.linear.scatter [tilespmem:s14], [sflag:$0x3], $0x800, $0x38;
	[tilespmem:$0x1EA00] =	vst v63  }
0xe8: {  	_ =	swait.ge [sflag:s15], $0x800  }
0xe9: {  	s29 =	smov.u32 s31;
	[sflag:s15] =	ssyncset.done $0x0  }
0xea: {  	_ =	sdelay $0x2  }
0xeb: {  	[sflag:s15] =	ssyncadd.s32 $0xFFFFF800  }
0xec: {  	[tilespmem:s14], [sflag:$0x3] =	stream.indirect_vreg.gather [spmem:s2], $0x80, v33, vm0, $0xb8;
	[tilespmem:$0x1EA00] =	vst v63  }
0xed: {  	_ =	swait.ge [sflag:s15], $0x800  }
0xee: {  	s29 =	sadd.s32 $0x0, s4;
	[sflag:s15] =	ssyncset.done $0x0  }
0xef: {  	s28 =	sadd.s32 $0x100, s28;
	v63 =	vor.u32 s29, v0;
	[sflag:s15] =	ssyncadd.s32 $0xFFFFF800  }
0xf0: {  	[hbm4b:s28+s26] =	stream.linear.scatter [tilespmem:s14], [sflag:$0x3], $0x800, $0x38;
	[tilespmem:$0x1EA00] =	vst v63  }
0xf1: {  	_ =	swait.ge [sflag:s15], $0x800  }
0xf2: {  	[sflag:s15] =	ssyncset.done $0x0  }
0xf3: {  	[sflag:s15] =	ssyncadd.s32 $0xFFFFF800  }
0xf4: {  	[tilespmem:s14], [sflag:$0x3] =	stream.indirect_vreg.gather [spmem:s3], $0x80, v63, vm0, $0xb8;
	[tilespmem:$0x1EA00] =	vst v63  }
0xf5: {  	_ =	swait.ge [sflag:s15], $0x800  }
0xf6: {  	[sflag:s15] =	ssyncset.done $0x0  }
0xf7: {  	s31 =	sadd.s32 $0x10, s4;
	[sflag:s15] =	ssyncadd.s32 $0xFFFFF800  }
0xf8: {  	v33 =	vor.u32 s31, v0;
	[hbm4b:s13+s5] =	stream.linear.scatter [tilespmem:s14], [sflag:$0x3], $0x800, $0x38;
	[tilespmem:$0x1EA00] =	vst v63  }
0xf9: {  	_ =	swait.ge [sflag:s15], $0x800  }
0xfa: {  	s28 =	simm.s32 $0x20;
	s26 =	smov.u32 s13;
	[sflag:s15] =	ssyncset.done $0x0  }
.LBB2_16:
0xfb: {  	[sflag:s15] =	ssyncadd.s32 $0xFFFFF800  }
0xfc: {  	s26 =	sadd.s32 $0x100, s26;
	s29 =	smov.u32 s28;
	s30 =	sadd.s32 $0x10, s28  }
0xfd: {  	[tilespmem:s14], [sflag:$0x3] =	stream.indirect_vreg.gather [spmem:s3], $0x80, v33, vm0, $0xb8;
	[tilespmem:$0x1EA00] =	vst v63  }
0xfe: {  	p0 =	sne.s32 s28, $0x40;
	_ =	swait.ge [sflag:s15], $0x800  }
.Ltmp8:
0xff: {  	s28 =	sadd.s32 s29, s4;
	[sflag:s15] =	ssyncset.done $0x0;
	(pc) =	sbr.rel @p0 .LBB2_16-.Ltmp8, $4  }
0x100: {  	v33 =	vor.u32 s28, v0;
	[sflag:s15] =	ssyncadd.s32 $0xFFFFF800  }
0x101: {  	[hbm4b:s26+s5] =	stream.linear.scatter [tilespmem:s14], [sflag:$0x3], $0x800, $0x38;
	[tilespmem:$0x1EA00] =	vst v63  }
0x102: {  	_ =	swait.ge [sflag:s15], $0x800  }
0x103: {  	s28 =	smov.u32 s30;
	[sflag:s15] =	ssyncset.done $0x0  }
0x104: {  	_ =	sdelay $0x2  }
0x105: {  	[sflag:s15] =	ssyncadd.s32 $0xFFFFF800  }
0x106: {  	[tilespmem:s14], [sflag:$0x3] =	stream.indirect_vreg.gather [spmem:s3], $0x80, v33, vm0, $0xb8;
	[tilespmem:$0x1EA00] =	vst v63  }
0x107: {  	s25 =	sadd.s32 $0x1, s25;
	_ =	swait.ge [sflag:s15], $0x800  }
0x108: {  	p0 =	sne.s32 s25, s11;
	[sflag:s15] =	ssyncset.done $0x0  }
.Ltmp9:
0x109: {  	s26 =	sadd.s32 $0x100, s26;
	[sflag:s15] =	ssyncadd.s32 $0xFFFFF800;
	(pc) =	sbr.rel @p0 .LBB2_1-.Ltmp9, $4  }
0x10a: {  	[hbm4b:s26+s5] =	stream.linear.scatter [tilespmem:s14], [sflag:$0x3], $0x800, $0x38;
	[tilespmem:$0x1EA00] =	vst v63  }
0x10b: {  	_ =	swait.ge [sflag:s15], $0x800  }
0x10c: {  	[sflag:s15] =	ssyncset.done $0x0  }
0x10d: {  	[sflag:s15] =	ssyncadd.s32 $0xFFFFF800  }
0x10e: {  	_ =	sfence.sel $0x180000  }
0x10f: {  	[bflag:$0x0] =	sbarrier.arrive $0xFFFF  }
0x110: {  	p0 =	sne.s32 s0, $0x0;
	_ =	strace $0x90000050  }
0x111: {  	s0 =	sadd.s32 @!p0 $0x100000, s1;
	[bflag:$0x2] =	sbarrier.arrive $0xFFFF  }
0x112: {  	[sflag:s0] =	ssyncadd.tile.s32 @!p0 $0x1;
	_ =	shalt  }
.Lfunc_end2:
_tile_overlayer_lowered:
.L_overlay_start_2:
0x113: {  	(tag) =	ssettag $0x2  }
0x114: {  	s0 =	rddreg [dreg:$0x0];
	s2 =	stileid.u32  }
0x115: {  	s1 =	rddreg [dreg:$0x1];
	p0 =	sne.s32 s2, $0x0  }
0x116: {  	s3 =	rddreg [dreg:$0x2];
	[bflag:$0x3] =	sbarrier.arrive $0xFFFF;
	s2 =	simm.s32 @!p0 $0x1C03  }
0x117: {  	[timem:s3], [sflag:s2] =	dma.local @!p0 [hbm:s0], s1  }
0x118: {  	s0 =	simm.s32 @!p0 $0x3  }
0x119: {  	_ =	swait.ge @!p0 [sflag:s0], s1  }
0x11a: {  	s1 =	ssub.s32 @!p0 $0x0, s1;
	[sflag:s0] =	ssyncset.done @!p0 $0x0  }
0x11b: {  	[sflag:s0] =	ssyncadd.s32 @!p0 s1  }
0x11c: {  	[bflag:$0x3] =	sbarrier.arrive $0xFFFF  }
0x11d: {  	_ =	shalt  }

// kernel: kernel.14.cloned.1.call-start
scs
__scs_entry_jumppad:
0x0: {  	(pc) =	sbr.rel $0x88, $3  }
0x1: {  	(tag) =	ssettag $0x0;
	lr =	simm.s32 $0x1  }
0x2: {  	[smem:$0x3F98] =	sst lr;
	_ =	strace $0xD0000000  }
0x3: {  	_ = 	snop  }
0x4: {  	_ = 	snop  }
0x5: {  	_ = 	snop  }
0x6: {  	_ = 	snop  }
0x7: {  	_ = 	snop  }
__scs_overlays_trampoline_lowered:
0x8: {  	[smem:$0x3FA7] =	sst s0  }
0x9: {  	[smem:$0x3FA8] =	sst s1  }
0xa: {  	[smem:$0x3FA9] =	sst s2  }
0xb: {  	[smem:$0x3FAA] =	sst s3  }
0xc: {  	[smem:$0x3FAB] =	sst s4  }
0xd: {  	[smem:$0x3FAC] =	sst s5  }
0xe: {  	[smem:$0x3FAD] =	sst s6  }
0xf: {  	[smem:$0x3FAE] =	sst s7  }
0x10: {  	[smem:$0x3FAF] =	sst s8  }
0x11: {  	[smem:$0x3FB0] =	sst s9;
	s0 =	simm.s32 @!p0 $0x0  }
0x12: {  	s1 =	sld [smem:$0x3F96];
	s0 =	simm.s32 @p0 $0x1  }
0x13: {  	[smem:$0x3FB1] =	sst s0;
	s0 =	simm.s32 @!p1 $0x0  }
0x14: {  	s2 =	sld [smem:$0x3F95];
	s0 =	simm.s32 @p1 $0x1  }
0x15: {  	[smem:$0x3FB2] =	sst s0;
	s0 =	simm.s32 @!p2 $0x0  }
0x16: {  	s3 =	sld [smem:$0x3FDB];
	s0 =	simm.s32 @p2 $0x1  }
0x17: {  	s4 =	simm.s32 $0x1BF5;
	[smem:$0x3FB4] =	sst s0  }
0x18: {  	s0 =	sld [smem:$0x3F97];
	_ =	swait.ge [sflag:s4], $0x0  }
0x19: {  	s7 =	sld [smem:$0x3F98]  }
0x1a: {  	s8 =	sadd.s32 $0xFFFFE003, lr  }
0x1b: {  	s9 =	sadd.s32 $0xFFFFFEF7, lr;
	s5 =	simm.s32 $0xFFFFFFFF;
	p2 =	slt.u32 s8, $0xFFFFF086  }
0x1c: {  	p1 =	slt.u32 s9, $0xF7A;
	s5 =	simm.s32 @!p2 $0x0  }
0x1d: {  	s5 =	simm.s32 @p1 $0x1;
	p0 =	seq.s32 s7, s2  }
0x1e: {  	s7 =	smul.u32 @!p0 $0xF7A, s2;
	p2 =	seq.s32 @!p0 s5, $0x0  }
0x1f: {  	s9 =	smul.u32 $0xF7A, s1;
	s8 =	simm.s32 @!p0 $0x1BF5;
	p2 =	por !p2, p0  }
0x20: {  	[sflag:s8] =	ssyncset.s32 @!p0 $0xFFFFF086;
	s6 =	sadd.s32 @!p0 s3, s7;
	s7 =	simm.s32 @!p0 $0x108  }
0x21: {  	s3 =	sadd.s32 s3, s9;
	s6 =	sadd.s32 @!p0 $0x88, s6;
	s7 =	simm.s32 @p2 $0x1082  }
0x22: {  	[simem:s7], [sflag:s8] =	dma.local @!p0 [hbm:s6], $0xF7A  }
0x23: {  	s9 =	sor.u32 $0xD0000000, s2;
	s6 =	simm.s32 $0x108;
	_ =	swait.ge @!p0 [sflag:s8], $0x0  }
0x24: {  	s3 =	sadd.s32 $0x88, s3;
	s6 =	simm.s32 @!p1 $0x1082;
	[sflag:s4] =	ssyncset.s32 $0xFFFFF086  }
0x25: {  	[simem:s6], [sflag:s4] =	dma.local [hbm:s3], $0xF7A  }
0x26: {  	[smem:$0x3F98] =	sst s1;
	(tag) =	ssettag s2;
	_ =	strace s9  }
0x27: {  	s1 =	sld [smem:$0x3FA8]  }
0x28: {  	s2 =	sld [smem:$0x3FA9]  }
0x29: {  	s4 =	sld [smem:$0x3FAB]  }
0x2a: {  	p0 =	seq.s32 s5, $0x0;
	s5 =	sld [smem:$0x3FAC]  }
0x2b: {  	s6 =	sld [smem:$0x3FAD]  }
0x2c: {  	s7 =	sld [smem:$0x3FAE]  }
0x2d: {  	s3 =	simm.s32 $0x108;
	s8 =	sld [smem:$0x3FAF]  }
0x2e: {  	s3 =	simm.s32 @!p0 $0x1082;
	s9 =	sld [smem:$0x3FB0]  }
0x2f: {  	lr =	sadd.s32 s0, s3;
	s0 =	sld [smem:$0x3FA7]  }
0x30: {  	s3 =	sld [smem:$0x3FAA]  }
0x31: {  	[smem:$0x3FB3] =	sst s10  }
0x32: {  	s10 =	sld [smem:$0x3FB1];
	_ =	sdelay $0x3  }
0x33: {  	p0 =	seq.s32 s10, $0x1;
	s10 =	sld [smem:$0x3FB3];
	_ =	sdelay $0x3  }
0x34: {  	[smem:$0x3FB3] =	sst s10  }
0x35: {  	s10 =	sld [smem:$0x3FB2];
	_ =	sdelay $0x3  }
0x36: {  	p1 =	seq.s32 s10, $0x1;
	s10 =	sld [smem:$0x3FB3];
	_ =	sdelay $0x3  }
0x37: {  	[smem:$0x3FB3] =	sst s10  }
0x38: {  	s10 =	sld [smem:$0x3FB4]  }
0x39: {  	_ = 	snop;
	(pc) =	sbr.ind lr, $3  }
0x3a: {  	_ = 	snop  }
0x3b: {  	_ = 	snop  }
0x3c: {  	p2 =	seq.s32 s10, $0x1;
	s10 =	sld [smem:$0x3FB3]  }
0x3d: {  	_ =	shalt  }
0x3e: {  	_ =	shalt  }
0x3f: {  	_ =	shalt  }
0x40: {  	_ =	shalt  }
0x41: {  	_ =	shalt  }
0x42: {  	_ =	shalt  }
0x43: {  	_ =	shalt  }
0x44: {  	_ =	shalt  }
0x45: {  	_ =	shalt  }
0x46: {  	_ =	shalt  }
0x47: {  	_ =	shalt  }
0x48: {  	_ =	shalt  }
0x49: {  	_ =	shalt  }
0x4a: {  	_ =	shalt  }
0x4b: {  	_ =	shalt  }
0x4c: {  	_ =	shalt  }
0x4d: {  	_ =	shalt  }
0x4e: {  	_ =	shalt  }
0x4f: {  	_ =	shalt  }
0x50: {  	_ =	shalt  }
0x51: {  	_ =	shalt  }
0x52: {  	_ =	shalt  }
0x53: {  	_ =	shalt  }
0x54: {  	_ =	shalt  }
0x55: {  	_ =	shalt  }
0x56: {  	_ =	shalt  }
0x57: {  	_ =	shalt  }
0x58: {  	_ =	shalt  }
0x59: {  	_ =	shalt  }
0x5a: {  	_ =	shalt  }
0x5b: {  	_ =	shalt  }
0x5c: {  	_ =	shalt  }
0x5d: {  	_ =	shalt  }
0x5e: {  	_ =	shalt  }
0x5f: {  	_ =	shalt  }
0x60: {  	_ =	shalt  }
0x61: {  	_ =	shalt  }
0x62: {  	_ =	shalt  }
0x63: {  	_ =	shalt  }
0x64: {  	_ =	shalt  }
0x65: {  	_ =	shalt  }
0x66: {  	_ =	shalt  }
0x67: {  	_ =	shalt  }
0x68: {  	_ =	shalt  }
0x69: {  	_ =	shalt  }
0x6a: {  	_ =	shalt  }
0x6b: {  	_ =	shalt  }
0x6c: {  	_ =	shalt  }
0x6d: {  	_ =	shalt  }
0x6e: {  	_ =	shalt  }
0x6f: {  	_ =	shalt  }
0x70: {  	_ =	shalt  }
0x71: {  	_ =	shalt  }
0x72: {  	_ =	shalt  }
0x73: {  	_ =	shalt  }
0x74: {  	_ =	shalt  }
0x75: {  	_ =	shalt  }
0x76: {  	_ =	shalt  }
0x77: {  	_ =	shalt  }
0x78: {  	_ =	shalt  }
0x79: {  	_ =	shalt  }
0x7a: {  	_ =	shalt  }
0x7b: {  	_ =	shalt  }
0x7c: {  	_ =	shalt  }
0x7d: {  	_ =	shalt  }
0x7e: {  	_ =	shalt  }
0x7f: {  	_ =	shalt  }
0x80: {  	_ =	shalt  }
0x81: {  	_ =	shalt  }
0x82: {  	_ =	shalt  }
0x83: {  	_ =	shalt  }
0x84: {  	_ =	shalt  }
0x85: {  	_ =	shalt  }
0x86: {  	_ =	shalt  }
0x87: {  	_ =	shalt  }
.Lfunc_end0:
.L_simem_size_0:
called_computation.2_lowered:
.L_overlay_start_0:
0x88: {  	s2 =	sld [smem:$0x3FD9]  }
0x89: {  	s3 =	sld [smem:$0x3FFE];
	_ =	sdelay $0x1  }
0x8a: {  	s1 =	srdreg.scid  }
0x8b: {  	s0 =	sand.u32 $0x1, s1  }
0x8c: {  	s16 =	sshll.u32 s0, $0xA;
	s2 =	sadd.s32 s3, s2  }
0x8d: {  	s2 =	sadd.s32 s2, s16  }
0x8e: {  	[smem:$0x3FBF] =	sst s2  }
0x8f: {  	_ = 	snop  }
0x90: {  	(tm) =	ssettm $0x1  }
0x91: {  	s17 =	sld [smem:$0x3FFB];
	_ =	sdelay $0x3  }
0x92: {  	_ =	strace s17  }
0x93: {  	s2 =	sld [smem:$0x3FFC];
	_ =	sdelay $0x3  }
0x94: {  	_ =	strace s2  }
0x95: {  	s2 =	sld [smem:$0x3FFD];
	_ =	sdelay $0x3  }
0x96: {  	_ =	strace s2  }
0x97: {  	_ =	strace $0x8FFFFFFF  }
0x98: {  	s18 =	sld [smem:$0x3FDB];
	_ =	sdelay $0x1  }
0x99: {  	s19 =	simm.s32 $_scs_section_size  }
0x9a: {  	s4 =	simm.s32 $_size__tile_overlayer_lowered;
	s5 =	simm.s32 $_tile_overlayer_lowered  }
0x9b: {  	s22 =	simm.s32 $0x1BFF;
	s21 =	sshll.u32 s5, $0x1;
	s2 =	sadd.s32 s19, s18  }
0x9c: {  	s6 =	simm.s32 $0x0;
	s20 =	sshll.u32 s4, $0x1;
	s4 =	sadd.s32 s21, s2  }
0x9d: {  	[timem:s6], [sflag:s22] =	dma.local [hbm:s4], s20  }
0x9e: {  	_ =	swait.ge [sflag:s22], s20  }
0x9f: {  	s3 =	ssub.s32 $0x0, s20;
	[sflag:s22] =	ssyncset.done $0x0  }
0xa0: {  	[sflag:s22] =	ssyncadd.s32 s3;
	_ =	sdelay $0x1  }
0xa1: {  	s23 =	simm.s32 $0x1B8B  }
0xa2: {  	_ =	swait.ge [sflag:s23], $0x1  }
0xa3: {  	[sflag:s23] =	ssyncset.done $0x0  }
0xa4: {  	s25 =	simm.s32 $0x1B8E;
	s24 =	sld [smem:$0x3FFE];
	[sflag:s23] =	ssyncadd.s32 $0xFFFFFFFF  }
0xa5: {  	s26 =	simm.s32 $execute0_lowered;
	[smem:$0x3FD2] =	sst s25  }
0xa6: {  	s4 =	sshll.u32 s26, $0x1;
	_ =	strace $0x80000046;
	[dreg:$0x1] =	wrdreg $0xFFFFFFFF  }
0xa7: {  	s28 =	simm.s32 $_size_execute0_lowered;
	s2 =	sadd.s32 s2, s4;
	[dreg:$0x0] =	wrdreg $0x0  }
0xa8: {  	s4 =	sshll.u32 s28, $0x1;
	[dreg:$0x2] =	wrdreg s2  }
0xa9: {  	[dreg:$0x3] =	wrdreg s4  }
0xaa: {  	[dreg:$0x4] =	wrdreg $0xC0  }
0xab: {  	_ =	task [dreg:s6], $0x5FFFF  }
0xac: {  	[dreg:$0x1] =	wrdreg $0xFFFFFFFF  }
0xad: {  	[dreg:$0x0] =	wrdreg $0x60  }
0xae: {  	[dreg:$0x2] =	wrdreg s24  }
0xaf: {  	[dreg:$0x3] =	wrdreg $0xA  }
0xb0: {  	_ =	task.clear_ibuf [dreg:s6], $0x4FFFF;
	_ =	strace $0x90000046  }
0xb1: {  	s29 =	simm.s32 $0xA;
	_ =	strace $0x80000048  }
0xb2: {  	_ =	swait.ge [sflag:s29], $0x1  }
0xb3: {  	[sflag:s29] =	ssyncadd.s32 $0xFFFFFFFF  }
0xb4: {  	_ =	strace $0x90000048  }
0xb5: {  	_ =	sfence  }
0xb6: {  	s30 =	sld [smem:$0x0];
	_ =	sdelay $0x2  }
0xb7: {  	s31 =	sshll.u32 s1, $0xD;
	s1 =	sshrl.u32 s1, $0x2  }
0xb8: {  	s3 =	sand.u32 $0x4000, s31;
	s1 =	sadd.s32 s1, s30  }
0xb9: {  	s0 =	sor.u32 s3, s0;
	s1 =	sshll.u32 s1, $0x11  }
0xba: {  	s0 =	sor.u32 s1, s0  }
0xbb: {  	s0 =	sadd.s32 $0x8F2B, s0  }
0xbc: {  	[sflag:s0] =	ssyncadd.remote.s32 $0x1  }
0xbd: {  	_ =	sfence.sel $0xFFFF  }
0xbe: {  	[dreg:$0x0] =	wrdreg $0xFFFFFFFF;
	(pc) =	sbr.abs _section_cstart, $3  }
0xbf: {  	[dreg:$0x1] =	wrdreg $0xFFFFFFFF  }
0xc0: {  	_ =	task.clear_ibuf [dreg:s6], $0x2FFFF;
	_ =	strace $0x9FFFFFFF  }
0xc1: {  	(tm) =	ssettm $0x7FFFFFFF  }
tec
execute0_lowered:
.L_overlay_start_1:
0x0: {  	(tag) =	ssettag $0x1  }
0x1: {  	s3 =	rddreg [dreg:$0x0]  }
0x2: {  	s2 =	srdreg.scid;
	s0 =	rddreg [dreg:$0x1]  }
0x3: {  	s1 =	simm.s32 $0x0;
	s10 =	simm.s32 $0x200;
	s12 =	simm.s32 $0x13A80  }
0x4: {  	s13 =	simm.s32 $0x0;
	s8 =	sand.u32 $0x1, s2;
	[smem:$0x7FF] =	sst s1  }
0x5: {  	s2 =	sadd.s32 $0xDA00, s3;
	s4 =	sadd.s32 $0x3C00, s3;
	s11 =	smul.u32 $0x2710, s8  }
0x6: {  	s5 =	sadd.s32 $0x155400, s3;
	_ =	strace $0x80000047;
	s7 =	ssub.s32 $0x2, s8  }
0x7: {  	s8 =	smul.u32 $0x2710000, s8;
	s9 =	sshrl.u32 s7, $0x1;
	s6 =	sadd.s32 s11, s3  }
0x8: {  	v2 =	vlaneseq.u32;
	s3 =	stileid.u32;
	s9 =	ssub.s32 s7, s9;
	v0 =	vmov s11;
	s11 =	simm.s32 $0x1  }
0x9: {  	v1 =	vimm.f32 $0.0e+00;
	v2 =	vmul.u32 $0x80, v2;
	s6 =	sadd.s32 $0x150400, s6;
	s7 =	smul.u32 $0x4E20, s3;
	s9 =	smax.u32 s9, $0x1  }
.LBB2_1:
0xa: {  	[tilespmem:s10], [sflag:$0x1] =	stream.linear.gather [hbm4b:s6+s1], $0x13880, $0x38;
	[tilespmem:$0x18A80] =	vst v63  }
0xb: {  	_ =	swait.ge [sflag:s11], $0x13880  }
0xc: {  	[sflag:s11] =	ssyncset.done $0x0  }
0xd: {  	s14 =	simm.s32 $0x200;
	s15 =	simm.s32 $0x0;
	[sflag:s11] =	ssyncadd.s32 $0xFFFEC780  }
.LBB2_2:
0xe: {  	p0 =	sne.s32 s14, $0x13E00;
	[tilespmem:s15+$0x13A80] =	vst v1;
	s15 =	smov.u32 s14;
	s14 =	sadd.s32 $0x200, s14  }
.Ltmp0:
0xf: {  	(pc) =	sbr.rel @p0 .LBB2_2-.Ltmp0, $2  }
0x10: {  	_ =	sdelay $0x2  }
0x11: {  	s15 =	sshra.s32 s15, $0x2  }
0x12: {  	[tilespmem:s15+$0x13A80] =	vst v1;
	s14 =	simm.s32 $0x0;
	s15 =	simm.s32 $0x0  }
.LBB2_4:
0x13: {  	s16 =	smul.u32 $0xA0, s15;
	_ =	sdelay $0x1  }
0x14: {  	s16 =	sadd.s32 s7, s16  }
0x15: {  	s17 =	sshrl.u32 s16, $0x3  }
0x16: {  	s18 =	sadd.s32 s2, s17  }
0x17: {  	[tilespmem:s14], [sflag:$0x1] =	stream.linear.gather [hbm4b:s18+s14], $0xA0, $0x38;
	[tilespmem:$0x18A80] =	vst v63  }
0x18: {  	_ =	swait.ge [sflag:s11], $0xA0  }
0x19: {  	[sflag:s11] =	ssyncset.done $0x0  }
0x1a: {  	s31 =	sadd.s32 s4, s17;
	s17 =	simm.s32 $0x100;
	[sflag:s11] =	ssyncadd.s32 $0xFFFFFF60  }
0x1b: {  	[tilespmem:s17], [sflag:$0x1] =	stream.linear.gather [hbm4b:s31+s14], $0xA0, $0x38;
	[tilespmem:$0x18A80] =	vst v63  }
0x1c: {  	_ =	swait.ge [sflag:s11], $0xA0  }
0x1d: {  	[sflag:s11] =	ssyncset.done $0x0  }
0x1e: {  	[sflag:s11] =	ssyncadd.s32 $0xFFFFFF60  }
0x1f: {  	v6 =	vld [tilespmem:s17+$0x0]  }
0x20: {  	v3 =	vld [tilespmem:s14+$0x0];
	_ =	sdelay $0x4  }
0x21: {  	v4 =	vshll.u32 v6, $0x3;
	v7 =	vshll.u32 v3, $0x3  }
0x22: {  	v5 =	vor.u32 $0x4, v4;
	_ =	sdelay $0x3  }
0x23: {  	v8 =	vld.idx.msk [tilespmem:v7+s10+$0x0], $0xffff  }
0x24: {  	v5 =	vld.idx.msk [tilespmem:v5+s10+$0x0], $0xffff;
	_ =	sdelay $0x4  }
0x25: {  	v5 =	vadd.f32 v5, v8;
	_ =	sdelay $0x1  }
0x26: {  	v8 =	vmul.f32 $2.000000030e-01, v5;
	_ =	sdelay $0x1  }
0x27: {  	v5 =	vmax.f32 v5, v8  }
0x28: {  	v5 =	vsub.f32 $0.0e+00, v5;
	_ =	sdelay $0x1  }
0x29: {  	v5 =	vmul.f32 $1.442695020e+00, v5;
	_ =	sdelay $0x1  }
0x2a: {  	(erf) = vpow2.f32 v5;
	_ =	sdelay $0x2  }
0x2b: {  	v5 =	vmov s14  }
0x2c: {  	v5 =	vshll.u32 v5, $0x7  }
0x2d: {  	v12 =	vor.u32 v2, v5  }
0x2e: {  	v5 =	vor.u32 $0x1, v7  }
0x2f: {  	v8 =	vor.u32 $0x5, v4;
	_ =	sdelay $0x1  }
0x30: {  	v9 =	vpop (erf)  }
0x31: {  	[tilespmem:v12+s12+$0x0] =	vst.idx.msk $0xffff, v9  }
0x32: {  	v5 =	vld.idx.msk [tilespmem:v5+s10+$0x0], $0xffff  }
0x33: {  	v8 =	vld.idx.msk [tilespmem:v8+s10+$0x0], $0xffff;
	_ =	sdelay $0x4  }
0x34: {  	v5 =	vadd.f32 v8, v5;
	_ =	sdelay $0x1  }
0x35: {  	v8 =	vmul.f32 $2.000000030e-01, v5;
	_ =	sdelay $0x1  }
0x36: {  	v5 =	vmax.f32 v5, v8  }
0x37: {  	v5 =	vsub.f32 $0.0e+00, v5;
	_ =	sdelay $0x1  }
0x38: {  	v5 =	vmul.f32 $1.442695020e+00, v5;
	_ =	sdelay $0x1  }
0x39: {  	(erf) = vpow2.f32 v5;
	_ =	sdelay $0x4  }
0x3a: {  	v5 =	vor.u32 $0x1, v12  }
0x3b: {  	v8 =	vor.u32 $0x2, v7  }
0x3c: {  	v9 =	vor.u32 $0x6, v4;
	_ =	sdelay $0x1  }
0x3d: {  	v10 =	vpop (erf)  }
0x3e: {  	[tilespmem:v5+s12+$0x0] =	vst.idx.msk $0xffff, v10  }
0x3f: {  	v5 =	vld.idx.msk [tilespmem:v8+s10+$0x0], $0xffff  }
0x40: {  	v8 =	vld.idx.msk [tilespmem:v9+s10+$0x0], $0xffff;
	_ =	sdelay $0x4  }
0x41: {  	v5 =	vadd.f32 v8, v5;
	_ =	sdelay $0x1  }
0x42: {  	v8 =	vmul.f32 $2.000000030e-01, v5;
	_ =	sdelay $0x1  }
0x43: {  	v5 =	vmax.f32 v5, v8  }
0x44: {  	v5 =	vsub.f32 $0.0e+00, v5;
	_ =	sdelay $0x1  }
0x45: {  	v5 =	vmul.f32 $1.442695020e+00, v5;
	_ =	sdelay $0x1  }
0x46: {  	(erf) = vpow2.f32 v5;
	_ =	sdelay $0x4  }
0x47: {  	v5 =	vor.u32 $0x2, v12  }
0x48: {  	v7 =	vor.u32 $0x3, v7  }
0x49: {  	v4 =	vor.u32 $0x7, v4;
	_ =	sdelay $0x1  }
0x4a: {  	v8 =	vpop (erf)  }
0x4b: {  	[tilespmem:v5+s12+$0x0] =	vst.idx.msk $0xffff, v8  }
0x4c: {  	v5 =	vld.idx.msk [tilespmem:v7+s10+$0x0], $0xffff  }
0x4d: {  	v4 =	vld.idx.msk [tilespmem:v4+s10+$0x0], $0xffff;
	_ =	sdelay $0x4  }
0x4e: {  	v4 =	vadd.f32 v4, v5;
	_ =	sdelay $0x1  }
0x4f: {  	v5 =	vmul.f32 $2.000000030e-01, v4;
	_ =	sdelay $0x1  }
0x50: {  	v4 =	vmax.f32 v4, v5  }
0x51: {  	v4 =	vsub.f32 $0.0e+00, v4;
	_ =	sdelay $0x1  }
0x52: {  	v4 =	vmul.f32 $1.442695020e+00, v4;
	_ =	sdelay $0x1  }
0x53: {  	(erf) = vpow2.f32 v4;
	_ =	sdelay $0x4  }
0x54: {  	v11 =	vor.u32 $0x3, v12  }
0x55: {  	v10 =	vor.u32 $0x4, v12  }
0x56: {  	v8 =	vor.u32 $0x5, v12  }
0x57: {  	v6 =	vadd.s32 v0, v6;
	v9 =	vor.u32 $0x6, v12  }
0x58: {  	s19 =	simm.s32 $0x0;
	s18 =	simm.s32 $0x10;
	v7 =	vor.u32 $0x7, v12;
	v5 =	vshll.u32 v3, $0x4;
	v4 =	vshrl.u32 v3, $0x3;
	v12 =	vpop (erf)  }
.LBB2_5:
0x59: {  	p0 =	sne.s32 s18, $0x90;
	[tilespmem:v11+s12+$0x0] =	vst.idx.msk $0xffff, v12;
	s19 =	sadd.s32 $0x10, s19;
	s17 =	sadd.s32 $0x10, s17  }
0x5a: {  	v5 =	vand.u32 $0x70, v5;
	s20 =	smov.u32 s18;
	s18 =	sadd.s32 $0x10, s18;
	[tilespmem:v10+s12+$0x0] =	vst.idx.msk $0xffff, v6  }
0x5b: {  	[tilespmem:v8+s12+$0x0] =	vst.idx.msk $0xffff, v4  }
0x5c: {  	[tilespmem:v9+s12+$0x0] =	vst.idx.msk $0xffff, v5  }
0x5d: {  	[tilespmem:v7+s12+$0x0] =	vst.idx.msk $0xffff, v3  }
0x5e: {  	v6 =	vld [tilespmem:s17+$0x0]  }
0x5f: {  	v3 =	vld [tilespmem:s19+$0x0];
	_ =	sdelay $0x3  }
0x60: {  	v7 =	vshll.u32 v6, $0x3  }
0x61: {  	v8 =	vshll.u32 v3, $0x3;
	v9 =	vor.u32 $0x4, v7;
	v4 =	vshrl.u32 v3, $0x3  }
0x62: {  	v5 =	vshll.u32 v3, $0x4;
	_ =	sdelay $0x3  }
0x63: {  	v9 =	vld.idx.msk [tilespmem:v9+s10+$0x0], $0xffff  }
0x64: {  	v10 =	vld.idx.msk [tilespmem:v8+s10+$0x0], $0xffff;
	_ =	sdelay $0x5  }
0x65: {  	v9 =	vadd.f32 v9, v10;
	_ =	sdelay $0x1  }
0x66: {  	v10 =	vmul.f32 $2.000000030e-01, v9;
	_ =	sdelay $0x1  }
0x67: {  	v9 =	vmax.f32 v9, v10  }
0x68: {  	v9 =	vsub.f32 $0.0e+00, v9;
	_ =	sdelay $0x1  }
0x69: {  	v9 =	vmul.f32 $1.442695020e+00, v9;
	_ =	sdelay $0x1  }
0x6a: {  	(erf) = vpow2.f32 v9;
	_ =	sdelay $0x2  }
0x6b: {  	v9 =	vmov s20  }
0x6c: {  	v9 =	vshll.u32 v9, $0x7  }
0x6d: {  	v12 =	vor.u32 v2, v9  }
0x6e: {  	v9 =	vor.u32 $0x1, v8  }
0x6f: {  	v10 =	vor.u32 $0x5, v7;
	_ =	sdelay $0x1  }
0x70: {  	v11 =	vpop (erf)  }
0x71: {  	[tilespmem:v12+s12+$0x0] =	vst.idx.msk $0xffff, v11  }
0x72: {  	v9 =	vld.idx.msk [tilespmem:v9+s10+$0x0], $0xffff  }
0x73: {  	v10 =	vld.idx.msk [tilespmem:v10+s10+$0x0], $0xffff;
	_ =	sdelay $0x5  }
0x74: {  	v9 =	vadd.f32 v10, v9;
	_ =	sdelay $0x1  }
0x75: {  	v10 =	vmul.f32 $2.000000030e-01, v9;
	_ =	sdelay $0x1  }
0x76: {  	v9 =	vmax.f32 v9, v10  }
0x77: {  	v9 =	vsub.f32 $0.0e+00, v9;
	_ =	sdelay $0x1  }
0x78: {  	v9 =	vmul.f32 $1.442695020e+00, v9;
	_ =	sdelay $0x1  }
0x79: {  	(erf) = vpow2.f32 v9;
	_ =	sdelay $0x4  }
0x7a: {  	v9 =	vor.u32 $0x1, v12  }
0x7b: {  	v10 =	vor.u32 $0x2, v8  }
0x7c: {  	v11 =	vor.u32 $0x6, v7;
	_ =	sdelay $0x1  }
0x7d: {  	v13 =	vpop (erf)  }
0x7e: {  	[tilespmem:v9+s12+$0x0] =	vst.idx.msk $0xffff, v13  }
0x7f: {  	v9 =	vld.idx.msk [tilespmem:v10+s10+$0x0], $0xffff  }
0x80: {  	v10 =	vld.idx.msk [tilespmem:v11+s10+$0x0], $0xffff;
	_ =	sdelay $0x5  }
0x81: {  	v9 =	vadd.f32 v10, v9;
	_ =	sdelay $0x1  }
0x82: {  	v10 =	vmul.f32 $2.000000030e-01, v9;
	_ =	sdelay $0x1  }
0x83: {  	v9 =	vmax.f32 v9, v10  }
0x84: {  	v9 =	vsub.f32 $0.0e+00, v9;
	_ =	sdelay $0x1  }
0x85: {  	v9 =	vmul.f32 $1.442695020e+00, v9;
	_ =	sdelay $0x1  }
0x86: {  	(erf) = vpow2.f32 v9;
	_ =	sdelay $0x4  }
0x87: {  	v9 =	vor.u32 $0x2, v12  }
0x88: {  	v7 =	vor.u32 $0x7, v7;
	v8 =	vor.u32 $0x3, v8;
	_ =	sdelay $0x2  }
0x89: {  	v10 =	vpop (erf)  }
0x8a: {  	[tilespmem:v9+s12+$0x0] =	vst.idx.msk $0xffff, v10  }
0x8b: {  	v8 =	vld.idx.msk [tilespmem:v8+s10+$0x0], $0xffff  }
0x8c: {  	v7 =	vld.idx.msk [tilespmem:v7+s10+$0x0], $0xffff;
	_ =	sdelay $0x5  }
0x8d: {  	v7 =	vadd.f32 v7, v8;
	_ =	sdelay $0x1  }
0x8e: {  	v8 =	vmul.f32 $2.000000030e-01, v7;
	_ =	sdelay $0x1  }
0x8f: {  	v7 =	vmax.f32 v7, v8  }
0x90: {  	v7 =	vsub.f32 $0.0e+00, v7;
	_ =	sdelay $0x1  }
0x91: {  	v7 =	vmul.f32 $1.442695020e+00, v7;
	_ =	sdelay $0x1  }
0x92: {  	(erf) = vpow2.f32 v7;
	_ =	sdelay $0x3  }
0x93: {  	v11 =	vor.u32 $0x3, v12  }
.Ltmp1:
0x94: {  	v10 =	vor.u32 $0x4, v12;
	(pc) =	sbr.rel @p0 .LBB2_5-.Ltmp1, $4  }
0x95: {  	v8 =	vor.u32 $0x5, v12  }
0x96: {  	v9 =	vor.u32 $0x6, v12  }
0x97: {  	v7 =	vor.u32 $0x7, v12  }
0x98: {  	v6 =	vadd.s32 v0, v6;
	v12 =	vpop (erf)  }
0x99: {  	_ =	sdelay $0x3  }
0x9a: {  	[tilespmem:v11+s12+$0x0] =	vst.idx.msk $0xffff, v12  }
0x9b: {  	s16 =	sshll.u32 s16, $0x7;
	[tilespmem:v10+s12+$0x0] =	vst.idx.msk $0xffff, v6  }
0x9c: {  	v5 =	vand.u32 $0x70, v5;
	s15 =	sadd.s32 $0x1, s15;
	s16 =	sadd.s32 s8, s16;
	[tilespmem:v8+s12+$0x0] =	vst.idx.msk $0xffff, v4  }
0x9d: {  	p0 =	sne.s32 s15, $0x7D;
	s16 =	sshrl.u32 s16, $0x3;
	[tilespmem:v9+s12+$0x0] =	vst.idx.msk $0xffff, v5  }
.Ltmp2:
0x9e: {  	s16 =	sadd.s32 s5, s16;
	[tilespmem:v7+s12+$0x0] =	vst.idx.msk $0xffff, v3;
	(pc) =	sbr.rel @p0 .LBB2_4-.Ltmp2, $4  }
0x9f: {  	[hbm4b:s16+s1] =	stream.linear.scatter [tilespmem:s12], [sflag:$0x1], $0x5000, $0x38;
	[tilespmem:$0x18A80] =	vst v63  }
0xa0: {  	_ =	swait.ge [sflag:s11], $0x5000  }
0xa1: {  	[sflag:s11] =	ssyncset.done $0x0  }
0xa2: {  	[sflag:s11] =	ssyncadd.s32 $0xFFFFB000  }
0xa3: {  	s13 =	sadd.s32 $0x1, s13  }
0xa4: {  	p0 =	sne.s32 s13, s9  }
.Ltmp3:
0xa5: {  	_ = 	snop;
	(pc) =	sbr.rel @p0 .LBB2_1-.Ltmp3, $1  }
0xa6: {  	_ =	sdelay $0x3  }
0xa7: {  	_ =	sfence.sel $0x180000  }
0xa8: {  	[bflag:$0x0] =	sbarrier.arrive $0xFFFF  }
0xa9: {  	p0 =	sne.s32 s3, $0x0;
	_ =	strace $0x90000047  }
0xaa: {  	s0 =	sadd.s32 @!p0 $0x100000, s0;
	[bflag:$0x2] =	sbarrier.arrive $0xFFFF  }
0xab: {  	[sflag:s0] =	ssyncadd.tile.s32 @!p0 $0x1;
	_ =	shalt  }
.Lfunc_end2:
_tile_overlayer_lowered:
.L_overlay_start_2:
0xac: {  	(tag) =	ssettag $0x2  }
0xad: {  	s0 =	rddreg [dreg:$0x0];
	s2 =	stileid.u32  }
0xae: {  	s1 =	rddreg [dreg:$0x1];
	p0 =	sne.s32 s2, $0x0  }
0xaf: {  	s3 =	rddreg [dreg:$0x2];
	[bflag:$0x3] =	sbarrier.arrive $0xFFFF;
	s2 =	simm.s32 @!p0 $0x1C01  }
0xb0: {  	[timem:s3], [sflag:s2] =	dma.local @!p0 [hbm:s0], s1  }
0xb1: {  	s0 =	simm.s32 @!p0 $0x1  }
0xb2: {  	_ =	swait.ge @!p0 [sflag:s0], s1  }
0xb3: {  	s1 =	ssub.s32 @!p0 $0x0, s1;
	[sflag:s0] =	ssyncset.done @!p0 $0x0  }
0xb4: {  	[sflag:s0] =	ssyncadd.s32 @!p0 s1  }
0xb5: {  	[bflag:$0x3] =	sbarrier.arrive $0xFFFF  }
0xb6: {  	_ =	shalt  }

// kernel: kernel.17.cloned.1.call-start
scs
__scs_entry_jumppad:
0x0: {  	(pc) =	sbr.rel $0x88, $3  }
0x1: {  	(tag) =	ssettag $0x0;
	lr =	simm.s32 $0x1  }
0x2: {  	[smem:$0x3F98] =	sst lr;
	_ =	strace $0xD0000000  }
0x3: {  	_ = 	snop  }
0x4: {  	_ = 	snop  }
0x5: {  	_ = 	snop  }
0x6: {  	_ = 	snop  }
0x7: {  	_ = 	snop  }
__scs_overlays_trampoline_lowered:
0x8: {  	[smem:$0x3FA7] =	sst s0  }
0x9: {  	[smem:$0x3FA8] =	sst s1  }
0xa: {  	[smem:$0x3FA9] =	sst s2  }
0xb: {  	[smem:$0x3FAA] =	sst s3  }
0xc: {  	[smem:$0x3FAB] =	sst s4  }
0xd: {  	[smem:$0x3FAC] =	sst s5  }
0xe: {  	[smem:$0x3FAD] =	sst s6  }
0xf: {  	[smem:$0x3FAE] =	sst s7  }
0x10: {  	[smem:$0x3FAF] =	sst s8  }
0x11: {  	[smem:$0x3FB0] =	sst s9;
	s0 =	simm.s32 @!p0 $0x0  }
0x12: {  	s1 =	sld [smem:$0x3F96];
	s0 =	simm.s32 @p0 $0x1  }
0x13: {  	[smem:$0x3FB1] =	sst s0;
	s0 =	simm.s32 @!p1 $0x0  }
0x14: {  	s2 =	sld [smem:$0x3F95];
	s0 =	simm.s32 @p1 $0x1  }
0x15: {  	[smem:$0x3FB2] =	sst s0;
	s0 =	simm.s32 @!p2 $0x0  }
0x16: {  	s3 =	sld [smem:$0x3FDB];
	s0 =	simm.s32 @p2 $0x1  }
0x17: {  	s4 =	simm.s32 $0x1BF5;
	[smem:$0x3FB4] =	sst s0  }
0x18: {  	s0 =	sld [smem:$0x3F97];
	_ =	swait.ge [sflag:s4], $0x0  }
0x19: {  	s7 =	sld [smem:$0x3F98]  }
0x1a: {  	s8 =	sadd.s32 $0xFFFFE003, lr  }
0x1b: {  	s9 =	sadd.s32 $0xFFFFFEF7, lr;
	s5 =	simm.s32 $0xFFFFFFFF;
	p2 =	slt.u32 s8, $0xFFFFF086  }
0x1c: {  	p1 =	slt.u32 s9, $0xF7A;
	s5 =	simm.s32 @!p2 $0x0  }
0x1d: {  	s5 =	simm.s32 @p1 $0x1;
	p0 =	seq.s32 s7, s2  }
0x1e: {  	s7 =	smul.u32 @!p0 $0xF7A, s2;
	p2 =	seq.s32 @!p0 s5, $0x0  }
0x1f: {  	s9 =	smul.u32 $0xF7A, s1;
	s8 =	simm.s32 @!p0 $0x1BF5;
	p2 =	por !p2, p0  }
0x20: {  	[sflag:s8] =	ssyncset.s32 @!p0 $0xFFFFF086;
	s6 =	sadd.s32 @!p0 s3, s7;
	s7 =	simm.s32 @!p0 $0x108  }
0x21: {  	s3 =	sadd.s32 s3, s9;
	s6 =	sadd.s32 @!p0 $0x88, s6;
	s7 =	simm.s32 @p2 $0x1082  }
0x22: {  	[simem:s7], [sflag:s8] =	dma.local @!p0 [hbm:s6], $0xF7A  }
0x23: {  	s9 =	sor.u32 $0xD0000000, s2;
	s6 =	simm.s32 $0x108;
	_ =	swait.ge @!p0 [sflag:s8], $0x0  }
0x24: {  	s3 =	sadd.s32 $0x88, s3;
	s6 =	simm.s32 @!p1 $0x1082;
	[sflag:s4] =	ssyncset.s32 $0xFFFFF086  }
0x25: {  	[simem:s6], [sflag:s4] =	dma.local [hbm:s3], $0xF7A  }
0x26: {  	[smem:$0x3F98] =	sst s1;
	(tag) =	ssettag s2;
	_ =	strace s9  }
0x27: {  	s1 =	sld [smem:$0x3FA8]  }
0x28: {  	s2 =	sld [smem:$0x3FA9]  }
0x29: {  	s4 =	sld [smem:$0x3FAB]  }
0x2a: {  	p0 =	seq.s32 s5, $0x0;
	s5 =	sld [smem:$0x3FAC]  }
0x2b: {  	s6 =	sld [smem:$0x3FAD]  }
0x2c: {  	s7 =	sld [smem:$0x3FAE]  }
0x2d: {  	s3 =	simm.s32 $0x108;
	s8 =	sld [smem:$0x3FAF]  }
0x2e: {  	s3 =	simm.s32 @!p0 $0x1082;
	s9 =	sld [smem:$0x3FB0]  }
0x2f: {  	lr =	sadd.s32 s0, s3;
	s0 =	sld [smem:$0x3FA7]  }
0x30: {  	s3 =	sld [smem:$0x3FAA]  }
0x31: {  	[smem:$0x3FB3] =	sst s10  }
0x32: {  	s10 =	sld [smem:$0x3FB1];
	_ =	sdelay $0x3  }
0x33: {  	p0 =	seq.s32 s10, $0x1;
	s10 =	sld [smem:$0x3FB3];
	_ =	sdelay $0x3  }
0x34: {  	[smem:$0x3FB3] =	sst s10  }
0x35: {  	s10 =	sld [smem:$0x3FB2];
	_ =	sdelay $0x3  }
0x36: {  	p1 =	seq.s32 s10, $0x1;
	s10 =	sld [smem:$0x3FB3];
	_ =	sdelay $0x3  }
0x37: {  	[smem:$0x3FB3] =	sst s10  }
0x38: {  	s10 =	sld [smem:$0x3FB4]  }
0x39: {  	_ = 	snop;
	(pc) =	sbr.ind lr, $3  }
0x3a: {  	_ = 	snop  }
0x3b: {  	_ = 	snop  }
0x3c: {  	p2 =	seq.s32 s10, $0x1;
	s10 =	sld [smem:$0x3FB3]  }
0x3d: {  	_ =	shalt  }
0x3e: {  	_ =	shalt  }
0x3f: {  	_ =	shalt  }
0x40: {  	_ =	shalt  }
0x41: {  	_ =	shalt  }
0x42: {  	_ =	shalt  }
0x43: {  	_ =	shalt  }
0x44: {  	_ =	shalt  }
0x45: {  	_ =	shalt  }
0x46: {  	_ =	shalt  }
0x47: {  	_ =	shalt  }
0x48: {  	_ =	shalt  }
0x49: {  	_ =	shalt  }
0x4a: {  	_ =	shalt  }
0x4b: {  	_ =	shalt  }
0x4c: {  	_ =	shalt  }
0x4d: {  	_ =	shalt  }
0x4e: {  	_ =	shalt  }
0x4f: {  	_ =	shalt  }
0x50: {  	_ =	shalt  }
0x51: {  	_ =	shalt  }
0x52: {  	_ =	shalt  }
0x53: {  	_ =	shalt  }
0x54: {  	_ =	shalt  }
0x55: {  	_ =	shalt  }
0x56: {  	_ =	shalt  }
0x57: {  	_ =	shalt  }
0x58: {  	_ =	shalt  }
0x59: {  	_ =	shalt  }
0x5a: {  	_ =	shalt  }
0x5b: {  	_ =	shalt  }
0x5c: {  	_ =	shalt  }
0x5d: {  	_ =	shalt  }
0x5e: {  	_ =	shalt  }
0x5f: {  	_ =	shalt  }
0x60: {  	_ =	shalt  }
0x61: {  	_ =	shalt  }
0x62: {  	_ =	shalt  }
0x63: {  	_ =	shalt  }
0x64: {  	_ =	shalt  }
0x65: {  	_ =	shalt  }
0x66: {  	_ =	shalt  }
0x67: {  	_ =	shalt  }
0x68: {  	_ =	shalt  }
0x69: {  	_ =	shalt  }
0x6a: {  	_ =	shalt  }
0x6b: {  	_ =	shalt  }
0x6c: {  	_ =	shalt  }
0x6d: {  	_ =	shalt  }
0x6e: {  	_ =	shalt  }
0x6f: {  	_ =	shalt  }
0x70: {  	_ =	shalt  }
0x71: {  	_ =	shalt  }
0x72: {  	_ =	shalt  }
0x73: {  	_ =	shalt  }
0x74: {  	_ =	shalt  }
0x75: {  	_ =	shalt  }
0x76: {  	_ =	shalt  }
0x77: {  	_ =	shalt  }
0x78: {  	_ =	shalt  }
0x79: {  	_ =	shalt  }
0x7a: {  	_ =	shalt  }
0x7b: {  	_ =	shalt  }
0x7c: {  	_ =	shalt  }
0x7d: {  	_ =	shalt  }
0x7e: {  	_ =	shalt  }
0x7f: {  	_ =	shalt  }
0x80: {  	_ =	shalt  }
0x81: {  	_ =	shalt  }
0x82: {  	_ =	shalt  }
0x83: {  	_ =	shalt  }
0x84: {  	_ =	shalt  }
0x85: {  	_ =	shalt  }
0x86: {  	_ =	shalt  }
0x87: {  	_ =	shalt  }
.Lfunc_end0:
.L_simem_size_0:
called_computation.3_lowered:
.L_overlay_start_0:
0x88: {  	s2 =	sld [smem:$0x3FD9]  }
0x89: {  	s3 =	sld [smem:$0x3FFE];
	_ =	sdelay $0x1  }
0x8a: {  	s1 =	srdreg.scid  }
0x8b: {  	s0 =	sand.u32 $0x1, s1  }
0x8c: {  	s17 =	sshll.u32 s0, $0xA;
	s2 =	sadd.s32 s3, s2  }
0x8d: {  	s2 =	sadd.s32 s2, s17  }
0x8e: {  	[smem:$0x3FBF] =	sst s2  }
0x8f: {  	_ = 	snop  }
0x90: {  	(tm) =	ssettm $0x1  }
0x91: {  	s18 =	sld [smem:$0x3FFB];
	_ =	sdelay $0x3  }
0x92: {  	_ =	strace s18  }
0x93: {  	s2 =	sld [smem:$0x3FFC];
	_ =	sdelay $0x3  }
0x94: {  	_ =	strace s2  }
0x95: {  	s2 =	sld [smem:$0x3FFD];
	_ =	sdelay $0x3  }
0x96: {  	_ =	strace s2  }
0x97: {  	_ =	strace $0x8FFFFFFF  }
0x98: {  	s19 =	sld [smem:$0x3FDB];
	_ =	sdelay $0x1  }
0x99: {  	s20 =	simm.s32 $_scs_section_size  }
0x9a: {  	s4 =	simm.s32 $_size__tile_overlayer_lowered;
	s5 =	simm.s32 $_tile_overlayer_lowered  }
0x9b: {  	s6 =	simm.s32 $0x1BFF;
	s21 =	sshll.u32 s5, $0x1;
	s3 =	sadd.s32 s20, s19  }
0x9c: {  	s22 =	simm.s32 $0x0;
	s4 =	sshll.u32 s4, $0x1;
	s5 =	sadd.s32 s21, s3  }
0x9d: {  	[timem:s22], [sflag:s6] =	dma.local [hbm:s5], s4  }
0x9e: {  	_ =	swait.ge [sflag:s6], s4  }
0x9f: {  	s4 =	ssub.s32 $0x0, s4;
	[sflag:s6] =	ssyncset.done $0x0  }
0xa0: {  	[sflag:s6] =	ssyncadd.s32 s4;
	_ =	sdelay $0x1  }
0xa1: {  	s23 =	simm.s32 $0x1B8B  }
0xa2: {  	_ =	swait.ge [sflag:s23], $0x1  }
0xa3: {  	[sflag:s23] =	ssyncset.done $0x0  }
0xa4: {  	[sflag:s23] =	ssyncadd.s32 $0xFFFFFFFF  }
0xa5: {  	s4 =	sld [smem:$0x0]  }
0xa6: {  	s5 =	sand.u32 $0xFFFFFFFE, s1  }
0xa7: {  	p0 =	sne.s32 s1, s5  }
0xa8: {  	s5 =	sshll.u32 @p0 s5, $0xE  }
0xa9: {  	s5 =	sadd.s32 @p0 $0x11B8D, s5;
	s6 =	sshll.u32 @p0 s4, $0x11  }
0xaa: {  	s5 =	sor.u32 @p0 s6, s5  }
0xab: {  	[sflag:s5] =	ssyncadd.remote.s32 @p0 $0x1;
	_ =	sdelay $0x1  }
0xac: {  	s5 =	simm.s32 @p0 $0x1B8D  }
0xad: {  	_ =	swait.eq @p0 [sflag:s5], $0x1  }
0xae: {  	[sflag:s5] =	ssyncadd.s32 @p0 $0xFFFFFFFF  }
0xaf: {  	s6 =	sshll.u32 @!p0 s1, $0xE  }
0xb0: {  	s6 =	sor.u32 @!p0 $0x4000, s6;
	s5 =	simm.s32 @!p0 $0x1B8D  }
0xb1: {  	s4 =	sshll.u32 @!p0 s4, $0x11;
	s6 =	sadd.s32 @!p0 $0x11B8D, s6;
	_ =	swait.eq @!p0 [sflag:s5], $0x1  }
0xb2: {  	s4 =	sor.u32 @!p0 s4, s6;
	[sflag:s5] =	ssyncadd.s32 @!p0 $0xFFFFFFFF  }
0xb3: {  	s25 =	simm.s32 $0x1B8E;
	s24 =	sld [smem:$0x3FFE];
	[sflag:s4] =	ssyncadd.remote.s32 @!p0 $0x1  }
0xb4: {  	s26 =	simm.s32 $execute0_lowered;
	[smem:$0x3FD2] =	sst s25  }
0xb5: {  	s5 =	sshll.u32 s26, $0x1;
	_ =	strace $0x8000004C;
	[dreg:$0x1] =	wrdreg $0xFFFFFFFF  }
0xb6: {  	s28 =	simm.s32 $_size_execute0_lowered;
	s3 =	sadd.s32 s3, s5;
	[dreg:$0x0] =	wrdreg $0x0  }
0xb7: {  	s5 =	sshll.u32 s28, $0x1;
	[dreg:$0x2] =	wrdreg s3  }
0xb8: {  	[dreg:$0x3] =	wrdreg s5  }
0xb9: {  	[dreg:$0x4] =	wrdreg $0xC0  }
0xba: {  	_ =	task [dreg:s22], $0x5FFFF  }
0xbb: {  	[dreg:$0x1] =	wrdreg $0xFFFFFFFF  }
0xbc: {  	[dreg:$0x0] =	wrdreg $0x60  }
0xbd: {  	[dreg:$0x2] =	wrdreg s24  }
0xbe: {  	[dreg:$0x3] =	wrdreg $0x82000  }
0xbf: {  	[dreg:$0x4] =	wrdreg $0x1C2000  }
0xc0: {  	[dreg:$0x5] =	wrdreg $0xA  }
0xc1: {  	_ =	task.clear_ibuf [dreg:s22], $0x6FFFF;
	_ =	strace $0x9000004C  }
0xc2: {  	s29 =	simm.s32 $0xA;
	_ =	strace $0x8000004E  }
0xc3: {  	_ =	swait.ge [sflag:s29], $0x1  }
0xc4: {  	[sflag:s29] =	ssyncadd.s32 $0xFFFFFFFF  }
0xc5: {  	_ =	strace $0x9000004E  }
0xc6: {  	_ =	sfence  }
0xc7: {  	s30 =	sld [smem:$0x0];
	_ =	sdelay $0x2  }
0xc8: {  	s31 =	sshll.u32 s1, $0xD;
	s1 =	sshrl.u32 s1, $0x2  }
0xc9: {  	s4 =	sand.u32 $0x4000, s31;
	s1 =	sadd.s32 s1, s30  }
0xca: {  	s0 =	sor.u32 s4, s0;
	s1 =	sshll.u32 s1, $0x11  }
0xcb: {  	s0 =	sor.u32 s1, s0  }
0xcc: {  	s0 =	sadd.s32 $0x8F2B, s0  }
0xcd: {  	[sflag:s0] =	ssyncadd.remote.s32 $0x1  }
0xce: {  	_ =	sfence.sel $0xFFFF  }
0xcf: {  	[dreg:$0x0] =	wrdreg $0xFFFFFFFF;
	(pc) =	sbr.abs _section_cstart, $3  }
0xd0: {  	[dreg:$0x1] =	wrdreg $0xFFFFFFFF  }
0xd1: {  	_ =	task.clear_ibuf [dreg:s22], $0x2FFFF;
	_ =	strace $0x9FFFFFFF  }
0xd2: {  	(tm) =	ssettm $0x7FFFFFFF  }
0xd3: {  	_ =	shalt  }
tec
execute0_lowered:
.L_overlay_start_1:
0x0: {  	(tag) =	ssettag $0x1  }
0x1: {  	s9 =	rddreg [dreg:$0x0]  }
0x2: {  	s2 =	rddreg [dreg:$0x1];
	s0 =	stileid.u32  }
0x3: {  	s1 =	srdreg.scid;
	s4 =	rddreg [dreg:$0x2];
	s15 =	simm.s32 $0x3  }
0x4: {  	s16 =	simm.s32 $0x2A00;
	s17 =	simm.s32 $0x2;
	s3 =	smul.u32 $0x50, s0  }
0x5: {  	v0 =	vlaneseq.u32;
	v6 =	vimm.f32 $0.0e+00;
	vm0 =	vmmov $0xffff;
	s18 =	simm.s32 $0x50;
	s19 =	simm.s32 $0x80;
	s7 =	smul.u32 $0x14000, s0  }
0x6: {  	v25 =	vimm.s32 $0x3020100;
	vm1 =	vcmask $0xF00;
	s20 =	simm.s32 $0x200;
	v29 =	vimm.s32 $0x0;
	s10 =	sand.u32 $0x1, s1;
	s26 =	smul.u32 $0x2800, s0  }
0x7: {  	s21 =	simm.s32 $0x180;
	s22 =	simm.s32 $0x5200;
	v30 =	vimm.s32 $0x1;
	v31 =	vimm.s32 $0x2;
	v27 =	vmul.u32 $0x80, v0;
	s6 =	smul.u32 $0x140000, s10  }
0x8: {  	s23 =	simm.s32 $0x100;
	s24 =	simm.s32 $0x1;
	v32 =	vimm.s32 $0x3;
	v28 =	vunpack.c.0.s8.s32 v25;
	v26 =	vsel vm1, $0x3F800000, v6;
	s12 =	smul.u32 $0x28000, s10  }
0x9: {  	s1 =	rddreg [dreg:$0x3];
	vm1 =	vcmask $0x1300;
	s30 =	ssub.s32 $0x2, s10;
	s10 =	smul.u32 $0x2710000, s10;
	v1 =	vor.u32 s3, v0;
	v7 =	vor.u32 $0x4, v27  }
0xa: {  	s5 =	sadd.s32 $0x10, s3;
	s8 =	sadd.s32 $0x20, s3;
	s11 =	sadd.s32 $0x30, s3;
	v8 =	vor.u32 $0x5, v27;
	v9 =	vor.u32 $0x6, v27;
	v11 =	vor.u32 $0x804, v27  }
0xb: {  	s25 =	sadd.s32 $0x40, s3;
	v12 =	vor.u32 $0x805, v27;
	v13 =	vor.u32 $0x806, v27;
	s31 =	sshrl.u32 s30, $0x1;
	v2 =	vor.u32 s5, v0;
	s5 =	simm.s32 $0x0  }
0xc: {  	v14 =	vor.u32 $0x807, v27;
	v15 =	vor.u32 $0x1004, v27;
	v16 =	vor.u32 $0x1005, v27;
	s7 =	sadd.s32 s7, s6;
	s6 =	sadd.s32 $0x155400, s9;
	s29 =	sadd.s32 s26, s12  }
0xd: {  	v17 =	vor.u32 $0x1006, v27;
	v3 =	vor.u32 s8, v0;
	v5 =	vor.u32 s25, v0;
	s8 =	smul.u32 $0x280, s0;
	s12 =	ssub.s32 s30, s31;
	s25 =	simm.s32 $0x0  }
0xe: {  	v18 =	vor.u32 $0x1007, v27;
	v19 =	vor.u32 $0x1804, v27;
	v20 =	vor.u32 $0x1805, v27;
	[smem:$0x7FF] =	sst s5;
	s28 =	sshrl.u32 s7, $0x3;
	s7 =	sadd.s32 $0xC7800, s9  }
0xf: {  	v21 =	vor.u32 $0x1806, v27;
	v22 =	vor.u32 $0x1807, v27;
	v4 =	vor.u32 s11, v0;
	s11 =	sshrl.u32 s29, $0x3;
	s12 =	smax.u32 s12, $0x1;
	s13 =	sadd.s32 s28, s9  }
0x10: {  	v10 =	vor.u32 $0x7, v27;
	v23 =	vor.u32 $0x2004, v27;
	v24 =	vor.u32 $0x2005, v27;
	_ =	strace $0x8000004D;
	s14 =	sadd.s32 s11, s9;
	s11 =	sadd.s32 $0x14DD400, s13  }
0x11: {  	v25 =	vor.u32 $0x2006, v27;
	v27 =	vor.u32 $0x2007, v27;
	v28 =	vnsel vm1, $0x0, v28;
	s9 =	smul.u32 $0x4E20, s0;
	s13 =	sadd.s32 $0x115A00, s14;
	s14 =	simm.s32 $0x7A00  }
.LBB2_1:
0x12: {  	p0 =	por $0x0, $0x0  }
.Ltmp0:
0x13: {  	_ = 	snop;
	(pc) =	sbr.rel @p0 .LBB2_3-.Ltmp0, $2  }
0x14: {  	_ =	sdelay $0x2  }
0x15: {  	s26 =	simm.s32 $0x0;
	s28 =	simm.s32 $0x200  }
.LBB2_2:
0x16: {  	p0 =	seq.s32 s28, $0x1E00;
	[tilespmem:s26+$0x7A70] =	vst v6  }
0x17: {  	[tilespmem:s26+$0x7A00] =	vst v6  }
0x18: {  	[tilespmem:s26+$0x7A10] =	vst v6  }
.Ltmp1:
0x19: {  	[tilespmem:s26+$0x7A20] =	vst v6;
	(pc) =	sbr.rel @!p0 .LBB2_2-.Ltmp1, $4  }
0x1a: {  	[tilespmem:s26+$0x7A30] =	vst v6  }
0x1b: {  	[tilespmem:s26+$0x7A40] =	vst v6  }
0x1c: {  	[tilespmem:s26+$0x7A50] =	vst v6  }
0x1d: {  	[tilespmem:s26+$0x7A60] =	vst v6;
	s26 =	sshra.s32 s28, $0x2;
	s28 =	sadd.s32 $0x200, s28  }
.LBB2_3:
0x1e: {  	[tilespmem:s26+$0x7A70] =	vst v6  }
0x1f: {  	[tilespmem:s26+$0x7A00] =	vst v6  }
0x20: {  	[tilespmem:s26+$0x7A10] =	vst v6;
	s30 =	sadd.s32 $0x0, s8  }
0x21: {  	[tilespmem:s26+$0x7A20] =	vst v6;
	v33 =	vor.u32 s30, v0  }
0x22: {  	[tilespmem:s26+$0x7A30] =	vst v6  }
0x23: {  	[tilespmem:s26+$0x7A40] =	vst v6  }
0x24: {  	[tilespmem:s26+$0x7A50] =	vst v6  }
0x25: {  	[tilespmem:s26+$0x7A60] =	vst v6;
	s31 =	sadd.s32 $0x10, s8  }
0x26: {  	[spmem:s2] =	stream.indirect_vreg.scatter [tilespmem:s14], [sflag:$0x3], $0x80, v33, vm0, $0xb8;
	v33 =	vor.u32 s31, v0;
	[tilespmem:$0x1EA00] =	vst v63  }
0x27: {  	_ = 	snop  }
0x28: {  	_ =	swait.ge [sflag:s15], $0x800  }
0x29: {  	s26 =	simm.s32 $0x20;
	[sflag:s15] =	ssyncset.done $0x0  }
.LBB2_4:
0x2a: {  	s28 =	sadd.s32 s26, s8;
	[sflag:s15] =	ssyncadd.s32 $0xFFFFF800;
	p0 =	seq.s32 s26, $0x270  }
0x2b: {  	[spmem:s2] =	stream.indirect_vreg.scatter [tilespmem:s14], [sflag:$0x3], $0x80, v33, vm0, $0xb8;
	[tilespmem:$0x1EA00] =	vst v63  }
.Ltmp2:
0x2c: {  	_ = 	snop;
	(pc) =	sbr.rel @!p0 .LBB2_4-.Ltmp2, $3  }
0x2d: {  	v33 =	vor.u32 s28, v0;
	_ =	sdelay $0x1  }
0x2e: {  	s26 =	sadd.s32 $0x10, s26;
	_ =	swait.ge [sflag:s15], $0x800  }
0x2f: {  	[sflag:s15] =	ssyncset.done $0x0  }
0x30: {  	_ =	sdelay $0x2  }
0x31: {  	[sflag:s15] =	ssyncadd.s32 $0xFFFFF800  }
0x32: {  	[spmem:s2] =	stream.indirect_vreg.scatter [tilespmem:s14], [sflag:$0x3], $0x80, v33, vm0, $0xb8;
	[tilespmem:$0x1EA00] =	vst v63  }
0x33: {  	_ =	swait.ge [sflag:s15], $0x800  }
0x34: {  	[sflag:s15] =	ssyncset.done $0x0  }
0x35: {  	[sflag:s15] =	ssyncadd.s32 $0xFFFFF800  }
0x36: {  	[spmem:s4] =	stream.indirect_vreg.scatter [tilespmem:s14], [sflag:$0x3], $0x80, v1, vm0, $0xb8;
	[tilespmem:$0x1EA00] =	vst v63  }
0x37: {  	_ =	swait.ge [sflag:s15], $0x800  }
0x38: {  	[sflag:s15] =	ssyncset.done $0x0  }
0x39: {  	[sflag:s15] =	ssyncadd.s32 $0xFFFFF800  }
0x3a: {  	[spmem:s4] =	stream.indirect_vreg.scatter [tilespmem:s14], [sflag:$0x3], $0x80, v2, vm0, $0xb8;
	[tilespmem:$0x1EA00] =	vst v63  }
0x3b: {  	_ =	swait.ge [sflag:s15], $0x800  }
0x3c: {  	[sflag:s15] =	ssyncset.done $0x0  }
0x3d: {  	[sflag:s15] =	ssyncadd.s32 $0xFFFFF800  }
0x3e: {  	[spmem:s4] =	stream.indirect_vreg.scatter [tilespmem:s14], [sflag:$0x3], $0x80, v3, vm0, $0xb8;
	[tilespmem:$0x1EA00] =	vst v63  }
0x3f: {  	_ =	swait.ge [sflag:s15], $0x800  }
0x40: {  	[sflag:s15] =	ssyncset.done $0x0  }
0x41: {  	[sflag:s15] =	ssyncadd.s32 $0xFFFFF800  }
0x42: {  	[spmem:s4] =	stream.indirect_vreg.scatter [tilespmem:s14], [sflag:$0x3], $0x80, v4, vm0, $0xb8;
	[tilespmem:$0x1EA00] =	vst v63  }
0x43: {  	_ =	swait.ge [sflag:s15], $0x800  }
0x44: {  	[sflag:s15] =	ssyncset.done $0x0  }
0x45: {  	[sflag:s15] =	ssyncadd.s32 $0xFFFFF800  }
0x46: {  	[spmem:s4] =	stream.indirect_vreg.scatter [tilespmem:s14], [sflag:$0x3], $0x80, v5, vm0, $0xb8;
	[tilespmem:$0x1EA00] =	vst v63  }
0x47: {  	_ =	swait.ge [sflag:s15], $0x800  }
0x48: {  	[sflag:s15] =	ssyncset.done $0x0  }
0x49: {  	[sflag:s15] =	ssyncadd.s32 $0xFFFFF800  }
0x4a: {  	s26 =	simm.s32 $0x0;
	s28 =	simm.s32 $0x0;
	[bflag:$0x0] =	sbarrier.arrive $0xFFFF  }
.LBB2_6:
0x4b: {  	s29 =	smul.u32 $0x50, s28;
	_ =	sdelay $0x1  }
0x4c: {  	s29 =	sadd.s32 s9, s29  }
0x4d: {  	s29 =	sshll.u32 s29, $0x7  }
0x4e: {  	s29 =	sadd.s32 s10, s29  }
0x4f: {  	s29 =	sshrl.u32 s29, $0x3  }
0x50: {  	s29 =	sadd.s32 s6, s29  }
0x51: {  	[tilespmem:s16], [sflag:$0x2] =	stream.linear.gather [hbm4b:s29+s26], $0x2800, $0x38;
	[tilespmem:$0x1EA00] =	vst v63  }
0x52: {  	_ =	swait.ge [sflag:s17], $0x2800  }
0x53: {  	[sflag:s17] =	ssyncset.done $0x0  }
0x54: {  	[sflag:s17] =	ssyncadd.s32 $0xFFFFD800  }
0x55: {  	v33 =	vld.idx.msk [tilespmem:v7+s16+$0x0], $0xffff;
	_ =	sdelay $0x4  }
0x56: {  	[tilespmem:$0x80] =	vst v33  }
0x57: {  	v33 =	vld.idx.msk [tilespmem:v8+s16+$0x0], $0xffff;
	_ =	sdelay $0x4  }
0x58: {  	[tilespmem:$0x100] =	vst v33  }
0x59: {  	v33 =	vld.idx.msk [tilespmem:v9+s16+$0x0], $0xffff;
	_ =	sdelay $0x4  }
0x5a: {  	[tilespmem:$0x180] =	vst v33  }
0x5b: {  	v33 =	vld.idx.msk [tilespmem:v10+s16+$0x0], $0xffff;
	_ =	sdelay $0x4  }
0x5c: {  	[tilespmem:$0x0] =	vst v33  }
0x5d: {  	v33 =	vld.idx.msk [tilespmem:v11+s16+$0x0], $0xffff;
	_ =	sdelay $0x4  }
0x5e: {  	[tilespmem:$0x90] =	vst v33  }
0x5f: {  	v33 =	vld.idx.msk [tilespmem:v12+s16+$0x0], $0xffff;
	_ =	sdelay $0x4  }
0x60: {  	[tilespmem:$0x110] =	vst v33  }
0x61: {  	v33 =	vld.idx.msk [tilespmem:v13+s16+$0x0], $0xffff;
	_ =	sdelay $0x4  }
0x62: {  	[tilespmem:$0x190] =	vst v33  }
0x63: {  	v33 =	vld.idx.msk [tilespmem:v14+s16+$0x0], $0xffff;
	_ =	sdelay $0x4  }
0x64: {  	[tilespmem:$0x10] =	vst v33  }
0x65: {  	v33 =	vld.idx.msk [tilespmem:v15+s16+$0x0], $0xffff;
	_ =	sdelay $0x4  }
0x66: {  	[tilespmem:$0xA0] =	vst v33  }
0x67: {  	v33 =	vld.idx.msk [tilespmem:v16+s16+$0x0], $0xffff;
	_ =	sdelay $0x4  }
0x68: {  	[tilespmem:$0x120] =	vst v33  }
0x69: {  	v33 =	vld.idx.msk [tilespmem:v17+s16+$0x0], $0xffff;
	_ =	sdelay $0x4  }
0x6a: {  	[tilespmem:$0x1A0] =	vst v33  }
0x6b: {  	v33 =	vld.idx.msk [tilespmem:v18+s16+$0x0], $0xffff;
	_ =	sdelay $0x4  }
0x6c: {  	[tilespmem:$0x20] =	vst v33  }
0x6d: {  	v33 =	vld.idx.msk [tilespmem:v19+s16+$0x0], $0xffff;
	_ =	sdelay $0x4  }
0x6e: {  	[tilespmem:$0xB0] =	vst v33  }
0x6f: {  	v33 =	vld.idx.msk [tilespmem:v20+s16+$0x0], $0xffff;
	_ =	sdelay $0x4  }
0x70: {  	[tilespmem:$0x130] =	vst v33  }
0x71: {  	v33 =	vld.idx.msk [tilespmem:v21+s16+$0x0], $0xffff;
	_ =	sdelay $0x4  }
0x72: {  	[tilespmem:$0x1B0] =	vst v33  }
0x73: {  	v33 =	vld.idx.msk [tilespmem:v22+s16+$0x0], $0xffff;
	_ =	sdelay $0x4  }
0x74: {  	[tilespmem:$0x30] =	vst v33  }
0x75: {  	v33 =	vld.idx.msk [tilespmem:v23+s16+$0x0], $0xffff;
	_ =	sdelay $0x4  }
0x76: {  	[tilespmem:$0xC0] =	vst v33  }
0x77: {  	v33 =	vld.idx.msk [tilespmem:v24+s16+$0x0], $0xffff;
	_ =	sdelay $0x4  }
0x78: {  	[tilespmem:$0x140] =	vst v33  }
0x79: {  	v33 =	vld.idx.msk [tilespmem:v25+s16+$0x0], $0xffff;
	_ =	sdelay $0x4  }
0x7a: {  	[tilespmem:$0x1C0] =	vst v33  }
0x7b: {  	v33 =	vld.idx.msk [tilespmem:v27+s16+$0x0], $0xffff;
	_ =	sdelay $0x4  }
0x7c: {  	s30 =	simm.s32 $0x200;
	s29 =	simm.s32 $0x0;
	[tilespmem:$0x40] =	vst v33  }
0x7d: {  	[tilespmem:s20], [sflag:$0x1] =	stream.indirect.gather [hbm4b:s7+s18], $0x80, s19, s18, $0xb8;
	[tilespmem:$0x1EA00] =	vst v63  }
.LBB2_7:
0x7e: {  	p0 =	sne.s32 s30, $0x9E00;
	[tilespmem:s29+$0x5270] =	vst v6  }
0x7f: {  	[tilespmem:s29+$0x5200] =	vst v6  }
0x80: {  	[tilespmem:s29+$0x5210] =	vst v6  }
.Ltmp3:
0x81: {  	[tilespmem:s29+$0x5220] =	vst v6;
	(pc) =	sbr.rel @p0 .LBB2_7-.Ltmp3, $4  }
0x82: {  	[tilespmem:s29+$0x5230] =	vst v6  }
0x83: {  	[tilespmem:s29+$0x5240] =	vst v6  }
0x84: {  	[tilespmem:s29+$0x5250] =	vst v6  }
0x85: {  	[tilespmem:s29+$0x5260] =	vst v6;
	s29 =	sshra.s32 s30, $0x2;
	s30 =	sadd.s32 $0x200, s30  }
0x86: {  	[tilespmem:s29+$0x5270] =	vst v6  }
0x87: {  	[tilespmem:s29+$0x5200] =	vst v6  }
0x88: {  	[tilespmem:s29+$0x5210] =	vst v6;
	s30 =	simm.s32 $0x0  }
0x89: {  	[tilespmem:s29+$0x5220] =	vst v6;
	v33 =	vmov s30  }
0x8a: {  	[tilespmem:s29+$0x5230] =	vst v6  }
0x8b: {  	[tilespmem:s29+$0x5240] =	vst v6  }
0x8c: {  	[tilespmem:s29+$0x5250] =	vst v6  }
0x8d: {  	[tilespmem:s29+$0x5260] =	vst v6  }
0x8e: {  	v34 =	vld.idx.msk [tilespmem:v33+s21+$0x0], $0xffff;
	_ =	sdelay $0x4  }
0x8f: {  	s29 =	simm.s32 $0x2A00;
	v34 =	vadd.s32 v28, v34  }
0x90: {  	v33 =	vshll.u32 v33, $0x7;
	v35 =	vand.u32 $0xFFFFFF80, v34;
	v36 =	vand.u32 $0x7F, v34;
	v34 =	vld [tilespmem:s29+$0x0]  }
0x91: {  	v33 =	vadd.s32 v33, v35  }
0x92: {  	s30 =	simm.s32 $0x1;
	v35 =	vor.u32 v36, v33  }
0x93: {  	v33 =	vmov s30;
	s30 =	simm.s32 $0x2  }
.LBB2_9:
0x94: {  	p0 =	sne.s32 s30, $0x4F  }
0x95: {  	v34 =	vmul.f32 v26, v34;
	_ =	sdelay $0x1  }
0x96: {  	[tilespmem:v35+s22+$0x0] =	vst.idx.msk $0xf, v34  }
0x97: {  	v34 =	vld.idx.msk [tilespmem:v33+s21+$0x0], $0xffff;
	_ =	sdelay $0x5  }
.Ltmp4:
0x98: {  	s29 =	sadd.s32 $0x80, s29;
	v35 =	vadd.s32 v28, v34;
	(pc) =	sbr.rel @p0 .LBB2_9-.Ltmp4, $4  }
0x99: {  	v33 =	vshll.u32 v33, $0x7;
	v36 =	vand.u32 $0xFFFFFF80, v35;
	v34 =	vld [tilespmem:s29+$0x0]  }
0x9a: {  	v35 =	vand.u32 $0x7F, v35;
	v33 =	vadd.s32 v33, v36  }
0x9b: {  	v35 =	vor.u32 v35, v33  }
0x9c: {  	v33 =	vmov s30;
	s30 =	sadd.s32 $0x1, s30  }
0x9d: {  	_ =	sdelay $0x1  }
0x9e: {  	v34 =	vmul.f32 v26, v34;
	_ =	sdelay $0x1  }
0x9f: {  	[tilespmem:v35+s22+$0x0] =	vst.idx.msk $0xf, v34  }
0xa0: {  	v34 =	vld.idx.msk [tilespmem:v33+s21+$0x0], $0xffff;
	_ =	sdelay $0x4  }
0xa1: {  	s29 =	sadd.s32 $0x80, s29;
	v34 =	vadd.s32 v28, v34  }
0xa2: {  	v61 =	vshll.u32 v33, $0x7;
	v35 =	vld [tilespmem:s29+$0x0];
	v36 =	vand.u32 $0xFFFFFF80, v34  }
0xa3: {  	v34 =	vand.u32 $0x7F, v34;
	v33 =	vadd.s32 v61, v36  }
0xa4: {  	v33 =	vor.u32 v34, v33;
	_ =	sdelay $0x2  }
0xa5: {  	v62 =	vmul.f32 v26, v35;
	_ =	sdelay $0x1  }
0xa6: {  	[tilespmem:v33+s22+$0x0] =	vst.idx.msk $0xf, v62  }
0xa7: {  	[spmem:s4] =	stream.indirect.scatter.add.f32 [tilespmem:s22], [sflag:$0x3], $0x80, s23, s18, $0xb8;
	[tilespmem:$0x1EA00] =	vst v63  }
0xa8: {  	_ =	swait.ge [sflag:s15], $0x2800  }
0xa9: {  	[sflag:s15] =	ssyncset.done $0x0  }
0xaa: {  	[sflag:s15] =	ssyncadd.s32 $0xFFFFD800  }
0xab: {  	_ =	swait.ge [sflag:s24], $0x2800  }
0xac: {  	[sflag:s24] =	ssyncset.done $0x0  }
0xad: {  	s30 =	simm.s32 $0x0;
	[sflag:s24] =	ssyncadd.s32 $0xFFFFD800  }
0xae: {  	v63 =	vld [tilespmem:s30+$0x2A00]  }
0xaf: {  	v38 =	vld [tilespmem:s30+$0x200]  }
0xb0: {  	v40 =	vld [tilespmem:s30+$0x270]  }
0xb1: {  	v42 =	vld [tilespmem:s30+$0x210]  }
0xb2: {  	v36 =	vld [tilespmem:s30+$0x220]  }
0xb3: {  	v35 =	vld [tilespmem:s30+$0x230];
	v44 =	vperm.xlane v63, v29;
	v33 =	vperm.xlane v63, v32  }
0xb4: {  	v37 =	vld [tilespmem:s30+$0x240];
	v39 =	vperm.xlane v63, v30  }
0xb5: {  	v41 =	vmul.f32 v44, v38;
	v38 =	vld [tilespmem:s30+$0x250];
	v43 =	vmul.f32 v40, v33  }
0xb6: {  	s31 =	simm.s32 $0x400;
	s29 =	simm.s32 $0x80;
	v34 =	vperm.xlane v63, v31;
	v42 =	vmul.f32 v42, v44;
	v40 =	vld [tilespmem:s30+$0x260]  }
.LBB2_11:
0xb7: {  	p0 =	sne.s32 s31, $0x9E00;
	v44 =	vld [tilespmem:s29+$0x2A00];
	v36 =	vmul.f32 v39, v36;
	[tilespmem:s30+$0x5270] =	vst v43  }
0xb8: {  	v43 =	vld [tilespmem:s29+$0x200];
	[tilespmem:s30+$0x5200] =	vst v41;
	v35 =	vmul.f32 v35, v39  }
0xb9: {  	v45 =	vld [tilespmem:s29+$0x270];
	[tilespmem:s30+$0x5210] =	vst v42;
	v37 =	vmul.f32 v34, v37  }
0xba: {  	v42 =	vld [tilespmem:s29+$0x210];
	[tilespmem:s30+$0x5220] =	vst v36;
	v38 =	vmul.f32 v38, v34  }
.Ltmp5:
0xbb: {  	v36 =	vld [tilespmem:s29+$0x220];
	[tilespmem:s30+$0x5230] =	vst v35;
	v40 =	vmul.f32 v33, v40;
	(pc) =	sbr.rel @p0 .LBB2_11-.Ltmp5, $4  }
0xbc: {  	v46 =	vperm.xlane v44, v29;
	v35 =	vld [tilespmem:s29+$0x230];
	v33 =	vperm.xlane v44, v32;
	[tilespmem:s30+$0x5240] =	vst v37  }
0xbd: {  	v39 =	vperm.xlane v44, v30;
	v34 =	vperm.xlane v44, v31;
	v37 =	vld [tilespmem:s29+$0x240];
	[tilespmem:s30+$0x5250] =	vst v38  }
0xbe: {  	v41 =	vmul.f32 v46, v43;
	v38 =	vld [tilespmem:s29+$0x250];
	v43 =	vmul.f32 v45, v33;
	[tilespmem:s30+$0x5260] =	vst v40;
	s30 =	smov.u32 s29  }
0xbf: {  	s29 =	sshra.s32 s31, $0x2;
	s31 =	sadd.s32 $0x200, s31;
	v42 =	vmul.f32 v42, v46;
	v40 =	vld [tilespmem:s30+$0x260]  }
0xc0: {  	v44 =	vld [tilespmem:s29+$0x2A00];
	[tilespmem:s30+$0x5270] =	vst v43  }
0xc1: {  	v43 =	vld [tilespmem:s29+$0x200];
	[tilespmem:s30+$0x5200] =	vst v41  }
0xc2: {  	v36 =	vmul.f32 v39, v36;
	v41 =	vld [tilespmem:s29+$0x270]  }
0xc3: {  	v35 =	vmul.f32 v35, v39;
	[tilespmem:s30+$0x5210] =	vst v42  }
0xc4: {  	v37 =	vmul.f32 v34, v37;
	v42 =	vld [tilespmem:s29+$0x210];
	[tilespmem:s30+$0x5220] =	vst v36  }
0xc5: {  	v52 =	vmul.f32 v38, v34;
	v36 =	vld [tilespmem:s29+$0x220];
	[tilespmem:s30+$0x5230] =	vst v35;
	v53 =	vperm.xlane v44, v32  }
0xc6: {  	v33 =	vmul.f32 v33, v40;
	v35 =	vld [tilespmem:s29+$0x230];
	[tilespmem:s30+$0x5240] =	vst v37;
	v54 =	vperm.xlane v44, v29  }
0xc7: {  	v37 =	vld [tilespmem:s29+$0x240];
	[tilespmem:s30+$0x5250] =	vst v52;
	v56 =	vmul.f32 v41, v53  }
0xc8: {  	v57 =	vperm.xlane v44, v30;
	v55 =	vld [tilespmem:s29+$0x250];
	[tilespmem:s30+$0x5260] =	vst v33;
	v58 =	vmul.f32 v54, v43  }
0xc9: {  	v59 =	vld [tilespmem:s29+$0x260];
	v34 =	vmul.f32 v42, v54;
	[tilespmem:s29+$0x5270] =	vst v56  }
0xca: {  	v60 =	vperm.xlane v44, v31;
	v36 =	vmul.f32 v57, v36;
	[tilespmem:s29+$0x5200] =	vst v58  }
0xcb: {  	v33 =	vmul.f32 v35, v57;
	[tilespmem:s29+$0x5210] =	vst v34  }
0xcc: {  	v61 =	vmul.f32 v60, v37;
	[tilespmem:s29+$0x5220] =	vst v36  }
0xcd: {  	v62 =	vmul.f32 v55, v60;
	[tilespmem:s29+$0x5230] =	vst v33  }
0xce: {  	s28 =	sadd.s32 $0x1, s28;
	v63 =	vmul.f32 v53, v59;
	[tilespmem:s29+$0x5240] =	vst v61  }
0xcf: {  	p0 =	sne.s32 s28, $0xFA;
	[tilespmem:s29+$0x5250] =	vst v62  }
.Ltmp6:
0xd0: {  	[tilespmem:s29+$0x5260] =	vst v63;
	(pc) =	sbr.rel @p0 .LBB2_6-.Ltmp6, $4  }
0xd1: {  	[spmem:s2] =	stream.indirect.scatter.add.f32 [tilespmem:s22], [sflag:$0x3], $0x80, s5, s18, $0xb8;
	[tilespmem:$0x1EA00] =	vst v63  }
0xd2: {  	_ =	swait.ge [sflag:s15], $0x2800  }
0xd3: {  	[sflag:s15] =	ssyncset.done $0x0  }
0xd4: {  	[sflag:s15] =	ssyncadd.s32 $0xFFFFD800  }
0xd5: {  	s26 =	sadd.s32 $0x0, s8  }
0xd6: {  	v33 =	vor.u32 s26, v0;
	_ =	sdelay $0x3  }
0xd7: {  	[bflag:$0x0] =	sbarrier.arrive $0xFFFF  }
0xd8: {  	[tilespmem:s14], [sflag:$0x3] =	stream.indirect_vreg.gather [spmem:s2], $0x80, v33, vm0, $0xb8;
	[tilespmem:$0x1EA00] =	vst v63  }
0xd9: {  	_ =	swait.ge [sflag:s15], $0x800  }
0xda: {  	[sflag:s15] =	ssyncset.done $0x0  }
0xdb: {  	s28 =	sadd.s32 $0x10, s8;
	s26 =	simm.s32 $0x0;
	[sflag:s15] =	ssyncadd.s32 $0xFFFFF800  }
0xdc: {  	v33 =	vor.u32 s28, v0;
	[hbm4b:s11+s26] =	stream.linear.scatter [tilespmem:s14], [sflag:$0x3], $0x800, $0x38;
	[tilespmem:$0x1EA00] =	vst v63  }
0xdd: {  	_ =	swait.ge [sflag:s15], $0x800  }
0xde: {  	s29 =	simm.s32 $0x20;
	s28 =	smov.u32 s11;
	[sflag:s15] =	ssyncset.done $0x0  }
.LBB2_14:
0xdf: {  	[sflag:s15] =	ssyncadd.s32 $0xFFFFF800  }
0xe0: {  	s28 =	sadd.s32 $0x100, s28;
	s30 =	smov.u32 s29;
	s31 =	sadd.s32 $0x10, s29  }
0xe1: {  	[tilespmem:s14], [sflag:$0x3] =	stream.indirect_vreg.gather [spmem:s2], $0x80, v33, vm0, $0xb8;
	[tilespmem:$0x1EA00] =	vst v63  }
0xe2: {  	p0 =	sne.s32 s29, $0x270;
	_ =	swait.ge [sflag:s15], $0x800  }
.Ltmp7:
0xe3: {  	s29 =	sadd.s32 s30, s8;
	[sflag:s15] =	ssyncset.done $0x0;
	(pc) =	sbr.rel @p0 .LBB2_14-.Ltmp7, $4  }
0xe4: {  	v33 =	vor.u32 s29, v0;
	[sflag:s15] =	ssyncadd.s32 $0xFFFFF800  }
0xe5: {  	[hbm4b:s28+s26] =	stream.linear.scatter [tilespmem:s14], [sflag:$0x3], $0x800, $0x38;
	[tilespmem:$0x1EA00] =	vst v63  }
0xe6: {  	_ =	swait.ge [sflag:s15], $0x800  }
0xe7: {  	s29 =	smov.u32 s31;
	[sflag:s15] =	ssyncset.done $0x0  }
0xe8: {  	_ =	sdelay $0x2  }
0xe9: {  	[sflag:s15] =	ssyncadd.s32 $0xFFFFF800  }
0xea: {  	[tilespmem:s14], [sflag:$0x3] =	stream.indirect_vreg.gather [spmem:s2], $0x80, v33, vm0, $0xb8;
	[tilespmem:$0x1EA00] =	vst v63  }
0xeb: {  	_ =	swait.ge [sflag:s15], $0x800  }
0xec: {  	s29 =	sadd.s32 $0x0, s3;
	[sflag:s15] =	ssyncset.done $0x0  }
0xed: {  	s28 =	sadd.s32 $0x100, s28;
	v63 =	vor.u32 s29, v0;
	[sflag:s15] =	ssyncadd.s32 $0xFFFFF800  }
0xee: {  	[hbm4b:s28+s26] =	stream.linear.scatter [tilespmem:s14], [sflag:$0x3], $0x800, $0x38;
	[tilespmem:$0x1EA00] =	vst v63  }
0xef: {  	_ =	swait.ge [sflag:s15], $0x800  }
0xf0: {  	[sflag:s15] =	ssyncset.done $0x0  }
0xf1: {  	[sflag:s15] =	ssyncadd.s32 $0xFFFFF800  }
0xf2: {  	[tilespmem:s14], [sflag:$0x3] =	stream.indirect_vreg.gather [spmem:s4], $0x80, v63, vm0, $0xb8;
	[tilespmem:$0x1EA00] =	vst v63  }
0xf3: {  	_ =	swait.ge [sflag:s15], $0x800  }
0xf4: {  	[sflag:s15] =	ssyncset.done $0x0  }
0xf5: {  	s31 =	sadd.s32 $0x10, s3;
	[sflag:s15] =	ssyncadd.s32 $0xFFFFF800  }
0xf6: {  	v33 =	vor.u32 s31, v0;
	[hbm4b:s13+s5] =	stream.linear.scatter [tilespmem:s14], [sflag:$0x3], $0x800, $0x38;
	[tilespmem:$0x1EA00] =	vst v63  }
0xf7: {  	_ =	swait.ge [sflag:s15], $0x800  }
0xf8: {  	s28 =	simm.s32 $0x20;
	s26 =	smov.u32 s13;
	[sflag:s15] =	ssyncset.done $0x0  }
.LBB2_16:
0xf9: {  	[sflag:s15] =	ssyncadd.s32 $0xFFFFF800  }
0xfa: {  	s26 =	sadd.s32 $0x100, s26;
	s29 =	smov.u32 s28;
	s30 =	sadd.s32 $0x10, s28  }
0xfb: {  	[tilespmem:s14], [sflag:$0x3] =	stream.indirect_vreg.gather [spmem:s4], $0x80, v33, vm0, $0xb8;
	[tilespmem:$0x1EA00] =	vst v63  }
0xfc: {  	p0 =	sne.s32 s28, $0x40;
	_ =	swait.ge [sflag:s15], $0x800  }
.Ltmp8:
0xfd: {  	s28 =	sadd.s32 s29, s3;
	[sflag:s15] =	ssyncset.done $0x0;
	(pc) =	sbr.rel @p0 .LBB2_16-.Ltmp8, $4  }
0xfe: {  	v33 =	vor.u32 s28, v0;
	[sflag:s15] =	ssyncadd.s32 $0xFFFFF800  }
0xff: {  	[hbm4b:s26+s5] =	stream.linear.scatter [tilespmem:s14], [sflag:$0x3], $0x800, $0x38;
	[tilespmem:$0x1EA00] =	vst v63  }
0x100: {  	_ =	swait.ge [sflag:s15], $0x800  }
0x101: {  	s28 =	smov.u32 s30;
	[sflag:s15] =	ssyncset.done $0x0  }
0x102: {  	_ =	sdelay $0x2  }
0x103: {  	[sflag:s15] =	ssyncadd.s32 $0xFFFFF800  }
0x104: {  	[tilespmem:s14], [sflag:$0x3] =	stream.indirect_vreg.gather [spmem:s4], $0x80, v33, vm0, $0xb8;
	[tilespmem:$0x1EA00] =	vst v63  }
0x105: {  	s25 =	sadd.s32 $0x1, s25;
	_ =	swait.ge [sflag:s15], $0x800  }
0x106: {  	p0 =	sne.s32 s25, s12;
	[sflag:s15] =	ssyncset.done $0x0  }
.Ltmp9:
0x107: {  	s26 =	sadd.s32 $0x100, s26;
	[sflag:s15] =	ssyncadd.s32 $0xFFFFF800;
	(pc) =	sbr.rel @p0 .LBB2_1-.Ltmp9, $4  }
0x108: {  	[hbm4b:s26+s5] =	stream.linear.scatter [tilespmem:s14], [sflag:$0x3], $0x800, $0x38;
	[tilespmem:$0x1EA00] =	vst v63  }
0x109: {  	_ =	swait.ge [sflag:s15], $0x800  }
0x10a: {  	[sflag:s15] =	ssyncset.done $0x0  }
0x10b: {  	[sflag:s15] =	ssyncadd.s32 $0xFFFFF800  }
0x10c: {  	_ =	sfence.sel $0x180000  }
0x10d: {  	[bflag:$0x0] =	sbarrier.arrive $0xFFFF  }
0x10e: {  	p0 =	sne.s32 s0, $0x0;
	_ =	strace $0x9000004D  }
0x10f: {  	s0 =	sadd.s32 @!p0 $0x100000, s1;
	[bflag:$0x2] =	sbarrier.arrive $0xFFFF  }
0x110: {  	[sflag:s0] =	ssyncadd.tile.s32 @!p0 $0x1;
	_ =	shalt  }
.Lfunc_end2:
_tile_overlayer_lowered:
.L_overlay_start_2:
0x111: {  	(tag) =	ssettag $0x2  }
0x112: {  	s0 =	rddreg [dreg:$0x0];
	s2 =	stileid.u32  }
0x113: {  	s1 =	rddreg [dreg:$0x1];
	p0 =	sne.s32 s2, $0x0  }
0x114: {  	s3 =	rddreg [dreg:$0x2];
	[bflag:$0x3] =	sbarrier.arrive $0xFFFF;
	s2 =	simm.s32 @!p0 $0x1C03  }
0x115: {  	[timem:s3], [sflag:s2] =	dma.local @!p0 [hbm:s0], s1  }
0x116: {  	s0 =	simm.s32 @!p0 $0x3  }
0x117: {  	_ =	swait.ge @!p0 [sflag:s0], s1  }
0x118: {  	s1 =	ssub.s32 @!p0 $0x0, s1;
	[sflag:s0] =	ssyncset.done @!p0 $0x0  }
0x119: {  	[sflag:s0] =	ssyncadd.s32 @!p0 s1  }
0x11a: {  	[bflag:$0x3] =	sbarrier.arrive $0xFFFF  }
0x11b: {  	_ =	shalt  }

// kernel: kernel.8.cloned.1.call-start
scs
__scs_entry_jumppad:
0x0: {  	(pc) =	sbr.rel $0x88, $3  }
0x1: {  	(tag) =	ssettag $0x0;
	lr =	simm.s32 $0x1  }
0x2: {  	[smem:$0x3F98] =	sst lr;
	_ =	strace $0xD0000000  }
0x3: {  	_ = 	snop  }
0x4: {  	_ = 	snop  }
0x5: {  	_ = 	snop  }
0x6: {  	_ = 	snop  }
0x7: {  	_ = 	snop  }
__scs_overlays_trampoline_lowered:
0x8: {  	[smem:$0x3FA7] =	sst s0  }
0x9: {  	[smem:$0x3FA8] =	sst s1  }
0xa: {  	[smem:$0x3FA9] =	sst s2  }
0xb: {  	[smem:$0x3FAA] =	sst s3  }
0xc: {  	[smem:$0x3FAB] =	sst s4  }
0xd: {  	[smem:$0x3FAC] =	sst s5  }
0xe: {  	[smem:$0x3FAD] =	sst s6  }
0xf: {  	[smem:$0x3FAE] =	sst s7  }
0x10: {  	[smem:$0x3FAF] =	sst s8  }
0x11: {  	[smem:$0x3FB0] =	sst s9;
	s0 =	simm.s32 @!p0 $0x0  }
0x12: {  	s1 =	sld [smem:$0x3F96];
	s0 =	simm.s32 @p0 $0x1  }
0x13: {  	[smem:$0x3FB1] =	sst s0;
	s0 =	simm.s32 @!p1 $0x0  }
0x14: {  	s2 =	sld [smem:$0x3F95];
	s0 =	simm.s32 @p1 $0x1  }
0x15: {  	[smem:$0x3FB2] =	sst s0;
	s0 =	simm.s32 @!p2 $0x0  }
0x16: {  	s3 =	sld [smem:$0x3FDB];
	s0 =	simm.s32 @p2 $0x1  }
0x17: {  	s4 =	simm.s32 $0x1BF5;
	[smem:$0x3FB4] =	sst s0  }
0x18: {  	s0 =	sld [smem:$0x3F97];
	_ =	swait.ge [sflag:s4], $0x0  }
0x19: {  	s7 =	sld [smem:$0x3F98]  }
0x1a: {  	s8 =	sadd.s32 $0xFFFFE003, lr  }
0x1b: {  	s9 =	sadd.s32 $0xFFFFFEF7, lr;
	s5 =	simm.s32 $0xFFFFFFFF;
	p2 =	slt.u32 s8, $0xFFFFF086  }
0x1c: {  	p1 =	slt.u32 s9, $0xF7A;
	s5 =	simm.s32 @!p2 $0x0  }
0x1d: {  	s5 =	simm.s32 @p1 $0x1;
	p0 =	seq.s32 s7, s2  }
0x1e: {  	s7 =	smul.u32 @!p0 $0xF7A, s2;
	p2 =	seq.s32 @!p0 s5, $0x0  }
0x1f: {  	s9 =	smul.u32 $0xF7A, s1;
	s8 =	simm.s32 @!p0 $0x1BF5;
	p2 =	por !p2, p0  }
0x20: {  	[sflag:s8] =	ssyncset.s32 @!p0 $0xFFFFF086;
	s6 =	sadd.s32 @!p0 s3, s7;
	s7 =	simm.s32 @!p0 $0x108  }
0x21: {  	s3 =	sadd.s32 s3, s9;
	s6 =	sadd.s32 @!p0 $0x88, s6;
	s7 =	simm.s32 @p2 $0x1082  }
0x22: {  	[simem:s7], [sflag:s8] =	dma.local @!p0 [hbm:s6], $0xF7A  }
0x23: {  	s9 =	sor.u32 $0xD0000000, s2;
	s6 =	simm.s32 $0x108;
	_ =	swait.ge @!p0 [sflag:s8], $0x0  }
0x24: {  	s3 =	sadd.s32 $0x88, s3;
	s6 =	simm.s32 @!p1 $0x1082;
	[sflag:s4] =	ssyncset.s32 $0xFFFFF086  }
0x25: {  	[simem:s6], [sflag:s4] =	dma.local [hbm:s3], $0xF7A  }
0x26: {  	[smem:$0x3F98] =	sst s1;
	(tag) =	ssettag s2;
	_ =	strace s9  }
0x27: {  	s1 =	sld [smem:$0x3FA8]  }
0x28: {  	s2 =	sld [smem:$0x3FA9]  }
0x29: {  	s4 =	sld [smem:$0x3FAB]  }
0x2a: {  	p0 =	seq.s32 s5, $0x0;
	s5 =	sld [smem:$0x3FAC]  }
0x2b: {  	s6 =	sld [smem:$0x3FAD]  }
0x2c: {  	s7 =	sld [smem:$0x3FAE]  }
0x2d: {  	s3 =	simm.s32 $0x108;
	s8 =	sld [smem:$0x3FAF]  }
0x2e: {  	s3 =	simm.s32 @!p0 $0x1082;
	s9 =	sld [smem:$0x3FB0]  }
0x2f: {  	lr =	sadd.s32 s0, s3;
	s0 =	sld [smem:$0x3FA7]  }
0x30: {  	s3 =	sld [smem:$0x3FAA]  }
0x31: {  	[smem:$0x3FB3] =	sst s10  }
0x32: {  	s10 =	sld [smem:$0x3FB1];
	_ =	sdelay $0x3  }
0x33: {  	p0 =	seq.s32 s10, $0x1;
	s10 =	sld [smem:$0x3FB3];
	_ =	sdelay $0x3  }
0x34: {  	[smem:$0x3FB3] =	sst s10  }
0x35: {  	s10 =	sld [smem:$0x3FB2];
	_ =	sdelay $0x3  }
0x36: {  	p1 =	seq.s32 s10, $0x1;
	s10 =	sld [smem:$0x3FB3];
	_ =	sdelay $0x3  }
0x37: {  	[smem:$0x3FB3] =	sst s10  }
0x38: {  	s10 =	sld [smem:$0x3FB4]  }
0x39: {  	_ = 	snop;
	(pc) =	sbr.ind lr, $3  }
0x3a: {  	_ = 	snop  }
0x3b: {  	_ = 	snop  }
0x3c: {  	p2 =	seq.s32 s10, $0x1;
	s10 =	sld [smem:$0x3FB3]  }
0x3d: {  	_ =	shalt  }
0x3e: {  	_ =	shalt  }
0x3f: {  	_ =	shalt  }
0x40: {  	_ =	shalt  }
0x41: {  	_ =	shalt  }
0x42: {  	_ =	shalt  }
0x43: {  	_ =	shalt  }
0x44: {  	_ =	shalt  }
0x45: {  	_ =	shalt  }
0x46: {  	_ =	shalt  }
0x47: {  	_ =	shalt  }
0x48: {  	_ =	shalt  }
0x49: {  	_ =	shalt  }
0x4a: {  	_ =	shalt  }
0x4b: {  	_ =	shalt  }
0x4c: {  	_ =	shalt  }
0x4d: {  	_ =	shalt  }
0x4e: {  	_ =	shalt  }
0x4f: {  	_ =	shalt  }
0x50: {  	_ =	shalt  }
0x51: {  	_ =	shalt  }
0x52: {  	_ =	shalt  }
0x53: {  	_ =	shalt  }
0x54: {  	_ =	shalt  }
0x55: {  	_ =	shalt  }
0x56: {  	_ =	shalt  }
0x57: {  	_ =	shalt  }
0x58: {  	_ =	shalt  }
0x59: {  	_ =	shalt  }
0x5a: {  	_ =	shalt  }
0x5b: {  	_ =	shalt  }
0x5c: {  	_ =	shalt  }
0x5d: {  	_ =	shalt  }
0x5e: {  	_ =	shalt  }
0x5f: {  	_ =	shalt  }
0x60: {  	_ =	shalt  }
0x61: {  	_ =	shalt  }
0x62: {  	_ =	shalt  }
0x63: {  	_ =	shalt  }
0x64: {  	_ =	shalt  }
0x65: {  	_ =	shalt  }
0x66: {  	_ =	shalt  }
0x67: {  	_ =	shalt  }
0x68: {  	_ =	shalt  }
0x69: {  	_ =	shalt  }
0x6a: {  	_ =	shalt  }
0x6b: {  	_ =	shalt  }
0x6c: {  	_ =	shalt  }
0x6d: {  	_ =	shalt  }
0x6e: {  	_ =	shalt  }
0x6f: {  	_ =	shalt  }
0x70: {  	_ =	shalt  }
0x71: {  	_ =	shalt  }
0x72: {  	_ =	shalt  }
0x73: {  	_ =	shalt  }
0x74: {  	_ =	shalt  }
0x75: {  	_ =	shalt  }
0x76: {  	_ =	shalt  }
0x77: {  	_ =	shalt  }
0x78: {  	_ =	shalt  }
0x79: {  	_ =	shalt  }
0x7a: {  	_ =	shalt  }
0x7b: {  	_ =	shalt  }
0x7c: {  	_ =	shalt  }
0x7d: {  	_ =	shalt  }
0x7e: {  	_ =	shalt  }
0x7f: {  	_ =	shalt  }
0x80: {  	_ =	shalt  }
0x81: {  	_ =	shalt  }
0x82: {  	_ =	shalt  }
0x83: {  	_ =	shalt  }
0x84: {  	_ =	shalt  }
0x85: {  	_ =	shalt  }
0x86: {  	_ =	shalt  }
0x87: {  	_ =	shalt  }
.Lfunc_end0:
.L_simem_size_0:
called_computation_lowered:
.L_overlay_start_0:
0x88: {  	s2 =	sld [smem:$0x3FD9]  }
0x89: {  	s3 =	sld [smem:$0x3FFE];
	_ =	sdelay $0x1  }
0x8a: {  	s1 =	srdreg.scid  }
0x8b: {  	s0 =	sand.u32 $0x1, s1  }
0x8c: {  	s17 =	sshll.u32 s0, $0xA;
	s2 =	sadd.s32 s3, s2  }
0x8d: {  	s2 =	sadd.s32 s2, s17  }
0x8e: {  	[smem:$0x3FBF] =	sst s2  }
0x8f: {  	_ = 	snop  }
0x90: {  	s18 =	sld [smem:$0x3FD0];
	(tm) =	ssettm $0x1  }
0x91: {  	s19 =	sld [smem:$0x3FFB];
	_ =	sdelay $0x3  }
0x92: {  	_ =	strace s19  }
0x93: {  	s2 =	sld [smem:$0x3FFC];
	_ =	sdelay $0x3  }
0x94: {  	_ =	strace s2  }
0x95: {  	s2 =	sld [smem:$0x3FFD];
	_ =	sdelay $0x3  }
0x96: {  	_ =	strace s2  }
0x97: {  	_ =	strace $0x8FFFFFFF  }
0x98: {  	s20 =	sld [smem:$0x3FDB];
	_ =	sdelay $0x1  }
0x99: {  	s4 =	simm.s32 $_scs_section_size  }
0x9a: {  	s5 =	simm.s32 $_size__tile_overlayer_lowered;
	s6 =	simm.s32 $_tile_overlayer_lowered  }
0x9b: {  	s7 =	simm.s32 $0x1BFF;
	s21 =	sshll.u32 s6, $0x1;
	s4 =	sadd.s32 s4, s20  }
0x9c: {  	s22 =	simm.s32 $0x0;
	s5 =	sshll.u32 s5, $0x1;
	s6 =	sadd.s32 s21, s4  }
0x9d: {  	[timem:s22], [sflag:s7] =	dma.local [hbm:s6], s5  }
0x9e: {  	_ =	swait.ge [sflag:s7], s5  }
0x9f: {  	s5 =	ssub.s32 $0x0, s5;
	[sflag:s7] =	ssyncset.done $0x0  }
0xa0: {  	[sflag:s7] =	ssyncadd.s32 s5;
	_ =	sdelay $0x1  }
0xa1: {  	s23 =	simm.s32 $0x1B8B  }
0xa2: {  	_ =	swait.ge [sflag:s23], $0x1  }
0xa3: {  	[sflag:s23] =	ssyncset.done $0x0  }
0xa4: {  	[sflag:s23] =	ssyncadd.s32 $0xFFFFFFFF  }
0xa5: {  	s5 =	sld [smem:$0x0]  }
0xa6: {  	s6 =	sand.u32 $0xFFFFFFFE, s1  }
0xa7: {  	p0 =	sne.s32 s1, s6  }
0xa8: {  	s6 =	sshll.u32 @p0 s6, $0xE  }
0xa9: {  	s6 =	sadd.s32 @p0 $0x11B8D, s6;
	s7 =	sshll.u32 @p0 s5, $0x11  }
0xaa: {  	s6 =	sor.u32 @p0 s7, s6  }
0xab: {  	[sflag:s6] =	ssyncadd.remote.s32 @p0 $0x1;
	_ =	sdelay $0x1  }
0xac: {  	s6 =	simm.s32 @p0 $0x1B8D  }
0xad: {  	_ =	swait.eq @p0 [sflag:s6], $0x1  }
0xae: {  	[sflag:s6] =	ssyncadd.s32 @p0 $0xFFFFFFFF  }
0xaf: {  	s7 =	sshll.u32 @!p0 s1, $0xE  }
0xb0: {  	s7 =	sor.u32 @!p0 $0x4000, s7;
	s6 =	simm.s32 @!p0 $0x1B8D  }
0xb1: {  	s5 =	sshll.u32 @!p0 s5, $0x11;
	s7 =	sadd.s32 @!p0 $0x11B8D, s7;
	_ =	swait.eq @!p0 [sflag:s6], $0x1  }
0xb2: {  	s5 =	sor.u32 @!p0 s5, s7;
	[sflag:s6] =	ssyncadd.s32 @!p0 $0xFFFFFFFF  }
0xb3: {  	s25 =	simm.s32 $0x1B8E;
	s24 =	sld [smem:$0x3FFE];
	[sflag:s5] =	ssyncadd.remote.s32 @!p0 $0x1  }
0xb4: {  	s26 =	simm.s32 $execute0_lowered;
	[smem:$0x3FD2] =	sst s25  }
0xb5: {  	s6 =	sshll.u32 s26, $0x1;
	_ =	strace $0x80000049;
	[dreg:$0x1] =	wrdreg $0xFFFFFFFF  }
0xb6: {  	s28 =	simm.s32 $_size_execute0_lowered;
	s4 =	sadd.s32 s4, s6;
	[dreg:$0x0] =	wrdreg $0x0  }
0xb7: {  	s6 =	sshll.u32 s28, $0x1;
	[dreg:$0x2] =	wrdreg s4  }
0xb8: {  	[dreg:$0x3] =	wrdreg s6  }
0xb9: {  	[dreg:$0x4] =	wrdreg $0xC0  }
0xba: {  	_ =	task [dreg:s22], $0x5FFFF  }
0xbb: {  	[dreg:$0x1] =	wrdreg $0xFFFFFFFF  }
0xbc: {  	[dreg:$0x0] =	wrdreg $0x60  }
0xbd: {  	[dreg:$0x2] =	wrdreg s24  }
0xbe: {  	[dreg:$0x3] =	wrdreg s18  }
0xbf: {  	[dreg:$0x4] =	wrdreg $0x9  }
0xc0: {  	_ =	task.clear_ibuf [dreg:s22], $0x5FFFF;
	_ =	strace $0x90000049  }
0xc1: {  	s29 =	simm.s32 $0x9;
	_ =	strace $0x8000004B  }
0xc2: {  	_ =	swait.ge [sflag:s29], $0x1  }
0xc3: {  	[sflag:s29] =	ssyncadd.s32 $0xFFFFFFFF  }
0xc4: {  	_ =	strace $0x9000004B  }
0xc5: {  	_ =	sfence  }
0xc6: {  	s30 =	sld [smem:$0x0];
	_ =	sdelay $0x2  }
0xc7: {  	s31 =	sshll.u32 s1, $0xD;
	s1 =	sshrl.u32 s1, $0x2  }
0xc8: {  	s4 =	sand.u32 $0x4000, s31;
	s1 =	sadd.s32 s1, s30  }
0xc9: {  	s0 =	sor.u32 s4, s0;
	s1 =	sshll.u32 s1, $0x11  }
0xca: {  	s0 =	sor.u32 s1, s0  }
0xcb: {  	s0 =	sadd.s32 $0x8F2B, s0  }
0xcc: {  	[sflag:s0] =	ssyncadd.remote.s32 $0x1  }
0xcd: {  	_ =	sfence.sel $0xFFFF  }
0xce: {  	[dreg:$0x0] =	wrdreg $0xFFFFFFFF;
	(pc) =	sbr.abs _section_cstart, $3  }
0xcf: {  	[dreg:$0x1] =	wrdreg $0xFFFFFFFF  }
0xd0: {  	_ =	task.clear_ibuf [dreg:s22], $0x2FFFF;
	_ =	strace $0x9FFFFFFF  }
0xd1: {  	(tm) =	ssettm $0x7FFFFFFF  }
tec
execute0_lowered:
.L_overlay_start_1:
0x0: {  	(tag) =	ssettag $0x1  }
0x1: {  	s3 =	rddreg [dreg:$0x0]  }
0x2: {  	s6 =	rddreg [dreg:$0x1]  }
0x3: {  	s0 =	rddreg [dreg:$0x2]  }
0x4: {  	s1 =	simm.s32 $0x0;
	s4 =	srdreg.scid;
	s10 =	simm.s32 $0x200  }
0x5: {  	s12 =	simm.s32 $0x13A80;
	s13 =	simm.s32 $0x0;
	[smem:$0x7FF] =	sst s1  }
0x6: {  	s2 =	sadd.s32 $0xBDA00, s3;
	s8 =	sand.u32 $0x1, s4;
	s4 =	sadd.s32 $0xB3C00, s3  }
0x7: {  	s5 =	sadd.s32 $0xB19400, s3;
	s7 =	ssub.s32 $0x2, s8;
	s11 =	smul.u32 $0x2710, s8  }
0x8: {  	s3 =	stileid.u32;
	_ =	strace $0x8000004A;
	s9 =	sshrl.u32 s7, $0x1  }
0x9: {  	v2 =	vlaneseq.u32;
	s8 =	smul.u32 $0x2710000, s8;
	s9 =	ssub.s32 s7, s9;
	s6 =	sadd.s32 s6, s11  }
0xa: {  	v1 =	vimm.f32 $0.0e+00;
	v2 =	vmul.u32 $0x80, v2;
	s7 =	smul.u32 $0x4E20, s3;
	v0 =	vmov s11;
	s11 =	simm.s32 $0x1;
	s9 =	smax.u32 s9, $0x1  }
.LBB2_1:
0xb: {  	[tilespmem:s10], [sflag:$0x1] =	stream.linear.gather [hbm4b:s6+s1], $0x13880, $0x38;
	[tilespmem:$0x18A80] =	vst v63  }
0xc: {  	_ =	swait.ge [sflag:s11], $0x13880  }
0xd: {  	[sflag:s11] =	ssyncset.done $0x0  }
0xe: {  	s14 =	simm.s32 $0x200;
	s15 =	simm.s32 $0x0;
	[sflag:s11] =	ssyncadd.s32 $0xFFFEC780  }
.LBB2_2:
0xf: {  	p0 =	sne.s32 s14, $0x13E00;
	[tilespmem:s15+$0x13A80] =	vst v1;
	s15 =	smov.u32 s14;
	s14 =	sadd.s32 $0x200, s14  }
.Ltmp0:
0x10: {  	(pc) =	sbr.rel @p0 .LBB2_2-.Ltmp0, $2  }
0x11: {  	_ =	sdelay $0x2  }
0x12: {  	s15 =	sshra.s32 s15, $0x2  }
0x13: {  	[tilespmem:s15+$0x13A80] =	vst v1;
	s14 =	simm.s32 $0x0;
	s15 =	simm.s32 $0x0  }
.LBB2_4:
0x14: {  	s16 =	smul.u32 $0xA0, s15;
	_ =	sdelay $0x1  }
0x15: {  	s16 =	sadd.s32 s7, s16  }
0x16: {  	s17 =	sshrl.u32 s16, $0x3  }
0x17: {  	s18 =	sadd.s32 s2, s17  }
0x18: {  	[tilespmem:s14], [sflag:$0x1] =	stream.linear.gather [hbm4b:s18+s14], $0xA0, $0x38;
	[tilespmem:$0x18A80] =	vst v63  }
0x19: {  	_ =	swait.ge [sflag:s11], $0xA0  }
0x1a: {  	[sflag:s11] =	ssyncset.done $0x0  }
0x1b: {  	s31 =	sadd.s32 s4, s17;
	s17 =	simm.s32 $0x100;
	[sflag:s11] =	ssyncadd.s32 $0xFFFFFF60  }
0x1c: {  	[tilespmem:s17], [sflag:$0x1] =	stream.linear.gather [hbm4b:s31+s14], $0xA0, $0x38;
	[tilespmem:$0x18A80] =	vst v63  }
0x1d: {  	_ =	swait.ge [sflag:s11], $0xA0  }
0x1e: {  	[sflag:s11] =	ssyncset.done $0x0  }
0x1f: {  	[sflag:s11] =	ssyncadd.s32 $0xFFFFFF60  }
0x20: {  	v6 =	vld [tilespmem:s17+$0x0]  }
0x21: {  	v3 =	vld [tilespmem:s14+$0x0];
	_ =	sdelay $0x4  }
0x22: {  	v4 =	vshll.u32 v6, $0x3;
	v7 =	vshll.u32 v3, $0x3  }
0x23: {  	v5 =	vor.u32 $0x4, v4;
	_ =	sdelay $0x3  }
0x24: {  	v8 =	vld.idx.msk [tilespmem:v7+s10+$0x0], $0xffff  }
0x25: {  	v5 =	vld.idx.msk [tilespmem:v5+s10+$0x0], $0xffff;
	_ =	sdelay $0x4  }
0x26: {  	v5 =	vadd.f32 v5, v8;
	_ =	sdelay $0x1  }
0x27: {  	v8 =	vmul.f32 $2.000000030e-01, v5;
	_ =	sdelay $0x1  }
0x28: {  	v5 =	vmax.f32 v5, v8  }
0x29: {  	v5 =	vsub.f32 $0.0e+00, v5;
	_ =	sdelay $0x1  }
0x2a: {  	v5 =	vmul.f32 $1.442695020e+00, v5;
	_ =	sdelay $0x1  }
0x2b: {  	(erf) = vpow2.f32 v5;
	_ =	sdelay $0x2  }
0x2c: {  	v5 =	vmov s14  }
0x2d: {  	v5 =	vshll.u32 v5, $0x7  }
0x2e: {  	v12 =	vor.u32 v2, v5  }
0x2f: {  	v5 =	vor.u32 $0x1, v7  }
0x30: {  	v8 =	vor.u32 $0x5, v4;
	_ =	sdelay $0x1  }
0x31: {  	v9 =	vpop (erf)  }
0x32: {  	[tilespmem:v12+s12+$0x0] =	vst.idx.msk $0xffff, v9  }
0x33: {  	v5 =	vld.idx.msk [tilespmem:v5+s10+$0x0], $0xffff  }
0x34: {  	v8 =	vld.idx.msk [tilespmem:v8+s10+$0x0], $0xffff;
	_ =	sdelay $0x4  }
0x35: {  	v5 =	vadd.f32 v8, v5;
	_ =	sdelay $0x1  }
0x36: {  	v8 =	vmul.f32 $2.000000030e-01, v5;
	_ =	sdelay $0x1  }
0x37: {  	v5 =	vmax.f32 v5, v8  }
0x38: {  	v5 =	vsub.f32 $0.0e+00, v5;
	_ =	sdelay $0x1  }
0x39: {  	v5 =	vmul.f32 $1.442695020e+00, v5;
	_ =	sdelay $0x1  }
0x3a: {  	(erf) = vpow2.f32 v5;
	_ =	sdelay $0x4  }
0x3b: {  	v5 =	vor.u32 $0x1, v12  }
0x3c: {  	v8 =	vor.u32 $0x2, v7  }
0x3d: {  	v9 =	vor.u32 $0x6, v4;
	_ =	sdelay $0x1  }
0x3e: {  	v10 =	vpop (erf)  }
0x3f: {  	[tilespmem:v5+s12+$0x0] =	vst.idx.msk $0xffff, v10  }
0x40: {  	v5 =	vld.idx.msk [tilespmem:v8+s10+$0x0], $0xffff  }
0x41: {  	v8 =	vld.idx.msk [tilespmem:v9+s10+$0x0], $0xffff;
	_ =	sdelay $0x4  }
0x42: {  	v5 =	vadd.f32 v8, v5;
	_ =	sdelay $0x1  }
0x43: {  	v8 =	vmul.f32 $2.000000030e-01, v5;
	_ =	sdelay $0x1  }
0x44: {  	v5 =	vmax.f32 v5, v8  }
0x45: {  	v5 =	vsub.f32 $0.0e+00, v5;
	_ =	sdelay $0x1  }
0x46: {  	v5 =	vmul.f32 $1.442695020e+00, v5;
	_ =	sdelay $0x1  }
0x47: {  	(erf) = vpow2.f32 v5;
	_ =	sdelay $0x4  }
0x48: {  	v5 =	vor.u32 $0x2, v12  }
0x49: {  	v7 =	vor.u32 $0x3, v7  }
0x4a: {  	v4 =	vor.u32 $0x7, v4;
	_ =	sdelay $0x1  }
0x4b: {  	v8 =	vpop (erf)  }
0x4c: {  	[tilespmem:v5+s12+$0x0] =	vst.idx.msk $0xffff, v8  }
0x4d: {  	v5 =	vld.idx.msk [tilespmem:v7+s10+$0x0], $0xffff  }
0x4e: {  	v4 =	vld.idx.msk [tilespmem:v4+s10+$0x0], $0xffff;
	_ =	sdelay $0x4  }
0x4f: {  	v4 =	vadd.f32 v4, v5;
	_ =	sdelay $0x1  }
0x50: {  	v5 =	vmul.f32 $2.000000030e-01, v4;
	_ =	sdelay $0x1  }
0x51: {  	v4 =	vmax.f32 v4, v5  }
0x52: {  	v4 =	vsub.f32 $0.0e+00, v4;
	_ =	sdelay $0x1  }
0x53: {  	v4 =	vmul.f32 $1.442695020e+00, v4;
	_ =	sdelay $0x1  }
0x54: {  	(erf) = vpow2.f32 v4;
	_ =	sdelay $0x4  }
0x55: {  	v11 =	vor.u32 $0x3, v12  }
0x56: {  	v10 =	vor.u32 $0x4, v12  }
0x57: {  	v8 =	vor.u32 $0x5, v12  }
0x58: {  	v6 =	vadd.s32 v0, v6;
	v9 =	vor.u32 $0x6, v12  }
0x59: {  	s19 =	simm.s32 $0x0;
	s18 =	simm.s32 $0x10;
	v7 =	vor.u32 $0x7, v12;
	v5 =	vshll.u32 v3, $0x4;
	v4 =	vshrl.u32 v3, $0x3;
	v12 =	vpop (erf)  }
.LBB2_5:
0x5a: {  	p0 =	sne.s32 s18, $0x90;
	[tilespmem:v11+s12+$0x0] =	vst.idx.msk $0xffff, v12;
	s19 =	sadd.s32 $0x10, s19;
	s17 =	sadd.s32 $0x10, s17  }
0x5b: {  	v5 =	vand.u32 $0x70, v5;
	s20 =	smov.u32 s18;
	s18 =	sadd.s32 $0x10, s18;
	[tilespmem:v10+s12+$0x0] =	vst.idx.msk $0xffff, v6  }
0x5c: {  	[tilespmem:v8+s12+$0x0] =	vst.idx.msk $0xffff, v4  }
0x5d: {  	[tilespmem:v9+s12+$0x0] =	vst.idx.msk $0xffff, v5  }
0x5e: {  	[tilespmem:v7+s12+$0x0] =	vst.idx.msk $0xffff, v3  }
0x5f: {  	v6 =	vld [tilespmem:s17+$0x0]  }
0x60: {  	v3 =	vld [tilespmem:s19+$0x0];
	_ =	sdelay $0x3  }
0x61: {  	v7 =	vshll.u32 v6, $0x3  }
0x62: {  	v8 =	vshll.u32 v3, $0x3;
	v9 =	vor.u32 $0x4, v7;
	v4 =	vshrl.u32 v3, $0x3  }
0x63: {  	v5 =	vshll.u32 v3, $0x4;
	_ =	sdelay $0x3  }
0x64: {  	v9 =	vld.idx.msk [tilespmem:v9+s10+$0x0], $0xffff  }
0x65: {  	v10 =	vld.idx.msk [tilespmem:v8+s10+$0x0], $0xffff;
	_ =	sdelay $0x5  }
0x66: {  	v9 =	vadd.f32 v9, v10;
	_ =	sdelay $0x1  }
0x67: {  	v10 =	vmul.f32 $2.000000030e-01, v9;
	_ =	sdelay $0x1  }
0x68: {  	v9 =	vmax.f32 v9, v10  }
0x69: {  	v9 =	vsub.f32 $0.0e+00, v9;
	_ =	sdelay $0x1  }
0x6a: {  	v9 =	vmul.f32 $1.442695020e+00, v9;
	_ =	sdelay $0x1  }
0x6b: {  	(erf) = vpow2.f32 v9;
	_ =	sdelay $0x2  }
0x6c: {  	v9 =	vmov s20  }
0x6d: {  	v9 =	vshll.u32 v9, $0x7  }
0x6e: {  	v12 =	vor.u32 v2, v9  }
0x6f: {  	v9 =	vor.u32 $0x1, v8  }
0x70: {  	v10 =	vor.u32 $0x5, v7;
	_ =	sdelay $0x1  }
0x71: {  	v11 =	vpop (erf)  }
0x72: {  	[tilespmem:v12+s12+$0x0] =	vst.idx.msk $0xffff, v11  }
0x73: {  	v9 =	vld.idx.msk [tilespmem:v9+s10+$0x0], $0xffff  }
0x74: {  	v10 =	vld.idx.msk [tilespmem:v10+s10+$0x0], $0xffff;
	_ =	sdelay $0x5  }
0x75: {  	v9 =	vadd.f32 v10, v9;
	_ =	sdelay $0x1  }
0x76: {  	v10 =	vmul.f32 $2.000000030e-01, v9;
	_ =	sdelay $0x1  }
0x77: {  	v9 =	vmax.f32 v9, v10  }
0x78: {  	v9 =	vsub.f32 $0.0e+00, v9;
	_ =	sdelay $0x1  }
0x79: {  	v9 =	vmul.f32 $1.442695020e+00, v9;
	_ =	sdelay $0x1  }
0x7a: {  	(erf) = vpow2.f32 v9;
	_ =	sdelay $0x4  }
0x7b: {  	v9 =	vor.u32 $0x1, v12  }
0x7c: {  	v10 =	vor.u32 $0x2, v8  }
0x7d: {  	v11 =	vor.u32 $0x6, v7;
	_ =	sdelay $0x1  }
0x7e: {  	v13 =	vpop (erf)  }
0x7f: {  	[tilespmem:v9+s12+$0x0] =	vst.idx.msk $0xffff, v13  }
0x80: {  	v9 =	vld.idx.msk [tilespmem:v10+s10+$0x0], $0xffff  }
0x81: {  	v10 =	vld.idx.msk [tilespmem:v11+s10+$0x0], $0xffff;
	_ =	sdelay $0x5  }
0x82: {  	v9 =	vadd.f32 v10, v9;
	_ =	sdelay $0x1  }
0x83: {  	v10 =	vmul.f32 $2.000000030e-01, v9;
	_ =	sdelay $0x1  }
0x84: {  	v9 =	vmax.f32 v9, v10  }
0x85: {  	v9 =	vsub.f32 $0.0e+00, v9;
	_ =	sdelay $0x1  }
0x86: {  	v9 =	vmul.f32 $1.442695020e+00, v9;
	_ =	sdelay $0x1  }
0x87: {  	(erf) = vpow2.f32 v9;
	_ =	sdelay $0x4  }
0x88: {  	v9 =	vor.u32 $0x2, v12  }
0x89: {  	v7 =	vor.u32 $0x7, v7;
	v8 =	vor.u32 $0x3, v8;
	_ =	sdelay $0x2  }
0x8a: {  	v10 =	vpop (erf)  }
0x8b: {  	[tilespmem:v9+s12+$0x0] =	vst.idx.msk $0xffff, v10  }
0x8c: {  	v8 =	vld.idx.msk [tilespmem:v8+s10+$0x0], $0xffff  }
0x8d: {  	v7 =	vld.idx.msk [tilespmem:v7+s10+$0x0], $0xffff;
	_ =	sdelay $0x5  }
0x8e: {  	v7 =	vadd.f32 v7, v8;
	_ =	sdelay $0x1  }
0x8f: {  	v8 =	vmul.f32 $2.000000030e-01, v7;
	_ =	sdelay $0x1  }
0x90: {  	v7 =	vmax.f32 v7, v8  }
0x91: {  	v7 =	vsub.f32 $0.0e+00, v7;
	_ =	sdelay $0x1  }
0x92: {  	v7 =	vmul.f32 $1.442695020e+00, v7;
	_ =	sdelay $0x1  }
0x93: {  	(erf) = vpow2.f32 v7;
	_ =	sdelay $0x3  }
0x94: {  	v11 =	vor.u32 $0x3, v12  }
.Ltmp1:
0x95: {  	v10 =	vor.u32 $0x4, v12;
	(pc) =	sbr.rel @p0 .LBB2_5-.Ltmp1, $4  }
0x96: {  	v8 =	vor.u32 $0x5, v12  }
0x97: {  	v9 =	vor.u32 $0x6, v12  }
0x98: {  	v7 =	vor.u32 $0x7, v12  }
0x99: {  	v6 =	vadd.s32 v0, v6;
	v12 =	vpop (erf)  }
0x9a: {  	_ =	sdelay $0x3  }
0x9b: {  	[tilespmem:v11+s12+$0x0] =	vst.idx.msk $0xffff, v12  }
0x9c: {  	s16 =	sshll.u32 s16, $0x7;
	[tilespmem:v10+s12+$0x0] =	vst.idx.msk $0xffff, v6  }
0x9d: {  	v5 =	vand.u32 $0x70, v5;
	s15 =	sadd.s32 $0x1, s15;
	s16 =	sadd.s32 s8, s16;
	[tilespmem:v8+s12+$0x0] =	vst.idx.msk $0xffff, v4  }
0x9e: {  	p0 =	sne.s32 s15, $0x7D;
	s16 =	sshrl.u32 s16, $0x3;
	[tilespmem:v9+s12+$0x0] =	vst.idx.msk $0xffff, v5  }
.Ltmp2:
0x9f: {  	s16 =	sadd.s32 s5, s16;
	[tilespmem:v7+s12+$0x0] =	vst.idx.msk $0xffff, v3;
	(pc) =	sbr.rel @p0 .LBB2_4-.Ltmp2, $4  }
0xa0: {  	[hbm4b:s16+s1] =	stream.linear.scatter [tilespmem:s12], [sflag:$0x1], $0x5000, $0x38;
	[tilespmem:$0x18A80] =	vst v63  }
0xa1: {  	_ =	swait.ge [sflag:s11], $0x5000  }
0xa2: {  	[sflag:s11] =	ssyncset.done $0x0  }
0xa3: {  	[sflag:s11] =	ssyncadd.s32 $0xFFFFB000  }
0xa4: {  	s13 =	sadd.s32 $0x1, s13  }
0xa5: {  	p0 =	sne.s32 s13, s9  }
.Ltmp3:
0xa6: {  	_ = 	snop;
	(pc) =	sbr.rel @p0 .LBB2_1-.Ltmp3, $1  }
0xa7: {  	_ =	sdelay $0x3  }
0xa8: {  	_ =	sfence.sel $0x180000  }
0xa9: {  	[bflag:$0x0] =	sbarrier.arrive $0xFFFF  }
0xaa: {  	p0 =	sne.s32 s3, $0x0;
	_ =	strace $0x9000004A  }
0xab: {  	s0 =	sadd.s32 @!p0 $0x100000, s0;
	[bflag:$0x2] =	sbarrier.arrive $0xFFFF  }
0xac: {  	[sflag:s0] =	ssyncadd.tile.s32 @!p0 $0x1;
	_ =	shalt  }
.Lfunc_end2:
_tile_overlayer_lowered:
.L_overlay_start_2:
0xad: {  	(tag) =	ssettag $0x2  }
0xae: {  	s0 =	rddreg [dreg:$0x0];
	s2 =	stileid.u32  }
0xaf: {  	s1 =	rddreg [dreg:$0x1];
	p0 =	sne.s32 s2, $0x0  }
0xb0: {  	s3 =	rddreg [dreg:$0x2];
	[bflag:$0x3] =	sbarrier.arrive $0xFFFF;
	s2 =	simm.s32 @!p0 $0x1C01  }
0xb1: {  	[timem:s3], [sflag:s2] =	dma.local @!p0 [hbm:s0], s1  }
0xb2: {  	s0 =	simm.s32 @!p0 $0x1  }
0xb3: {  	_ =	swait.ge @!p0 [sflag:s0], s1  }
0xb4: {  	s1 =	ssub.s32 @!p0 $0x0, s1;
	[sflag:s0] =	ssyncset.done @!p0 $0x0  }
0xb5: {  	[sflag:s0] =	ssyncadd.s32 @!p0 s1  }
0xb6: {  	[bflag:$0x3] =	sbarrier.arrive $0xFFFF  }
0xb7: {  	_ =	shalt  }

</sc_bundles>
